<compile_context>
chip_gen: v7x
topology: tpu7x:2x2x1
jax: 0.10.2.dev20260603
libtpu: 0.0.44.dev20260713+nightly
codegen_flags: <defaults>
</compile_context>

<pallas_src>
import functools

import jax
import jax.numpy as jnp
from jax import lax
from jax.experimental import pallas as pl
from jax.experimental.pallas import tpu as pltpu
from jax.experimental.pallas import tpu_sc as plsc

_NW = 32
_CHUNK = 125
_NSUB = 16


def _tc_dual_matmul(x, Wa, Wb):
    n, d = x.shape
    f = Wa.shape[1]
    bn = 1000
    assert n % bn == 0

    def body(x_ref, wa_ref, wb_ref, ya_ref, yb_ref):
        xv = x_ref[...]
        ya_ref[...] = jnp.dot(xv, wa_ref[...], preferred_element_type=jnp.float32)
        yb_ref[...] = jnp.dot(xv, wb_ref[...], preferred_element_type=jnp.float32)

    return pl.pallas_call(
        body,
        grid=(n // bn,),
        in_specs=[
            pl.BlockSpec((bn, d), lambda i: (i, 0)),
            pl.BlockSpec((d, f), lambda i: (0, 0)),
            pl.BlockSpec((d, f), lambda i: (0, 0)),
        ],
        out_specs=[
            pl.BlockSpec((bn, f), lambda i: (i, 0)),
            pl.BlockSpec((bn, f), lambda i: (i, 0)),
        ],
        out_shape=[
            jax.ShapeDtypeStruct((n, f), jnp.float32),
            jax.ShapeDtypeStruct((n, f), jnp.float32),
        ],
    )(x, Wa, Wb)


def _segment_sum_sc(y, edges2d, zeros, nacc, split0):
    n_chunks = edges2d.shape[0] // 2
    f = y.shape[1]
    rows_per_sub = nacc // _NSUB
    nbuf = 8
    look = nbuf // 2
    pw0 = split0 // _NSUB
    pw1 = (n_chunks - split0) // _NSUB
    pwmax = max(pw0, pw1)
    ngroups = pwmax // nbuf
    mesh = plsc.VectorSubcoreMesh(core_axis_name="c", subcore_axis_name="s")

    @functools.partial(
        pl.kernel,
        mesh=mesh,
        compiler_params=pltpu.CompilerParams(use_tc_tiling_on_sc=False),
        out_type=jax.ShapeDtypeStruct((2, nacc, f), jnp.float32),
        scratch_types=[
            pltpu.VMEM((pwmax, _CHUNK), jnp.int32),
            pltpu.VMEM((pwmax, _CHUNK), jnp.int32),
            pltpu.VMEM_SHARED((nacc, f), jnp.float32),
        ]
        + [pltpu.VMEM((_CHUNK, f), jnp.float32)] * nbuf
        + [pltpu.SemaphoreType.DMA] * (2 * nbuf),
    )
    def k(y_hbm, edges_hbm, zero_hbm, out_hbm, src_v, dst_v, acc_sh,
          *rest):
        rows = rest[:nbuf]
        gsem = rest[nbuf:2 * nbuf]
        ssem = rest[2 * nbuf:]
        cid = lax.axis_index("c")
        sid = lax.axis_index("s")
        r0 = sid * rows_per_sub
        pe = jnp.where(cid == 0, pw0, pw1)
        base = jnp.where(cid == 0, sid * pw0, split0 + sid * pw1)
        base2 = jnp.minimum(base, n_chunks - pwmax)
        off = base - base2
        cz = pltpu.async_copy(zero_hbm.at[pl.ds(r0, rows_per_sub)],
                              acc_sh.at[pl.ds(r0, rows_per_sub)], gsem[0])
        cs = pltpu.async_copy(edges_hbm.at[pl.ds(base2, pwmax)], src_v,
                              gsem[1])
        cd = pltpu.async_copy(edges_hbm.at[pl.ds(n_chunks + base2, pwmax)],
                              dst_v, gsem[2])
        cz.wait()
        cs.wait()
        cd.wait()
        plsc.subcore_barrier()
        y_r = y_hbm

        def gather_start(ki, b):
            @pl.when(ki < pe)
            def _():
                pltpu.async_copy(y_r.at[src_v.at[off + ki]], rows[b],
                                 gsem[b])

        def gather_wait(ki, b):
            @pl.when(ki < pe)
            def _():
                pltpu.make_async_copy(y_r.at[src_v.at[off + ki]], rows[b],
                                      gsem[b]).wait()

        def scat_start(ki, b):
            @pl.when(ki < pe)
            def _():
                pltpu.async_copy(rows[b], acc_sh.at[dst_v.at[off + ki]],
                                 ssem[b], add=True)

        def scat_wait(ki, b):
            @pl.when(ki < pe)
            def _():
                pltpu.make_async_copy(rows[b], acc_sh.at[dst_v.at[off + ki]],
                                      ssem[b]).wait()

        for b in range(look):
            gather_start(b, b)
        for b in range(nbuf):
            gather_wait(b, b)
            scat_start(b, b)
            b2 = (b + look) % nbuf
            if b >= look:
                scat_wait(b - look, b2)
            gather_start(look + b, b2)

        def body(g, carry):
            for b in range(nbuf):
                ki = g * nbuf + b
                gather_wait(ki, b)
                scat_start(ki, b)
                b2 = (b + look) % nbuf
                scat_wait(ki - look, b2)
                gather_start(ki + look, b2)
            return carry

        lax.fori_loop(1, ngroups, body, 0)
        for b in range(look, nbuf):
            scat_wait(pwmax - nbuf + b, b)
        plsc.subcore_barrier()
        pltpu.sync_copy(acc_sh.at[pl.ds(r0, rows_per_sub)],
                        out_hbm.at[cid, pl.ds(r0, rows_per_sub)])

    return k(y, edges2d, zeros)


def _tc_mid(agg, r1, b1, W2rel_p, W2root_p, b2_p, n):
    f = agg.shape[2]
    bn = 1000

    def body(agg_ref, r1_ref, b1_ref, wrel_ref, wroot_ref, b2_ref,
             y2_ref, r2_ref):
        h = jnp.maximum(
            agg_ref[0] + agg_ref[1] + b1_ref[...] + r1_ref[...], 0.0)
        y2_ref[...] = jnp.dot(h, wrel_ref[...],
                              preferred_element_type=jnp.float32)
        r2_ref[...] = jnp.dot(h, wroot_ref[...],
                              preferred_element_type=jnp.float32) + b2_ref[...]

    return pl.pallas_call(
        body,
        grid=(n // bn,),
        in_specs=[
            pl.BlockSpec((2, bn, f), lambda i: (0, i, 0)),
            pl.BlockSpec((bn, f), lambda i: (i, 0)),
            pl.BlockSpec((1, f), lambda i: (0, 0)),
            pl.BlockSpec((f, f), lambda i: (0, 0)),
            pl.BlockSpec((f, f), lambda i: (0, 0)),
            pl.BlockSpec((1, f), lambda i: (0, 0)),
        ],
        out_specs=[
            pl.BlockSpec((bn, f), lambda i: (i, 0)),
            pl.BlockSpec((bn, f), lambda i: (i, 0)),
        ],
        out_shape=[
            jax.ShapeDtypeStruct((n, f), jnp.float32),
            jax.ShapeDtypeStruct((n, f), jnp.float32),
        ],
    )(agg, r1, b1, W2rel_p, W2root_p, b2_p)


def _tc_logsoftmax(agg2, r2, n, c):
    f = r2.shape[1]
    bn = 1000

    def body(agg_ref, r2_ref, o_ref):
        logits = agg_ref[0] + agg_ref[1] + r2_ref[...]
        col = lax.broadcasted_iota(jnp.int32, logits.shape, 1)
        valid = col < c
        masked = jnp.where(valid, logits, -jnp.inf)
        m = jnp.max(masked, axis=1, keepdims=True)
        ex = jnp.where(valid, jnp.exp(logits - m), 0.0)
        s = jnp.sum(ex, axis=1, keepdims=True)
        o_ref[...] = (logits - m - jnp.log(s))[:, :c]

    return pl.pallas_call(
        body,
        grid=(n // bn,),
        in_specs=[
            pl.BlockSpec((2, bn, f), lambda i: (0, i, 0)),
            pl.BlockSpec((bn, f), lambda i: (i, 0)),
        ],
        out_specs=pl.BlockSpec((bn, c), lambda i: (i, 0)),
        out_shape=jax.ShapeDtypeStruct((n, c), jnp.float32),
    )(agg2, r2)


def kernel(x, edge_index, W1_rel, b1, W1_root, W2_rel, b2, W2_root):
    n, d = x.shape
    e = edge_index.shape[1]
    h = W1_rel.shape[1]
    c = W2_rel.shape[1]
    nacc = -(-n // (_NSUB * 8)) * (_NSUB * 8)

    n_chunks = e // _CHUNK
    split0 = (n_chunks * 55 // 100) // 256 * 256
    edges2d = edge_index.reshape(2 * n_chunks, _CHUNK)
    zeros = jnp.zeros((nacc, h), jnp.float32)

    W2rel_p = jnp.zeros((h, h), jnp.float32).at[:, :c].set(W2_rel)
    W2root_p = jnp.zeros((h, h), jnp.float32).at[:, :c].set(W2_root)
    b1_2d = b1.reshape(1, h)
    b2_p = jnp.zeros((1, h), jnp.float32).at[0, :c].set(b2)

    y1, r1 = _tc_dual_matmul(x, W1_rel, W1_root)
    agg1 = _segment_sum_sc(y1, edges2d, zeros, nacc, split0)
    y2, r2 = _tc_mid(agg1, r1, b1_2d, W2rel_p, W2root_p, b2_p, n)
    agg2 = _segment_sum_sc(y2, edges2d, zeros, nacc, split0)
    return _tc_logsoftmax(agg2, r2, n, c)

# --- scband reference (transcript-rebuilt; emitter-appended) ---
"""Pipeline reference for scband-test-module-73005854097868 (READ-ONLY COPY).

The authoritative reference and input builder live on the scoring server;
editing this copy changes nothing except your own understanding.
"""

import jax, jax.numpy as jnp
import numpy as np

N = 10000
E = 320000
D = 128
H = 16
C = 7


def setup_inputs(seed: int = 0) -> dict:
    key = jax.random.key(seed)
    ks = jax.random.split(key, 9)
    x = jax.random.normal(ks[0], (N, D), dtype=jnp.float32)
    edge_index = jax.random.randint(ks[1], (2, E), 0, N, dtype=jnp.int32)
    # GraphConv layer 1 params: lin_rel (with bias) applied to aggregated neighbors,
    # lin_root (no bias) applied to self features.
    W1_rel = jax.random.normal(ks[2], (D, H), dtype=jnp.float32) * 0.05
    b1 = jnp.zeros((H,), dtype=jnp.float32)
    W1_root = jax.random.normal(ks[3], (D, H), dtype=jnp.float32) * 0.05
    # GraphConv layer 2 params
    W2_rel = jax.random.normal(ks[4], (H, C), dtype=jnp.float32) * 0.05
    b2 = jnp.zeros((C,), dtype=jnp.float32)
    W2_root = jax.random.normal(ks[5], (H, C), dtype=jnp.float32) * 0.05
    return {
        "x": x,
        "edge_index": edge_index,
        "W1_rel": W1_rel,
        "b1": b1,
        "W1_root": W1_root,
        "W2_rel": W2_rel,
        "b2": b2,
        "W2_root": W2_root,
    }


def _graph_conv(x, src, dst, W_rel, b, W_root):
    # PyG GraphConv (aggr='add'): out = lin_rel(sum_{j in N(i)} x_j) + lin_root(x_i)
    msgs = x[src]  # gather source-node features per edge
    agg = jax.ops.segment_sum(msgs, dst, num_segments=N)  # scatter-add to dst nodes
    return agg @ W_rel + b + x @ W_root


def reference(x, edge_index, W1_rel, b1, W1_root, W2_rel, b2, W2_root):
    src = edge_index[0]
    dst = edge_index[1]
    h = jax.nn.relu(_graph_conv(x, src, dst, W1_rel, b1, W1_root))
    out = _graph_conv(h, src, dst, W2_rel, b2, W2_root)
    return jax.nn.log_softmax(out, axis=1)

if __name__ == "__main__":
    import jax
    _d = setup_inputs()
    print(jax.jit(kernel)(*tuple(_d.values())))

</pallas_src>

<mosaic_0001>
#map = affine_map<(d0, d1) -> (0, 0)>
#map1 = affine_map<(d0, d1) -> (0, 0, 0)>
module attributes {stable_mosaic.version = 14 : i64} {
  func.func @k(%arg0: i32, %arg1: i32, %arg2: memref<10000x16xf32, #tpu.memory_space<hbm>>, %arg3: memref<5120x125xi32, #tpu.memory_space<hbm>>, %arg4: memref<10112x16xf32, #tpu.memory_space<hbm>>, %arg5: memref<2x10112x16xf32, #tpu.memory_space<hbm>>, %arg6: memref<80x125xi32, #tpu.memory_space<vmem>>, %arg7: memref<80x125xi32, #tpu.memory_space<vmem>>, %arg8: memref<10112x16xf32, #tpu.memory_space<vmem_shared>>, %arg9: memref<125x16xf32, #tpu.memory_space<vmem>>, %arg10: memref<125x16xf32, #tpu.memory_space<vmem>>, %arg11: memref<125x16xf32, #tpu.memory_space<vmem>>, %arg12: memref<125x16xf32, #tpu.memory_space<vmem>>, %arg13: memref<125x16xf32, #tpu.memory_space<vmem>>, %arg14: memref<125x16xf32, #tpu.memory_space<vmem>>, %arg15: memref<125x16xf32, #tpu.memory_space<vmem>>, %arg16: memref<125x16xf32, #tpu.memory_space<vmem>>, %arg17: memref<!tpu.dma_semaphore, #tpu.memory_space<semaphore_mem>>, %arg18: memref<!tpu.dma_semaphore, #tpu.memory_space<semaphore_mem>>, %arg19: memref<!tpu.dma_semaphore, #tpu.memory_space<semaphore_mem>>, %arg20: memref<!tpu.dma_semaphore, #tpu.memory_space<semaphore_mem>>, %arg21: memref<!tpu.dma_semaphore, #tpu.memory_space<semaphore_mem>>, %arg22: memref<!tpu.dma_semaphore, #tpu.memory_space<semaphore_mem>>, %arg23: memref<!tpu.dma_semaphore, #tpu.memory_space<semaphore_mem>>, %arg24: memref<!tpu.dma_semaphore, #tpu.memory_space<semaphore_mem>>, %arg25: memref<!tpu.dma_semaphore, #tpu.memory_space<semaphore_mem>>, %arg26: memref<!tpu.dma_semaphore, #tpu.memory_space<semaphore_mem>>, %arg27: memref<!tpu.dma_semaphore, #tpu.memory_space<semaphore_mem>>, %arg28: memref<!tpu.dma_semaphore, #tpu.memory_space<semaphore_mem>>, %arg29: memref<!tpu.dma_semaphore, #tpu.memory_space<semaphore_mem>>, %arg30: memref<!tpu.dma_semaphore, #tpu.memory_space<semaphore_mem>>, %arg31: memref<!tpu.dma_semaphore, #tpu.memory_space<semaphore_mem>>, %arg32: memref<!tpu.dma_semaphore, #tpu.memory_space<semaphore_mem>>) attributes {dimension_semantics = [#tpu.dimension_semantics<core_parallel>, #tpu.dimension_semantics<subcore_parallel>], iteration_bounds = array<i64: 2, 16>, scalar_prefetch = 0 : i64, scratch_operands = 27 : i64, tpu.core_type = #tpu.core_type<sc_vector_subcore>, window_params = [{transform_indices = #map}, {transform_indices = #map}, {transform_indices = #map}, {transform_indices = #map1}]} {
    %mul3A = arith.constant 632 : i32
    %mul3A_0 = arith.muli %arg1, %mul3A : i32
    %eq3A = arith.constant 0 : i32
    %eq3A_1 = arith.cmpi eq, %arg0, %eq3A : i32
    %jit3A = arith.constant 80 : i32
    %jit3A_2 = arith.constant 80 : i32
    %select_n3A = arith.select %eq3A_1, %jit3A, %jit3A_2 : i32
    %eq3A_3 = arith.constant 0 : i32
    %eq3A_4 = arith.cmpi eq, %arg0, %eq3A_3 : i32
    %mul3A_5 = arith.constant 80 : i32
    %mul3A_6 = arith.muli %arg1, %mul3A_5 : i32
    %mul3A_7 = arith.constant 80 : i32
    %mul3A_8 = arith.muli %arg1, %mul3A_7 : i32
    %add3A = arith.constant 1280 : i32
    %add3A_9 = arith.addi %add3A, %mul3A_8 : i32
    %select_n3A_10 = arith.select %eq3A_4, %mul3A_6, %add3A_9 : i32
    %min3A = arith.constant 2480 : i32
    %min3A_11 = arith.minsi %select_n3A_10, %min3A : i32
    %sub3A = arith.subi %select_n3A_10, %min3A_11 : i32
    %dma_start3A = arith.constant 0 : i32
    %dma_start3A_12 = tpu.memref_slice %arg8[%mul3A_0, %dma_start3A] : memref<10112x16xf32, #tpu.memory_space<vmem_shared>> -> memref<632x16xf32, #tpu.memory_space<vmem_shared>>
    %dma_start3A_13 = arith.constant 0 : i32
    %dma_start3A_14 = tpu.memref_slice %arg4[%mul3A_0, %dma_start3A_13] : memref<10112x16xf32, #tpu.memory_space<hbm>> -> memref<632x16xf32, #tpu.memory_space<hbm>>
    tpu.enqueue_dma source(%dma_start3A_14 : memref<632x16xf32, #tpu.memory_space<hbm>>) target(%dma_start3A_12 : memref<632x16xf32, #tpu.memory_space<vmem_shared>>) target_semaphore(%arg17 : memref<!tpu.dma_semaphore, #tpu.memory_space<semaphore_mem>>)
    %dma_start3A_15 = arith.constant 0 : i32
    %dma_start3A_16 = tpu.memref_slice %arg3[%min3A_11, %dma_start3A_15] : memref<5120x125xi32, #tpu.memory_space<hbm>> -> memref<80x125xi32, #tpu.memory_space<hbm>>
    %dma_start3A_17 = arith.constant 0 : i32
    %dma_start3A_18 = tpu.memref_slice %arg3[%min3A_11, %dma_start3A_17] : memref<5120x125xi32, #tpu.memory_space<hbm>> -> memref<80x125xi32, #tpu.memory_space<hbm>>
    tpu.enqueue_dma source(%dma_start3A_18 : memref<80x125xi32, #tpu.memory_space<hbm>>) target(%arg6 : memref<80x125xi32, #tpu.memory_space<vmem>>) target_semaphore(%arg18 : memref<!tpu.dma_semaphore, #tpu.memory_space<semaphore_mem>>)
    %add3A_19 = arith.constant 2560 : i32
    %add3A_20 = arith.addi %add3A_19, %min3A_11 : i32
    %dma_start3A_21 = arith.constant 0 : i32
    %dma_start3A_22 = tpu.memref_slice %arg3[%add3A_20, %dma_start3A_21] : memref<5120x125xi32, #tpu.memory_space<hbm>> -> memref<80x125xi32, #tpu.memory_space<hbm>>
    %dma_start3A_23 = arith.constant 0 : i32
    %dma_start3A_24 = tpu.memref_slice %arg3[%add3A_20, %dma_start3A_23] : memref<5120x125xi32, #tpu.memory_space<hbm>> -> memref<80x125xi32, #tpu.memory_space<hbm>>
    tpu.enqueue_dma source(%dma_start3A_24 : memref<80x125xi32, #tpu.memory_space<hbm>>) target(%arg7 : memref<80x125xi32, #tpu.memory_space<vmem>>) target_semaphore(%arg19 : memref<!tpu.dma_semaphore, #tpu.memory_space<semaphore_mem>>)
    %dma_wait3A = arith.constant 0 : i32
    %dma_wait3A_25 = tpu.memref_slice %arg8[%mul3A_0, %dma_wait3A] : memref<10112x16xf32, #tpu.memory_space<vmem_shared>> -> memref<632x16xf32, #tpu.memory_space<vmem_shared>>
    %dma_wait3A_26 = arith.constant 0 : i32
    %dma_wait3A_27 = tpu.memref_slice %arg4[%mul3A_0, %dma_wait3A_26] : memref<10112x16xf32, #tpu.memory_space<hbm>> -> memref<632x16xf32, #tpu.memory_space<hbm>>
    tpu.wait_dma2 semaphore(%arg17 : memref<!tpu.dma_semaphore, #tpu.memory_space<semaphore_mem>>) src(%dma_wait3A_27 : memref<632x16xf32, #tpu.memory_space<hbm>>) dst(%dma_wait3A_25 : memref<632x16xf32, #tpu.memory_space<vmem_shared>>)
    %dma_wait3A_28 = arith.constant 0 : i32
    %dma_wait3A_29 = tpu.memref_slice %arg3[%min3A_11, %dma_wait3A_28] : memref<5120x125xi32, #tpu.memory_space<hbm>> -> memref<80x125xi32, #tpu.memory_space<hbm>>
    %dma_wait3A_30 = arith.constant 0 : i32
    %dma_wait3A_31 = tpu.memref_slice %arg3[%min3A_11, %dma_wait3A_30] : memref<5120x125xi32, #tpu.memory_space<hbm>> -> memref<80x125xi32, #tpu.memory_space<hbm>>
    tpu.wait_dma2 semaphore(%arg18 : memref<!tpu.dma_semaphore, #tpu.memory_space<semaphore_mem>>) src(%dma_wait3A_31 : memref<80x125xi32, #tpu.memory_space<hbm>>) dst(%arg6 : memref<80x125xi32, #tpu.memory_space<vmem>>)
    %dma_wait3A_32 = arith.constant 0 : i32
    %dma_wait3A_33 = tpu.memref_slice %arg3[%add3A_20, %dma_wait3A_32] : memref<5120x125xi32, #tpu.memory_space<hbm>> -> memref<80x125xi32, #tpu.memory_space<hbm>>
    %dma_wait3A_34 = arith.constant 0 : i32
    %dma_wait3A_35 = tpu.memref_slice %arg3[%add3A_20, %dma_wait3A_34] : memref<5120x125xi32, #tpu.memory_space<hbm>> -> memref<80x125xi32, #tpu.memory_space<hbm>>
    tpu.wait_dma2 semaphore(%arg19 : memref<!tpu.dma_semaphore, #tpu.memory_space<semaphore_mem>>) src(%dma_wait3A_35 : memref<80x125xi32, #tpu.memory_space<hbm>>) dst(%arg7 : memref<80x125xi32, #tpu.memory_space<vmem>>)
    %barrier3A = arith.constant 0 : index
    tpu.barrier barrier_id(%barrier3A)
    %gt3A = arith.constant 0 : i32
    %gt3A_36 = arith.cmpi sgt, %select_n3A, %gt3A : i32
    %convert_element_type3A = arith.extui %gt3A_36 : i1 to i32
    %cond3A = arith.constant 0 : i32
    %cond3A_37 = arith.cmpi ne, %convert_element_type3A, %cond3A : i32
    scf.if %cond3A_37 {
      %add3A_219 = arith.constant 0 : i32
      %add3A_220 = arith.addi %sub3A, %add3A_219 : i32
      %dma_start3A_221 = arith.constant 0 : i32
      %dma_start3A_222 = tpu.memref_slice %arg6[%add3A_220, %dma_start3A_221] : memref<80x125xi32, #tpu.memory_space<vmem>> -> memref<1x125xi32, #tpu.memory_space<vmem>>
      %dma_start3A_223 = tpu.memref_squeeze %dma_start3A_222 : memref<1x125xi32, #tpu.memory_space<vmem>> -> memref<125xi32, #tpu.memory_space<vmem>>
      %dma_start3A_224 = arith.constant 0 : i32
      %dma_start3A_225 = arith.constant 0 : i32
      %dma_start3A_226 = tpu.memref_slice %arg2[%dma_start3A_224, %dma_start3A_225] : memref<10000x16xf32, #tpu.memory_space<hbm>> -> memref<10000x16xf32, #tpu.memory_space<hbm>>
      tpu.enqueue_indirect_dma source(%dma_start3A_226 : memref<10000x16xf32, #tpu.memory_space<hbm>>) target(%arg9 : memref<125x16xf32, #tpu.memory_space<vmem>>) offsets(%dma_start3A_223 : memref<125xi32, #tpu.memory_space<vmem>>) semaphore(%arg17 : memref<!tpu.dma_semaphore, #tpu.memory_space<semaphore_mem>>)
    } else {
    }
    %gt3A_38 = arith.constant 1 : i32
    %gt3A_39 = arith.cmpi sgt, %select_n3A, %gt3A_38 : i32
    %convert_element_type3A_40 = arith.extui %gt3A_39 : i1 to i32
    %cond3A_41 = arith.constant 0 : i32
    %cond3A_42 = arith.cmpi ne, %convert_element_type3A_40, %cond3A_41 : i32
    scf.if %cond3A_42 {
      %add3A_219 = arith.constant 1 : i32
      %add3A_220 = arith.addi %sub3A, %add3A_219 : i32
      %dma_start3A_221 = arith.constant 0 : i32
      %dma_start3A_222 = tpu.memref_slice %arg6[%add3A_220, %dma_start3A_221] : memref<80x125xi32, #tpu.memory_space<vmem>> -> memref<1x125xi32, #tpu.memory_space<vmem>>
      %dma_start3A_223 = tpu.memref_squeeze %dma_start3A_222 : memref<1x125xi32, #tpu.memory_space<vmem>> -> memref<125xi32, #tpu.memory_space<vmem>>
      %dma_start3A_224 = arith.constant 0 : i32
      %dma_start3A_225 = arith.constant 0 : i32
      %dma_start3A_226 = tpu.memref_slice %arg2[%dma_start3A_224, %dma_start3A_225] : memref<10000x16xf32, #tpu.memory_space<hbm>> -> memref<10000x16xf32, #tpu.memory_space<hbm>>
      tpu.enqueue_indirect_dma source(%dma_start3A_226 : memref<10000x16xf32, #tpu.memory_space<hbm>>) target(%arg10 : memref<125x16xf32, #tpu.memory_space<vmem>>) offsets(%dma_start3A_223 : memref<125xi32, #tpu.memory_space<vmem>>) semaphore(%arg18 : memref<!tpu.dma_semaphore, #tpu.memory_space<semaphore_mem>>)
    } else {
    }
    %gt3A_43 = arith.constant 2 : i32
    %gt3A_44 = arith.cmpi sgt, %select_n3A, %gt3A_43 : i32
    %convert_element_type3A_45 = arith.extui %gt3A_44 : i1 to i32
    %cond3A_46 = arith.constant 0 : i32
    %cond3A_47 = arith.cmpi ne, %convert_element_type3A_45, %cond3A_46 : i32
    scf.if %cond3A_47 {
      %add3A_219 = arith.constant 2 : i32
      %add3A_220 = arith.addi %sub3A, %add3A_219 : i32
      %dma_start3A_221 = arith.constant 0 : i32
      %dma_start3A_222 = tpu.memref_slice %arg6[%add3A_220, %dma_start3A_221] : memref<80x125xi32, #tpu.memory_space<vmem>> -> memref<1x125xi32, #tpu.memory_space<vmem>>
      %dma_start3A_223 = tpu.memref_squeeze %dma_start3A_222 : memref<1x125xi32, #tpu.memory_space<vmem>> -> memref<125xi32, #tpu.memory_space<vmem>>
      %dma_start3A_224 = arith.constant 0 : i32
      %dma_start3A_225 = arith.constant 0 : i32
      %dma_start3A_226 = tpu.memref_slice %arg2[%dma_start3A_224, %dma_start3A_225] : memref<10000x16xf32, #tpu.memory_space<hbm>> -> memref<10000x16xf32, #tpu.memory_space<hbm>>
      tpu.enqueue_indirect_dma source(%dma_start3A_226 : memref<10000x16xf32, #tpu.memory_space<hbm>>) target(%arg11 : memref<125x16xf32, #tpu.memory_space<vmem>>) offsets(%dma_start3A_223 : memref<125xi32, #tpu.memory_space<vmem>>) semaphore(%arg19 : memref<!tpu.dma_semaphore, #tpu.memory_space<semaphore_mem>>)
    } else {
    }
    %gt3A_48 = arith.constant 3 : i32
    %gt3A_49 = arith.cmpi sgt, %select_n3A, %gt3A_48 : i32
    %convert_element_type3A_50 = arith.extui %gt3A_49 : i1 to i32
    %cond3A_51 = arith.constant 0 : i32
    %cond3A_52 = arith.cmpi ne, %convert_element_type3A_50, %cond3A_51 : i32
    scf.if %cond3A_52 {
      %add3A_219 = arith.constant 3 : i32
      %add3A_220 = arith.addi %sub3A, %add3A_219 : i32
      %dma_start3A_221 = arith.constant 0 : i32
      %dma_start3A_222 = tpu.memref_slice %arg6[%add3A_220, %dma_start3A_221] : memref<80x125xi32, #tpu.memory_space<vmem>> -> memref<1x125xi32, #tpu.memory_space<vmem>>
      %dma_start3A_223 = tpu.memref_squeeze %dma_start3A_222 : memref<1x125xi32, #tpu.memory_space<vmem>> -> memref<125xi32, #tpu.memory_space<vmem>>
      %dma_start3A_224 = arith.constant 0 : i32
      %dma_start3A_225 = arith.constant 0 : i32
      %dma_start3A_226 = tpu.memref_slice %arg2[%dma_start3A_224, %dma_start3A_225] : memref<10000x16xf32, #tpu.memory_space<hbm>> -> memref<10000x16xf32, #tpu.memory_space<hbm>>
      tpu.enqueue_indirect_dma source(%dma_start3A_226 : memref<10000x16xf32, #tpu.memory_space<hbm>>) target(%arg12 : memref<125x16xf32, #tpu.memory_space<vmem>>) offsets(%dma_start3A_223 : memref<125xi32, #tpu.memory_space<vmem>>) semaphore(%arg20 : memref<!tpu.dma_semaphore, #tpu.memory_space<semaphore_mem>>)
    } else {
    }
    %gt3A_53 = arith.constant 0 : i32
    %gt3A_54 = arith.cmpi sgt, %select_n3A, %gt3A_53 : i32
    %convert_element_type3A_55 = arith.extui %gt3A_54 : i1 to i32
    %cond3A_56 = arith.constant 0 : i32
    %cond3A_57 = arith.cmpi ne, %convert_element_type3A_55, %cond3A_56 : i32
    scf.if %cond3A_57 {
      %add3A_219 = arith.constant 0 : i32
      %add3A_220 = arith.addi %sub3A, %add3A_219 : i32
      %dma_wait3A_221 = arith.constant 0 : i32
      %dma_wait3A_222 = tpu.memref_slice %arg6[%add3A_220, %dma_wait3A_221] : memref<80x125xi32, #tpu.memory_space<vmem>> -> memref<1x125xi32, #tpu.memory_space<vmem>>
      %dma_wait3A_223 = tpu.memref_squeeze %dma_wait3A_222 : memref<1x125xi32, #tpu.memory_space<vmem>> -> memref<125xi32, #tpu.memory_space<vmem>>
      %dma_wait3A_224 = arith.constant 0 : i32
      %dma_wait3A_225 = arith.constant 0 : i32
      %dma_wait3A_226 = tpu.memref_slice %arg2[%dma_wait3A_224, %dma_wait3A_225] : memref<10000x16xf32, #tpu.memory_space<hbm>> -> memref<10000x16xf32, #tpu.memory_space<hbm>>
      tpu.wait_indirect_dma semaphore(%arg17 : memref<!tpu.dma_semaphore, #tpu.memory_space<semaphore_mem>>) src(%dma_wait3A_226 : memref<10000x16xf32, #tpu.memory_space<hbm>>) dst(%arg9 : memref<125x16xf32, #tpu.memory_space<vmem>>)
    } else {
    }
    %gt3A_58 = arith.constant 0 : i32
    %gt3A_59 = arith.cmpi sgt, %select_n3A, %gt3A_58 : i32
    %convert_element_type3A_60 = arith.extui %gt3A_59 : i1 to i32
    %cond3A_61 = arith.constant 0 : i32
    %cond3A_62 = arith.cmpi ne, %convert_element_type3A_60, %cond3A_61 : i32
    scf.if %cond3A_62 {
      %add3A_219 = arith.constant 0 : i32
      %add3A_220 = arith.addi %sub3A, %add3A_219 : i32
      %dma_start3A_221 = arith.constant 0 : i32
      %dma_start3A_222 = tpu.memref_slice %arg7[%add3A_220, %dma_start3A_221] : memref<80x125xi32, #tpu.memory_space<vmem>> -> memref<1x125xi32, #tpu.memory_space<vmem>>
      %dma_start3A_223 = tpu.memref_squeeze %dma_start3A_222 : memref<1x125xi32, #tpu.memory_space<vmem>> -> memref<125xi32, #tpu.memory_space<vmem>>
      %dma_start3A_224 = arith.constant 0 : i32
      %dma_start3A_225 = arith.constant 0 : i32
      %dma_start3A_226 = tpu.memref_slice %arg8[%dma_start3A_224, %dma_start3A_225] : memref<10112x16xf32, #tpu.memory_space<vmem_shared>> -> memref<10112x16xf32, #tpu.memory_space<vmem_shared>>
      tpu.enqueue_indirect_dma source(%arg9 : memref<125x16xf32, #tpu.memory_space<vmem>>) target(%dma_start3A_226 : memref<10112x16xf32, #tpu.memory_space<vmem_shared>>) offsets(%dma_start3A_223 : memref<125xi32, #tpu.memory_space<vmem>>) semaphore(%arg25 : memref<!tpu.dma_semaphore, #tpu.memory_space<semaphore_mem>>) {add = true}
    } else {
    }
    %gt3A_63 = arith.constant 4 : i32
    %gt3A_64 = arith.cmpi sgt, %select_n3A, %gt3A_63 : i32
    %convert_element_type3A_65 = arith.extui %gt3A_64 : i1 to i32
    %cond3A_66 = arith.constant 0 : i32
    %cond3A_67 = arith.cmpi ne, %convert_element_type3A_65, %cond3A_66 : i32
    scf.if %cond3A_67 {
      %add3A_219 = arith.constant 4 : i32
      %add3A_220 = arith.addi %sub3A, %add3A_219 : i32
      %dma_start3A_221 = arith.constant 0 : i32
      %dma_start3A_222 = tpu.memref_slice %arg6[%add3A_220, %dma_start3A_221] : memref<80x125xi32, #tpu.memory_space<vmem>> -> memref<1x125xi32, #tpu.memory_space<vmem>>
      %dma_start3A_223 = tpu.memref_squeeze %dma_start3A_222 : memref<1x125xi32, #tpu.memory_space<vmem>> -> memref<125xi32, #tpu.memory_space<vmem>>
      %dma_start3A_224 = arith.constant 0 : i32
      %dma_start3A_225 = arith.constant 0 : i32
      %dma_start3A_226 = tpu.memref_slice %arg2[%dma_start3A_224, %dma_start3A_225] : memref<10000x16xf32, #tpu.memory_space<hbm>> -> memref<10000x16xf32, #tpu.memory_space<hbm>>
      tpu.enqueue_indirect_dma source(%dma_start3A_226 : memref<10000x16xf32, #tpu.memory_space<hbm>>) target(%arg13 : memref<125x16xf32, #tpu.memory_space<vmem>>) offsets(%dma_start3A_223 : memref<125xi32, #tpu.memory_space<vmem>>) semaphore(%arg21 : memref<!tpu.dma_semaphore, #tpu.memory_space<semaphore_mem>>)
    } else {
    }
    %gt3A_68 = arith.constant 1 : i32
    %gt3A_69 = arith.cmpi sgt, %select_n3A, %gt3A_68 : i32
    %convert_element_type3A_70 = arith.extui %gt3A_69 : i1 to i32
    %cond3A_71 = arith.constant 0 : i32
    %cond3A_72 = arith.cmpi ne, %convert_element_type3A_70, %cond3A_71 : i32
    scf.if %cond3A_72 {
      %add3A_219 = arith.constant 1 : i32
      %add3A_220 = arith.addi %sub3A, %add3A_219 : i32
      %dma_wait3A_221 = arith.constant 0 : i32
      %dma_wait3A_222 = tpu.memref_slice %arg6[%add3A_220, %dma_wait3A_221] : memref<80x125xi32, #tpu.memory_space<vmem>> -> memref<1x125xi32, #tpu.memory_space<vmem>>
      %dma_wait3A_223 = tpu.memref_squeeze %dma_wait3A_222 : memref<1x125xi32, #tpu.memory_space<vmem>> -> memref<125xi32, #tpu.memory_space<vmem>>
      %dma_wait3A_224 = arith.constant 0 : i32
      %dma_wait3A_225 = arith.constant 0 : i32
      %dma_wait3A_226 = tpu.memref_slice %arg2[%dma_wait3A_224, %dma_wait3A_225] : memref<10000x16xf32, #tpu.memory_space<hbm>> -> memref<10000x16xf32, #tpu.memory_space<hbm>>
      tpu.wait_indirect_dma semaphore(%arg18 : memref<!tpu.dma_semaphore, #tpu.memory_space<semaphore_mem>>) src(%dma_wait3A_226 : memref<10000x16xf32, #tpu.memory_space<hbm>>) dst(%arg10 : memref<125x16xf32, #tpu.memory_space<vmem>>)
    } else {
    }
    %gt3A_73 = arith.constant 1 : i32
    %gt3A_74 = arith.cmpi sgt, %select_n3A, %gt3A_73 : i32
    %convert_element_type3A_75 = arith.extui %gt3A_74 : i1 to i32
    %cond3A_76 = arith.constant 0 : i32
    %cond3A_77 = arith.cmpi ne, %convert_element_type3A_75, %cond3A_76 : i32
    scf.if %cond3A_77 {
      %add3A_219 = arith.constant 1 : i32
      %add3A_220 = arith.addi %sub3A, %add3A_219 : i32
      %dma_start3A_221 = arith.constant 0 : i32
      %dma_start3A_222 = tpu.memref_slice %arg7[%add3A_220, %dma_start3A_221] : memref<80x125xi32, #tpu.memory_space<vmem>> -> memref<1x125xi32, #tpu.memory_space<vmem>>
      %dma_start3A_223 = tpu.memref_squeeze %dma_start3A_222 : memref<1x125xi32, #tpu.memory_space<vmem>> -> memref<125xi32, #tpu.memory_space<vmem>>
      %dma_start3A_224 = arith.constant 0 : i32
      %dma_start3A_225 = arith.constant 0 : i32
      %dma_start3A_226 = tpu.memref_slice %arg8[%dma_start3A_224, %dma_start3A_225] : memref<10112x16xf32, #tpu.memory_space<vmem_shared>> -> memref<10112x16xf32, #tpu.memory_space<vmem_shared>>
      tpu.enqueue_indirect_dma source(%arg10 : memref<125x16xf32, #tpu.memory_space<vmem>>) target(%dma_start3A_226 : memref<10112x16xf32, #tpu.memory_space<vmem_shared>>) offsets(%dma_start3A_223 : memref<125xi32, #tpu.memory_space<vmem>>) semaphore(%arg26 : memref<!tpu.dma_semaphore, #tpu.memory_space<semaphore_mem>>) {add = true}
    } else {
    }
    %gt3A_78 = arith.constant 5 : i32
    %gt3A_79 = arith.cmpi sgt, %select_n3A, %gt3A_78 : i32
    %convert_element_type3A_80 = arith.extui %gt3A_79 : i1 to i32
    %cond3A_81 = arith.constant 0 : i32
    %cond3A_82 = arith.cmpi ne, %convert_element_type3A_80, %cond3A_81 : i32
    scf.if %cond3A_82 {
      %add3A_219 = arith.constant 5 : i32
      %add3A_220 = arith.addi %sub3A, %add3A_219 : i32
      %dma_start3A_221 = arith.constant 0 : i32
      %dma_start3A_222 = tpu.memref_slice %arg6[%add3A_220, %dma_start3A_221] : memref<80x125xi32, #tpu.memory_space<vmem>> -> memref<1x125xi32, #tpu.memory_space<vmem>>
      %dma_start3A_223 = tpu.memref_squeeze %dma_start3A_222 : memref<1x125xi32, #tpu.memory_space<vmem>> -> memref<125xi32, #tpu.memory_space<vmem>>
      %dma_start3A_224 = arith.constant 0 : i32
      %dma_start3A_225 = arith.constant 0 : i32
      %dma_start3A_226 = tpu.memref_slice %arg2[%dma_start3A_224, %dma_start3A_225] : memref<10000x16xf32, #tpu.memory_space<hbm>> -> memref<10000x16xf32, #tpu.memory_space<hbm>>
      tpu.enqueue_indirect_dma source(%dma_start3A_226 : memref<10000x16xf32, #tpu.memory_space<hbm>>) target(%arg14 : memref<125x16xf32, #tpu.memory_space<vmem>>) offsets(%dma_start3A_223 : memref<125xi32, #tpu.memory_space<vmem>>) semaphore(%arg22 : memref<!tpu.dma_semaphore, #tpu.memory_space<semaphore_mem>>)
    } else {
    }
    %gt3A_83 = arith.constant 2 : i32
    %gt3A_84 = arith.cmpi sgt, %select_n3A, %gt3A_83 : i32
    %convert_element_type3A_85 = arith.extui %gt3A_84 : i1 to i32
    %cond3A_86 = arith.constant 0 : i32
    %cond3A_87 = arith.cmpi ne, %convert_element_type3A_85, %cond3A_86 : i32
    scf.if %cond3A_87 {
      %add3A_219 = arith.constant 2 : i32
      %add3A_220 = arith.addi %sub3A, %add3A_219 : i32
      %dma_wait3A_221 = arith.constant 0 : i32
      %dma_wait3A_222 = tpu.memref_slice %arg6[%add3A_220, %dma_wait3A_221] : memref<80x125xi32, #tpu.memory_space<vmem>> -> memref<1x125xi32, #tpu.memory_space<vmem>>
      %dma_wait3A_223 = tpu.memref_squeeze %dma_wait3A_222 : memref<1x125xi32, #tpu.memory_space<vmem>> -> memref<125xi32, #tpu.memory_space<vmem>>
      %dma_wait3A_224 = arith.constant 0 : i32
      %dma_wait3A_225 = arith.constant 0 : i32
      %dma_wait3A_226 = tpu.memref_slice %arg2[%dma_wait3A_224, %dma_wait3A_225] : memref<10000x16xf32, #tpu.memory_space<hbm>> -> memref<10000x16xf32, #tpu.memory_space<hbm>>
      tpu.wait_indirect_dma semaphore(%arg19 : memref<!tpu.dma_semaphore, #tpu.memory_space<semaphore_mem>>) src(%dma_wait3A_226 : memref<10000x16xf32, #tpu.memory_space<hbm>>) dst(%arg11 : memref<125x16xf32, #tpu.memory_space<vmem>>)
    } else {
    }
    %gt3A_88 = arith.constant 2 : i32
    %gt3A_89 = arith.cmpi sgt, %select_n3A, %gt3A_88 : i32
    %convert_element_type3A_90 = arith.extui %gt3A_89 : i1 to i32
    %cond3A_91 = arith.constant 0 : i32
    %cond3A_92 = arith.cmpi ne, %convert_element_type3A_90, %cond3A_91 : i32
    scf.if %cond3A_92 {
      %add3A_219 = arith.constant 2 : i32
      %add3A_220 = arith.addi %sub3A, %add3A_219 : i32
      %dma_start3A_221 = arith.constant 0 : i32
      %dma_start3A_222 = tpu.memref_slice %arg7[%add3A_220, %dma_start3A_221] : memref<80x125xi32, #tpu.memory_space<vmem>> -> memref<1x125xi32, #tpu.memory_space<vmem>>
      %dma_start3A_223 = tpu.memref_squeeze %dma_start3A_222 : memref<1x125xi32, #tpu.memory_space<vmem>> -> memref<125xi32, #tpu.memory_space<vmem>>
      %dma_start3A_224 = arith.constant 0 : i32
      %dma_start3A_225 = arith.constant 0 : i32
      %dma_start3A_226 = tpu.memref_slice %arg8[%dma_start3A_224, %dma_start3A_225] : memref<10112x16xf32, #tpu.memory_space<vmem_shared>> -> memref<10112x16xf32, #tpu.memory_space<vmem_shared>>
      tpu.enqueue_indirect_dma source(%arg11 : memref<125x16xf32, #tpu.memory_space<vmem>>) target(%dma_start3A_226 : memref<10112x16xf32, #tpu.memory_space<vmem_shared>>) offsets(%dma_start3A_223 : memref<125xi32, #tpu.memory_space<vmem>>) semaphore(%arg27 : memref<!tpu.dma_semaphore, #tpu.memory_space<semaphore_mem>>) {add = true}
    } else {
    }
    %gt3A_93 = arith.constant 6 : i32
    %gt3A_94 = arith.cmpi sgt, %select_n3A, %gt3A_93 : i32
    %convert_element_type3A_95 = arith.extui %gt3A_94 : i1 to i32
    %cond3A_96 = arith.constant 0 : i32
    %cond3A_97 = arith.cmpi ne, %convert_element_type3A_95, %cond3A_96 : i32
    scf.if %cond3A_97 {
      %add3A_219 = arith.constant 6 : i32
      %add3A_220 = arith.addi %sub3A, %add3A_219 : i32
      %dma_start3A_221 = arith.constant 0 : i32
      %dma_start3A_222 = tpu.memref_slice %arg6[%add3A_220, %dma_start3A_221] : memref<80x125xi32, #tpu.memory_space<vmem>> -> memref<1x125xi32, #tpu.memory_space<vmem>>
      %dma_start3A_223 = tpu.memref_squeeze %dma_start3A_222 : memref<1x125xi32, #tpu.memory_space<vmem>> -> memref<125xi32, #tpu.memory_space<vmem>>
      %dma_start3A_224 = arith.constant 0 : i32
      %dma_start3A_225 = arith.constant 0 : i32
      %dma_start3A_226 = tpu.memref_slice %arg2[%dma_start3A_224, %dma_start3A_225] : memref<10000x16xf32, #tpu.memory_space<hbm>> -> memref<10000x16xf32, #tpu.memory_space<hbm>>
      tpu.enqueue_indirect_dma source(%dma_start3A_226 : memref<10000x16xf32, #tpu.memory_space<hbm>>) target(%arg15 : memref<125x16xf32, #tpu.memory_space<vmem>>) offsets(%dma_start3A_223 : memref<125xi32, #tpu.memory_space<vmem>>) semaphore(%arg23 : memref<!tpu.dma_semaphore, #tpu.memory_space<semaphore_mem>>)
    } else {
    }
    %gt3A_98 = arith.constant 3 : i32
    %gt3A_99 = arith.cmpi sgt, %select_n3A, %gt3A_98 : i32
    %convert_element_type3A_100 = arith.extui %gt3A_99 : i1 to i32
    %cond3A_101 = arith.constant 0 : i32
    %cond3A_102 = arith.cmpi ne, %convert_element_type3A_100, %cond3A_101 : i32
    scf.if %cond3A_102 {
      %add3A_219 = arith.constant 3 : i32
      %add3A_220 = arith.addi %sub3A, %add3A_219 : i32
      %dma_wait3A_221 = arith.constant 0 : i32
      %dma_wait3A_222 = tpu.memref_slice %arg6[%add3A_220, %dma_wait3A_221] : memref<80x125xi32, #tpu.memory_space<vmem>> -> memref<1x125xi32, #tpu.memory_space<vmem>>
      %dma_wait3A_223 = tpu.memref_squeeze %dma_wait3A_222 : memref<1x125xi32, #tpu.memory_space<vmem>> -> memref<125xi32, #tpu.memory_space<vmem>>
      %dma_wait3A_224 = arith.constant 0 : i32
      %dma_wait3A_225 = arith.constant 0 : i32
      %dma_wait3A_226 = tpu.memref_slice %arg2[%dma_wait3A_224, %dma_wait3A_225] : memref<10000x16xf32, #tpu.memory_space<hbm>> -> memref<10000x16xf32, #tpu.memory_space<hbm>>
      tpu.wait_indirect_dma semaphore(%arg20 : memref<!tpu.dma_semaphore, #tpu.memory_space<semaphore_mem>>) src(%dma_wait3A_226 : memref<10000x16xf32, #tpu.memory_space<hbm>>) dst(%arg12 : memref<125x16xf32, #tpu.memory_space<vmem>>)
    } else {
    }
    %gt3A_103 = arith.constant 3 : i32
    %gt3A_104 = arith.cmpi sgt, %select_n3A, %gt3A_103 : i32
    %convert_element_type3A_105 = arith.extui %gt3A_104 : i1 to i32
    %cond3A_106 = arith.constant 0 : i32
    %cond3A_107 = arith.cmpi ne, %convert_element_type3A_105, %cond3A_106 : i32
    scf.if %cond3A_107 {
      %add3A_219 = arith.constant 3 : i32
      %add3A_220 = arith.addi %sub3A, %add3A_219 : i32
      %dma_start3A_221 = arith.constant 0 : i32
      %dma_start3A_222 = tpu.memref_slice %arg7[%add3A_220, %dma_start3A_221] : memref<80x125xi32, #tpu.memory_space<vmem>> -> memref<1x125xi32, #tpu.memory_space<vmem>>
      %dma_start3A_223 = tpu.memref_squeeze %dma_start3A_222 : memref<1x125xi32, #tpu.memory_space<vmem>> -> memref<125xi32, #tpu.memory_space<vmem>>
      %dma_start3A_224 = arith.constant 0 : i32
      %dma_start3A_225 = arith.constant 0 : i32
      %dma_start3A_226 = tpu.memref_slice %arg8[%dma_start3A_224, %dma_start3A_225] : memref<10112x16xf32, #tpu.memory_space<vmem_shared>> -> memref<10112x16xf32, #tpu.memory_space<vmem_shared>>
      tpu.enqueue_indirect_dma source(%arg12 : memref<125x16xf32, #tpu.memory_space<vmem>>) target(%dma_start3A_226 : memref<10112x16xf32, #tpu.memory_space<vmem_shared>>) offsets(%dma_start3A_223 : memref<125xi32, #tpu.memory_space<vmem>>) semaphore(%arg28 : memref<!tpu.dma_semaphore, #tpu.memory_space<semaphore_mem>>) {add = true}
    } else {
    }
    %gt3A_108 = arith.constant 7 : i32
    %gt3A_109 = arith.cmpi sgt, %select_n3A, %gt3A_108 : i32
    %convert_element_type3A_110 = arith.extui %gt3A_109 : i1 to i32
    %cond3A_111 = arith.constant 0 : i32
    %cond3A_112 = arith.cmpi ne, %convert_element_type3A_110, %cond3A_111 : i32
    scf.if %cond3A_112 {
      %add3A_219 = arith.constant 7 : i32
      %add3A_220 = arith.addi %sub3A, %add3A_219 : i32
      %dma_start3A_221 = arith.constant 0 : i32
      %dma_start3A_222 = tpu.memref_slice %arg6[%add3A_220, %dma_start3A_221] : memref<80x125xi32, #tpu.memory_space<vmem>> -> memref<1x125xi32, #tpu.memory_space<vmem>>
      %dma_start3A_223 = tpu.memref_squeeze %dma_start3A_222 : memref<1x125xi32, #tpu.memory_space<vmem>> -> memref<125xi32, #tpu.memory_space<vmem>>
      %dma_start3A_224 = arith.constant 0 : i32
      %dma_start3A_225 = arith.constant 0 : i32
      %dma_start3A_226 = tpu.memref_slice %arg2[%dma_start3A_224, %dma_start3A_225] : memref<10000x16xf32, #tpu.memory_space<hbm>> -> memref<10000x16xf32, #tpu.memory_space<hbm>>
      tpu.enqueue_indirect_dma source(%dma_start3A_226 : memref<10000x16xf32, #tpu.memory_space<hbm>>) target(%arg16 : memref<125x16xf32, #tpu.memory_space<vmem>>) offsets(%dma_start3A_223 : memref<125xi32, #tpu.memory_space<vmem>>) semaphore(%arg24 : memref<!tpu.dma_semaphore, #tpu.memory_space<semaphore_mem>>)
    } else {
    }
    %gt3A_113 = arith.constant 4 : i32
    %gt3A_114 = arith.cmpi sgt, %select_n3A, %gt3A_113 : i32
    %convert_element_type3A_115 = arith.extui %gt3A_114 : i1 to i32
    %cond3A_116 = arith.constant 0 : i32
    %cond3A_117 = arith.cmpi ne, %convert_element_type3A_115, %cond3A_116 : i32
    scf.if %cond3A_117 {
      %add3A_219 = arith.constant 4 : i32
      %add3A_220 = arith.addi %sub3A, %add3A_219 : i32
      %dma_wait3A_221 = arith.constant 0 : i32
      %dma_wait3A_222 = tpu.memref_slice %arg6[%add3A_220, %dma_wait3A_221] : memref<80x125xi32, #tpu.memory_space<vmem>> -> memref<1x125xi32, #tpu.memory_space<vmem>>
      %dma_wait3A_223 = tpu.memref_squeeze %dma_wait3A_222 : memref<1x125xi32, #tpu.memory_space<vmem>> -> memref<125xi32, #tpu.memory_space<vmem>>
      %dma_wait3A_224 = arith.constant 0 : i32
      %dma_wait3A_225 = arith.constant 0 : i32
      %dma_wait3A_226 = tpu.memref_slice %arg2[%dma_wait3A_224, %dma_wait3A_225] : memref<10000x16xf32, #tpu.memory_space<hbm>> -> memref<10000x16xf32, #tpu.memory_space<hbm>>
      tpu.wait_indirect_dma semaphore(%arg21 : memref<!tpu.dma_semaphore, #tpu.memory_space<semaphore_mem>>) src(%dma_wait3A_226 : memref<10000x16xf32, #tpu.memory_space<hbm>>) dst(%arg13 : memref<125x16xf32, #tpu.memory_space<vmem>>)
    } else {
    }
    %gt3A_118 = arith.constant 4 : i32
    %gt3A_119 = arith.cmpi sgt, %select_n3A, %gt3A_118 : i32
    %convert_element_type3A_120 = arith.extui %gt3A_119 : i1 to i32
    %cond3A_121 = arith.constant 0 : i32
    %cond3A_122 = arith.cmpi ne, %convert_element_type3A_120, %cond3A_121 : i32
    scf.if %cond3A_122 {
      %add3A_219 = arith.constant 4 : i32
      %add3A_220 = arith.addi %sub3A, %add3A_219 : i32
      %dma_start3A_221 = arith.constant 0 : i32
      %dma_start3A_222 = tpu.memref_slice %arg7[%add3A_220, %dma_start3A_221] : memref<80x125xi32, #tpu.memory_space<vmem>> -> memref<1x125xi32, #tpu.memory_space<vmem>>
      %dma_start3A_223 = tpu.memref_squeeze %dma_start3A_222 : memref<1x125xi32, #tpu.memory_space<vmem>> -> memref<125xi32, #tpu.memory_space<vmem>>
      %dma_start3A_224 = arith.constant 0 : i32
      %dma_start3A_225 = arith.constant 0 : i32
      %dma_start3A_226 = tpu.memref_slice %arg8[%dma_start3A_224, %dma_start3A_225] : memref<10112x16xf32, #tpu.memory_space<vmem_shared>> -> memref<10112x16xf32, #tpu.memory_space<vmem_shared>>
      tpu.enqueue_indirect_dma source(%arg13 : memref<125x16xf32, #tpu.memory_space<vmem>>) target(%dma_start3A_226 : memref<10112x16xf32, #tpu.memory_space<vmem_shared>>) offsets(%dma_start3A_223 : memref<125xi32, #tpu.memory_space<vmem>>) semaphore(%arg29 : memref<!tpu.dma_semaphore, #tpu.memory_space<semaphore_mem>>) {add = true}
    } else {
    }
    %gt3A_123 = arith.constant 0 : i32
    %gt3A_124 = arith.cmpi sgt, %select_n3A, %gt3A_123 : i32
    %convert_element_type3A_125 = arith.extui %gt3A_124 : i1 to i32
    %cond3A_126 = arith.constant 0 : i32
    %cond3A_127 = arith.cmpi ne, %convert_element_type3A_125, %cond3A_126 : i32
    scf.if %cond3A_127 {
      %add3A_219 = arith.constant 0 : i32
      %add3A_220 = arith.addi %sub3A, %add3A_219 : i32
      %dma_wait3A_221 = arith.constant 0 : i32
      %dma_wait3A_222 = tpu.memref_slice %arg7[%add3A_220, %dma_wait3A_221] : memref<80x125xi32, #tpu.memory_space<vmem>> -> memref<1x125xi32, #tpu.memory_space<vmem>>
      %dma_wait3A_223 = tpu.memref_squeeze %dma_wait3A_222 : memref<1x125xi32, #tpu.memory_space<vmem>> -> memref<125xi32, #tpu.memory_space<vmem>>
      %dma_wait3A_224 = arith.constant 0 : i32
      %dma_wait3A_225 = arith.constant 0 : i32
      %dma_wait3A_226 = tpu.memref_slice %arg8[%dma_wait3A_224, %dma_wait3A_225] : memref<10112x16xf32, #tpu.memory_space<vmem_shared>> -> memref<10112x16xf32, #tpu.memory_space<vmem_shared>>
      tpu.wait_indirect_dma semaphore(%arg25 : memref<!tpu.dma_semaphore, #tpu.memory_space<semaphore_mem>>) src(%arg9 : memref<125x16xf32, #tpu.memory_space<vmem>>) dst(%dma_wait3A_226 : memref<10112x16xf32, #tpu.memory_space<vmem_shared>>)
    } else {
    }
    %gt3A_128 = arith.constant 8 : i32
    %gt3A_129 = arith.cmpi sgt, %select_n3A, %gt3A_128 : i32
    %convert_element_type3A_130 = arith.extui %gt3A_129 : i1 to i32
    %cond3A_131 = arith.constant 0 : i32
    %cond3A_132 = arith.cmpi ne, %convert_element_type3A_130, %cond3A_131 : i32
    scf.if %cond3A_132 {
      %add3A_219 = arith.constant 8 : i32
      %add3A_220 = arith.addi %sub3A, %add3A_219 : i32
      %dma_start3A_221 = arith.constant 0 : i32
      %dma_start3A_222 = tpu.memref_slice %arg6[%add3A_220, %dma_start3A_221] : memref<80x125xi32, #tpu.memory_space<vmem>> -> memref<1x125xi32, #tpu.memory_space<vmem>>
      %dma_start3A_223 = tpu.memref_squeeze %dma_start3A_222 : memref<1x125xi32, #tpu.memory_space<vmem>> -> memref<125xi32, #tpu.memory_space<vmem>>
      %dma_start3A_224 = arith.constant 0 : i32
      %dma_start3A_225 = arith.constant 0 : i32
      %dma_start3A_226 = tpu.memref_slice %arg2[%dma_start3A_224, %dma_start3A_225] : memref<10000x16xf32, #tpu.memory_space<hbm>> -> memref<10000x16xf32, #tpu.memory_space<hbm>>
      tpu.enqueue_indirect_dma source(%dma_start3A_226 : memref<10000x16xf32, #tpu.memory_space<hbm>>) target(%arg9 : memref<125x16xf32, #tpu.memory_space<vmem>>) offsets(%dma_start3A_223 : memref<125xi32, #tpu.memory_space<vmem>>) semaphore(%arg17 : memref<!tpu.dma_semaphore, #tpu.memory_space<semaphore_mem>>)
    } else {
    }
    %gt3A_133 = arith.constant 5 : i32
    %gt3A_134 = arith.cmpi sgt, %select_n3A, %gt3A_133 : i32
    %convert_element_type3A_135 = arith.extui %gt3A_134 : i1 to i32
    %cond3A_136 = arith.constant 0 : i32
    %cond3A_137 = arith.cmpi ne, %convert_element_type3A_135, %cond3A_136 : i32
    scf.if %cond3A_137 {
      %add3A_219 = arith.constant 5 : i32
      %add3A_220 = arith.addi %sub3A, %add3A_219 : i32
      %dma_wait3A_221 = arith.constant 0 : i32
      %dma_wait3A_222 = tpu.memref_slice %arg6[%add3A_220, %dma_wait3A_221] : memref<80x125xi32, #tpu.memory_space<vmem>> -> memref<1x125xi32, #tpu.memory_space<vmem>>
      %dma_wait3A_223 = tpu.memref_squeeze %dma_wait3A_222 : memref<1x125xi32, #tpu.memory_space<vmem>> -> memref<125xi32, #tpu.memory_space<vmem>>
      %dma_wait3A_224 = arith.constant 0 : i32
      %dma_wait3A_225 = arith.constant 0 : i32
      %dma_wait3A_226 = tpu.memref_slice %arg2[%dma_wait3A_224, %dma_wait3A_225] : memref<10000x16xf32, #tpu.memory_space<hbm>> -> memref<10000x16xf32, #tpu.memory_space<hbm>>
      tpu.wait_indirect_dma semaphore(%arg22 : memref<!tpu.dma_semaphore, #tpu.memory_space<semaphore_mem>>) src(%dma_wait3A_226 : memref<10000x16xf32, #tpu.memory_space<hbm>>) dst(%arg14 : memref<125x16xf32, #tpu.memory_space<vmem>>)
    } else {
    }
    %gt3A_138 = arith.constant 5 : i32
    %gt3A_139 = arith.cmpi sgt, %select_n3A, %gt3A_138 : i32
    %convert_element_type3A_140 = arith.extui %gt3A_139 : i1 to i32
    %cond3A_141 = arith.constant 0 : i32
    %cond3A_142 = arith.cmpi ne, %convert_element_type3A_140, %cond3A_141 : i32
    scf.if %cond3A_142 {
      %add3A_219 = arith.constant 5 : i32
      %add3A_220 = arith.addi %sub3A, %add3A_219 : i32
      %dma_start3A_221 = arith.constant 0 : i32
      %dma_start3A_222 = tpu.memref_slice %arg7[%add3A_220, %dma_start3A_221] : memref<80x125xi32, #tpu.memory_space<vmem>> -> memref<1x125xi32, #tpu.memory_space<vmem>>
      %dma_start3A_223 = tpu.memref_squeeze %dma_start3A_222 : memref<1x125xi32, #tpu.memory_space<vmem>> -> memref<125xi32, #tpu.memory_space<vmem>>
      %dma_start3A_224 = arith.constant 0 : i32
      %dma_start3A_225 = arith.constant 0 : i32
      %dma_start3A_226 = tpu.memref_slice %arg8[%dma_start3A_224, %dma_start3A_225] : memref<10112x16xf32, #tpu.memory_space<vmem_shared>> -> memref<10112x16xf32, #tpu.memory_space<vmem_shared>>
      tpu.enqueue_indirect_dma source(%arg14 : memref<125x16xf32, #tpu.memory_space<vmem>>) target(%dma_start3A_226 : memref<10112x16xf32, #tpu.memory_space<vmem_shared>>) offsets(%dma_start3A_223 : memref<125xi32, #tpu.memory_space<vmem>>) semaphore(%arg30 : memref<!tpu.dma_semaphore, #tpu.memory_space<semaphore_mem>>) {add = true}
    } else {
    }
    %gt3A_143 = arith.constant 1 : i32
    %gt3A_144 = arith.cmpi sgt, %select_n3A, %gt3A_143 : i32
    %convert_element_type3A_145 = arith.extui %gt3A_144 : i1 to i32
    %cond3A_146 = arith.constant 0 : i32
    %cond3A_147 = arith.cmpi ne, %convert_element_type3A_145, %cond3A_146 : i32
    scf.if %cond3A_147 {
      %add3A_219 = arith.constant 1 : i32
      %add3A_220 = arith.addi %sub3A, %add3A_219 : i32
      %dma_wait3A_221 = arith.constant 0 : i32
      %dma_wait3A_222 = tpu.memref_slice %arg7[%add3A_220, %dma_wait3A_221] : memref<80x125xi32, #tpu.memory_space<vmem>> -> memref<1x125xi32, #tpu.memory_space<vmem>>
      %dma_wait3A_223 = tpu.memref_squeeze %dma_wait3A_222 : memref<1x125xi32, #tpu.memory_space<vmem>> -> memref<125xi32, #tpu.memory_space<vmem>>
      %dma_wait3A_224 = arith.constant 0 : i32
      %dma_wait3A_225 = arith.constant 0 : i32
      %dma_wait3A_226 = tpu.memref_slice %arg8[%dma_wait3A_224, %dma_wait3A_225] : memref<10112x16xf32, #tpu.memory_space<vmem_shared>> -> memref<10112x16xf32, #tpu.memory_space<vmem_shared>>
      tpu.wait_indirect_dma semaphore(%arg26 : memref<!tpu.dma_semaphore, #tpu.memory_space<semaphore_mem>>) src(%arg10 : memref<125x16xf32, #tpu.memory_space<vmem>>) dst(%dma_wait3A_226 : memref<10112x16xf32, #tpu.memory_space<vmem_shared>>)
    } else {
    }
    %gt3A_148 = arith.constant 9 : i32
    %gt3A_149 = arith.cmpi sgt, %select_n3A, %gt3A_148 : i32
    %convert_element_type3A_150 = arith.extui %gt3A_149 : i1 to i32
    %cond3A_151 = arith.constant 0 : i32
    %cond3A_152 = arith.cmpi ne, %convert_element_type3A_150, %cond3A_151 : i32
    scf.if %cond3A_152 {
      %add3A_219 = arith.constant 9 : i32
      %add3A_220 = arith.addi %sub3A, %add3A_219 : i32
      %dma_start3A_221 = arith.constant 0 : i32
      %dma_start3A_222 = tpu.memref_slice %arg6[%add3A_220, %dma_start3A_221] : memref<80x125xi32, #tpu.memory_space<vmem>> -> memref<1x125xi32, #tpu.memory_space<vmem>>
      %dma_start3A_223 = tpu.memref_squeeze %dma_start3A_222 : memref<1x125xi32, #tpu.memory_space<vmem>> -> memref<125xi32, #tpu.memory_space<vmem>>
      %dma_start3A_224 = arith.constant 0 : i32
      %dma_start3A_225 = arith.constant 0 : i32
      %dma_start3A_226 = tpu.memref_slice %arg2[%dma_start3A_224, %dma_start3A_225] : memref<10000x16xf32, #tpu.memory_space<hbm>> -> memref<10000x16xf32, #tpu.memory_space<hbm>>
      tpu.enqueue_indirect_dma source(%dma_start3A_226 : memref<10000x16xf32, #tpu.memory_space<hbm>>) target(%arg10 : memref<125x16xf32, #tpu.memory_space<vmem>>) offsets(%dma_start3A_223 : memref<125xi32, #tpu.memory_space<vmem>>) semaphore(%arg18 : memref<!tpu.dma_semaphore, #tpu.memory_space<semaphore_mem>>)
    } else {
    }
    %gt3A_153 = arith.constant 6 : i32
    %gt3A_154 = arith.cmpi sgt, %select_n3A, %gt3A_153 : i32
    %convert_element_type3A_155 = arith.extui %gt3A_154 : i1 to i32
    %cond3A_156 = arith.constant 0 : i32
    %cond3A_157 = arith.cmpi ne, %convert_element_type3A_155, %cond3A_156 : i32
    scf.if %cond3A_157 {
      %add3A_219 = arith.constant 6 : i32
      %add3A_220 = arith.addi %sub3A, %add3A_219 : i32
      %dma_wait3A_221 = arith.constant 0 : i32
      %dma_wait3A_222 = tpu.memref_slice %arg6[%add3A_220, %dma_wait3A_221] : memref<80x125xi32, #tpu.memory_space<vmem>> -> memref<1x125xi32, #tpu.memory_space<vmem>>
      %dma_wait3A_223 = tpu.memref_squeeze %dma_wait3A_222 : memref<1x125xi32, #tpu.memory_space<vmem>> -> memref<125xi32, #tpu.memory_space<vmem>>
      %dma_wait3A_224 = arith.constant 0 : i32
      %dma_wait3A_225 = arith.constant 0 : i32
      %dma_wait3A_226 = tpu.memref_slice %arg2[%dma_wait3A_224, %dma_wait3A_225] : memref<10000x16xf32, #tpu.memory_space<hbm>> -> memref<10000x16xf32, #tpu.memory_space<hbm>>
      tpu.wait_indirect_dma semaphore(%arg23 : memref<!tpu.dma_semaphore, #tpu.memory_space<semaphore_mem>>) src(%dma_wait3A_226 : memref<10000x16xf32, #tpu.memory_space<hbm>>) dst(%arg15 : memref<125x16xf32, #tpu.memory_space<vmem>>)
    } else {
    }
    %gt3A_158 = arith.constant 6 : i32
    %gt3A_159 = arith.cmpi sgt, %select_n3A, %gt3A_158 : i32
    %convert_element_type3A_160 = arith.extui %gt3A_159 : i1 to i32
    %cond3A_161 = arith.constant 0 : i32
    %cond3A_162 = arith.cmpi ne, %convert_element_type3A_160, %cond3A_161 : i32
    scf.if %cond3A_162 {
      %add3A_219 = arith.constant 6 : i32
      %add3A_220 = arith.addi %sub3A, %add3A_219 : i32
      %dma_start3A_221 = arith.constant 0 : i32
      %dma_start3A_222 = tpu.memref_slice %arg7[%add3A_220, %dma_start3A_221] : memref<80x125xi32, #tpu.memory_space<vmem>> -> memref<1x125xi32, #tpu.memory_space<vmem>>
      %dma_start3A_223 = tpu.memref_squeeze %dma_start3A_222 : memref<1x125xi32, #tpu.memory_space<vmem>> -> memref<125xi32, #tpu.memory_space<vmem>>
      %dma_start3A_224 = arith.constant 0 : i32
      %dma_start3A_225 = arith.constant 0 : i32
      %dma_start3A_226 = tpu.memref_slice %arg8[%dma_start3A_224, %dma_start3A_225] : memref<10112x16xf32, #tpu.memory_space<vmem_shared>> -> memref<10112x16xf32, #tpu.memory_space<vmem_shared>>
      tpu.enqueue_indirect_dma source(%arg15 : memref<125x16xf32, #tpu.memory_space<vmem>>) target(%dma_start3A_226 : memref<10112x16xf32, #tpu.memory_space<vmem_shared>>) offsets(%dma_start3A_223 : memref<125xi32, #tpu.memory_space<vmem>>) semaphore(%arg31 : memref<!tpu.dma_semaphore, #tpu.memory_space<semaphore_mem>>) {add = true}
    } else {
    }
    %gt3A_163 = arith.constant 2 : i32
    %gt3A_164 = arith.cmpi sgt, %select_n3A, %gt3A_163 : i32
    %convert_element_type3A_165 = arith.extui %gt3A_164 : i1 to i32
    %cond3A_166 = arith.constant 0 : i32
    %cond3A_167 = arith.cmpi ne, %convert_element_type3A_165, %cond3A_166 : i32
    scf.if %cond3A_167 {
      %add3A_219 = arith.constant 2 : i32
      %add3A_220 = arith.addi %sub3A, %add3A_219 : i32
      %dma_wait3A_221 = arith.constant 0 : i32
      %dma_wait3A_222 = tpu.memref_slice %arg7[%add3A_220, %dma_wait3A_221] : memref<80x125xi32, #tpu.memory_space<vmem>> -> memref<1x125xi32, #tpu.memory_space<vmem>>
      %dma_wait3A_223 = tpu.memref_squeeze %dma_wait3A_222 : memref<1x125xi32, #tpu.memory_space<vmem>> -> memref<125xi32, #tpu.memory_space<vmem>>
      %dma_wait3A_224 = arith.constant 0 : i32
      %dma_wait3A_225 = arith.constant 0 : i32
      %dma_wait3A_226 = tpu.memref_slice %arg8[%dma_wait3A_224, %dma_wait3A_225] : memref<10112x16xf32, #tpu.memory_space<vmem_shared>> -> memref<10112x16xf32, #tpu.memory_space<vmem_shared>>
      tpu.wait_indirect_dma semaphore(%arg27 : memref<!tpu.dma_semaphore, #tpu.memory_space<semaphore_mem>>) src(%arg11 : memref<125x16xf32, #tpu.memory_space<vmem>>) dst(%dma_wait3A_226 : memref<10112x16xf32, #tpu.memory_space<vmem_shared>>)
    } else {
    }
    %gt3A_168 = arith.constant 10 : i32
    %gt3A_169 = arith.cmpi sgt, %select_n3A, %gt3A_168 : i32
    %convert_element_type3A_170 = arith.extui %gt3A_169 : i1 to i32
    %cond3A_171 = arith.constant 0 : i32
    %cond3A_172 = arith.cmpi ne, %convert_element_type3A_170, %cond3A_171 : i32
    scf.if %cond3A_172 {
      %add3A_219 = arith.constant 10 : i32
      %add3A_220 = arith.addi %sub3A, %add3A_219 : i32
      %dma_start3A_221 = arith.constant 0 : i32
      %dma_start3A_222 = tpu.memref_slice %arg6[%add3A_220, %dma_start3A_221] : memref<80x125xi32, #tpu.memory_space<vmem>> -> memref<1x125xi32, #tpu.memory_space<vmem>>
      %dma_start3A_223 = tpu.memref_squeeze %dma_start3A_222 : memref<1x125xi32, #tpu.memory_space<vmem>> -> memref<125xi32, #tpu.memory_space<vmem>>
      %dma_start3A_224 = arith.constant 0 : i32
      %dma_start3A_225 = arith.constant 0 : i32
      %dma_start3A_226 = tpu.memref_slice %arg2[%dma_start3A_224, %dma_start3A_225] : memref<10000x16xf32, #tpu.memory_space<hbm>> -> memref<10000x16xf32, #tpu.memory_space<hbm>>
      tpu.enqueue_indirect_dma source(%dma_start3A_226 : memref<10000x16xf32, #tpu.memory_space<hbm>>) target(%arg11 : memref<125x16xf32, #tpu.memory_space<vmem>>) offsets(%dma_start3A_223 : memref<125xi32, #tpu.memory_space<vmem>>) semaphore(%arg19 : memref<!tpu.dma_semaphore, #tpu.memory_space<semaphore_mem>>)
    } else {
    }
    %gt3A_173 = arith.constant 7 : i32
    %gt3A_174 = arith.cmpi sgt, %select_n3A, %gt3A_173 : i32
    %convert_element_type3A_175 = arith.extui %gt3A_174 : i1 to i32
    %cond3A_176 = arith.constant 0 : i32
    %cond3A_177 = arith.cmpi ne, %convert_element_type3A_175, %cond3A_176 : i32
    scf.if %cond3A_177 {
      %add3A_219 = arith.constant 7 : i32
      %add3A_220 = arith.addi %sub3A, %add3A_219 : i32
      %dma_wait3A_221 = arith.constant 0 : i32
      %dma_wait3A_222 = tpu.memref_slice %arg6[%add3A_220, %dma_wait3A_221] : memref<80x125xi32, #tpu.memory_space<vmem>> -> memref<1x125xi32, #tpu.memory_space<vmem>>
      %dma_wait3A_223 = tpu.memref_squeeze %dma_wait3A_222 : memref<1x125xi32, #tpu.memory_space<vmem>> -> memref<125xi32, #tpu.memory_space<vmem>>
      %dma_wait3A_224 = arith.constant 0 : i32
      %dma_wait3A_225 = arith.constant 0 : i32
      %dma_wait3A_226 = tpu.memref_slice %arg2[%dma_wait3A_224, %dma_wait3A_225] : memref<10000x16xf32, #tpu.memory_space<hbm>> -> memref<10000x16xf32, #tpu.memory_space<hbm>>
      tpu.wait_indirect_dma semaphore(%arg24 : memref<!tpu.dma_semaphore, #tpu.memory_space<semaphore_mem>>) src(%dma_wait3A_226 : memref<10000x16xf32, #tpu.memory_space<hbm>>) dst(%arg16 : memref<125x16xf32, #tpu.memory_space<vmem>>)
    } else {
    }
    %gt3A_178 = arith.constant 7 : i32
    %gt3A_179 = arith.cmpi sgt, %select_n3A, %gt3A_178 : i32
    %convert_element_type3A_180 = arith.extui %gt3A_179 : i1 to i32
    %cond3A_181 = arith.constant 0 : i32
    %cond3A_182 = arith.cmpi ne, %convert_element_type3A_180, %cond3A_181 : i32
    scf.if %cond3A_182 {
      %add3A_219 = arith.constant 7 : i32
      %add3A_220 = arith.addi %sub3A, %add3A_219 : i32
      %dma_start3A_221 = arith.constant 0 : i32
      %dma_start3A_222 = tpu.memref_slice %arg7[%add3A_220, %dma_start3A_221] : memref<80x125xi32, #tpu.memory_space<vmem>> -> memref<1x125xi32, #tpu.memory_space<vmem>>
      %dma_start3A_223 = tpu.memref_squeeze %dma_start3A_222 : memref<1x125xi32, #tpu.memory_space<vmem>> -> memref<125xi32, #tpu.memory_space<vmem>>
      %dma_start3A_224 = arith.constant 0 : i32
      %dma_start3A_225 = arith.constant 0 : i32
      %dma_start3A_226 = tpu.memref_slice %arg8[%dma_start3A_224, %dma_start3A_225] : memref<10112x16xf32, #tpu.memory_space<vmem_shared>> -> memref<10112x16xf32, #tpu.memory_space<vmem_shared>>
      tpu.enqueue_indirect_dma source(%arg16 : memref<125x16xf32, #tpu.memory_space<vmem>>) target(%dma_start3A_226 : memref<10112x16xf32, #tpu.memory_space<vmem_shared>>) offsets(%dma_start3A_223 : memref<125xi32, #tpu.memory_space<vmem>>) semaphore(%arg32 : memref<!tpu.dma_semaphore, #tpu.memory_space<semaphore_mem>>) {add = true}
    } else {
    }
    %gt3A_183 = arith.constant 3 : i32
    %gt3A_184 = arith.cmpi sgt, %select_n3A, %gt3A_183 : i32
    %convert_element_type3A_185 = arith.extui %gt3A_184 : i1 to i32
    %cond3A_186 = arith.constant 0 : i32
    %cond3A_187 = arith.cmpi ne, %convert_element_type3A_185, %cond3A_186 : i32
    scf.if %cond3A_187 {
      %add3A_219 = arith.constant 3 : i32
      %add3A_220 = arith.addi %sub3A, %add3A_219 : i32
      %dma_wait3A_221 = arith.constant 0 : i32
      %dma_wait3A_222 = tpu.memref_slice %arg7[%add3A_220, %dma_wait3A_221] : memref<80x125xi32, #tpu.memory_space<vmem>> -> memref<1x125xi32, #tpu.memory_space<vmem>>
      %dma_wait3A_223 = tpu.memref_squeeze %dma_wait3A_222 : memref<1x125xi32, #tpu.memory_space<vmem>> -> memref<125xi32, #tpu.memory_space<vmem>>
      %dma_wait3A_224 = arith.constant 0 : i32
      %dma_wait3A_225 = arith.constant 0 : i32
      %dma_wait3A_226 = tpu.memref_slice %arg8[%dma_wait3A_224, %dma_wait3A_225] : memref<10112x16xf32, #tpu.memory_space<vmem_shared>> -> memref<10112x16xf32, #tpu.memory_space<vmem_shared>>
      tpu.wait_indirect_dma semaphore(%arg28 : memref<!tpu.dma_semaphore, #tpu.memory_space<semaphore_mem>>) src(%arg12 : memref<125x16xf32, #tpu.memory_space<vmem>>) dst(%dma_wait3A_226 : memref<10112x16xf32, #tpu.memory_space<vmem_shared>>)
    } else {
    }
    %gt3A_188 = arith.constant 11 : i32
    %gt3A_189 = arith.cmpi sgt, %select_n3A, %gt3A_188 : i32
    %convert_element_type3A_190 = arith.extui %gt3A_189 : i1 to i32
    %cond3A_191 = arith.constant 0 : i32
    %cond3A_192 = arith.cmpi ne, %convert_element_type3A_190, %cond3A_191 : i32
    scf.if %cond3A_192 {
      %add3A_219 = arith.constant 11 : i32
      %add3A_220 = arith.addi %sub3A, %add3A_219 : i32
      %dma_start3A_221 = arith.constant 0 : i32
      %dma_start3A_222 = tpu.memref_slice %arg6[%add3A_220, %dma_start3A_221] : memref<80x125xi32, #tpu.memory_space<vmem>> -> memref<1x125xi32, #tpu.memory_space<vmem>>
      %dma_start3A_223 = tpu.memref_squeeze %dma_start3A_222 : memref<1x125xi32, #tpu.memory_space<vmem>> -> memref<125xi32, #tpu.memory_space<vmem>>
      %dma_start3A_224 = arith.constant 0 : i32
      %dma_start3A_225 = arith.constant 0 : i32
      %dma_start3A_226 = tpu.memref_slice %arg2[%dma_start3A_224, %dma_start3A_225] : memref<10000x16xf32, #tpu.memory_space<hbm>> -> memref<10000x16xf32, #tpu.memory_space<hbm>>
      tpu.enqueue_indirect_dma source(%dma_start3A_226 : memref<10000x16xf32, #tpu.memory_space<hbm>>) target(%arg12 : memref<125x16xf32, #tpu.memory_space<vmem>>) offsets(%dma_start3A_223 : memref<125xi32, #tpu.memory_space<vmem>>) semaphore(%arg20 : memref<!tpu.dma_semaphore, #tpu.memory_space<semaphore_mem>>)
    } else {
    }
    %scan3A = arith.constant 0 : i32
    %scan3A_193 = arith.constant 1 : i32
    %scan3A_194 = arith.constant 9 : i32
    %scan3A_195 = arith.addi %scan3A_193, %scan3A_194 : i32
    %scan3A_196 = arith.constant 1 : i32
    scf.for %scan3A_219 = %scan3A_193 to %scan3A_195 step %scan3A_196  : i32 {
      %mul3A_220 = arith.constant 8 : i32
      %mul3A_221 = arith.muli %scan3A_219, %mul3A_220 : i32
      %add3A_222 = arith.constant 0 : i32
      %add3A_223 = arith.addi %mul3A_221, %add3A_222 : i32
      %lt3A = arith.cmpi slt, %add3A_223, %select_n3A : i32
      %convert_element_type3A_224 = arith.extui %lt3A : i1 to i32
      %cond3A_225 = arith.constant 0 : i32
      %cond3A_226 = arith.cmpi ne, %convert_element_type3A_224, %cond3A_225 : i32
      scf.if %cond3A_226 {
        %add3A_411 = arith.addi %sub3A, %add3A_223 : i32
        %dma_wait3A_412 = arith.constant 0 : i32
        %dma_wait3A_413 = tpu.memref_slice %arg6[%add3A_411, %dma_wait3A_412] : memref<80x125xi32, #tpu.memory_space<vmem>> -> memref<1x125xi32, #tpu.memory_space<vmem>>
        %dma_wait3A_414 = tpu.memref_squeeze %dma_wait3A_413 : memref<1x125xi32, #tpu.memory_space<vmem>> -> memref<125xi32, #tpu.memory_space<vmem>>
        %dma_wait3A_415 = arith.constant 0 : i32
        %dma_wait3A_416 = arith.constant 0 : i32
        %dma_wait3A_417 = tpu.memref_slice %arg2[%dma_wait3A_415, %dma_wait3A_416] : memref<10000x16xf32, #tpu.memory_space<hbm>> -> memref<10000x16xf32, #tpu.memory_space<hbm>>
        tpu.wait_indirect_dma semaphore(%arg17 : memref<!tpu.dma_semaphore, #tpu.memory_space<semaphore_mem>>) src(%dma_wait3A_417 : memref<10000x16xf32, #tpu.memory_space<hbm>>) dst(%arg9 : memref<125x16xf32, #tpu.memory_space<vmem>>)
      } else {
      }
      %lt3A_227 = arith.cmpi slt, %add3A_223, %select_n3A : i32
      %convert_element_type3A_228 = arith.extui %lt3A_227 : i1 to i32
      %cond3A_229 = arith.constant 0 : i32
      %cond3A_230 = arith.cmpi ne, %convert_element_type3A_228, %cond3A_229 : i32
      scf.if %cond3A_230 {
        %add3A_411 = arith.addi %sub3A, %add3A_223 : i32
        %dma_start3A_412 = arith.constant 0 : i32
        %dma_start3A_413 = tpu.memref_slice %arg7[%add3A_411, %dma_start3A_412] : memref<80x125xi32, #tpu.memory_space<vmem>> -> memref<1x125xi32, #tpu.memory_space<vmem>>
        %dma_start3A_414 = tpu.memref_squeeze %dma_start3A_413 : memref<1x125xi32, #tpu.memory_space<vmem>> -> memref<125xi32, #tpu.memory_space<vmem>>
        %dma_start3A_415 = arith.constant 0 : i32
        %dma_start3A_416 = arith.constant 0 : i32
        %dma_start3A_417 = tpu.memref_slice %arg8[%dma_start3A_415, %dma_start3A_416] : memref<10112x16xf32, #tpu.memory_space<vmem_shared>> -> memref<10112x16xf32, #tpu.memory_space<vmem_shared>>
        tpu.enqueue_indirect_dma source(%arg9 : memref<125x16xf32, #tpu.memory_space<vmem>>) target(%dma_start3A_417 : memref<10112x16xf32, #tpu.memory_space<vmem_shared>>) offsets(%dma_start3A_414 : memref<125xi32, #tpu.memory_space<vmem>>) semaphore(%arg25 : memref<!tpu.dma_semaphore, #tpu.memory_space<semaphore_mem>>) {add = true}
      } else {
      }
      %sub3A_231 = arith.constant 4 : i32
      %sub3A_232 = arith.subi %add3A_223, %sub3A_231 : i32
      %lt3A_233 = arith.cmpi slt, %sub3A_232, %select_n3A : i32
      %convert_element_type3A_234 = arith.extui %lt3A_233 : i1 to i32
      %cond3A_235 = arith.constant 0 : i32
      %cond3A_236 = arith.cmpi ne, %convert_element_type3A_234, %cond3A_235 : i32
      scf.if %cond3A_236 {
        %add3A_411 = arith.addi %sub3A, %sub3A_232 : i32
        %dma_wait3A_412 = arith.constant 0 : i32
        %dma_wait3A_413 = tpu.memref_slice %arg7[%add3A_411, %dma_wait3A_412] : memref<80x125xi32, #tpu.memory_space<vmem>> -> memref<1x125xi32, #tpu.memory_space<vmem>>
        %dma_wait3A_414 = tpu.memref_squeeze %dma_wait3A_413 : memref<1x125xi32, #tpu.memory_space<vmem>> -> memref<125xi32, #tpu.memory_space<vmem>>
        %dma_wait3A_415 = arith.constant 0 : i32
        %dma_wait3A_416 = arith.constant 0 : i32
        %dma_wait3A_417 = tpu.memref_slice %arg8[%dma_wait3A_415, %dma_wait3A_416] : memref<10112x16xf32, #tpu.memory_space<vmem_shared>> -> memref<10112x16xf32, #tpu.memory_space<vmem_shared>>
        tpu.wait_indirect_dma semaphore(%arg29 : memref<!tpu.dma_semaphore, #tpu.memory_space<semaphore_mem>>) src(%arg13 : memref<125x16xf32, #tpu.memory_space<vmem>>) dst(%dma_wait3A_417 : memref<10112x16xf32, #tpu.memory_space<vmem_shared>>)
      } else {
      }
      %add3A_237 = arith.constant 4 : i32
      %add3A_238 = arith.addi %add3A_223, %add3A_237 : i32
      %lt3A_239 = arith.cmpi slt, %add3A_238, %select_n3A : i32
      %convert_element_type3A_240 = arith.extui %lt3A_239 : i1 to i32
      %cond3A_241 = arith.constant 0 : i32
      %cond3A_242 = arith.cmpi ne, %convert_element_type3A_240, %cond3A_241 : i32
      scf.if %cond3A_242 {
        %add3A_411 = arith.addi %sub3A, %add3A_238 : i32
        %dma_start3A_412 = arith.constant 0 : i32
        %dma_start3A_413 = tpu.memref_slice %arg6[%add3A_411, %dma_start3A_412] : memref<80x125xi32, #tpu.memory_space<vmem>> -> memref<1x125xi32, #tpu.memory_space<vmem>>
        %dma_start3A_414 = tpu.memref_squeeze %dma_start3A_413 : memref<1x125xi32, #tpu.memory_space<vmem>> -> memref<125xi32, #tpu.memory_space<vmem>>
        %dma_start3A_415 = arith.constant 0 : i32
        %dma_start3A_416 = arith.constant 0 : i32
        %dma_start3A_417 = tpu.memref_slice %arg2[%dma_start3A_415, %dma_start3A_416] : memref<10000x16xf32, #tpu.memory_space<hbm>> -> memref<10000x16xf32, #tpu.memory_space<hbm>>
        tpu.enqueue_indirect_dma source(%dma_start3A_417 : memref<10000x16xf32, #tpu.memory_space<hbm>>) target(%arg13 : memref<125x16xf32, #tpu.memory_space<vmem>>) offsets(%dma_start3A_414 : memref<125xi32, #tpu.memory_space<vmem>>) semaphore(%arg21 : memref<!tpu.dma_semaphore, #tpu.memory_space<semaphore_mem>>)
      } else {
      }
      %mul3A_243 = arith.constant 8 : i32
      %mul3A_244 = arith.muli %scan3A_219, %mul3A_243 : i32
      %add3A_245 = arith.constant 1 : i32
      %add3A_246 = arith.addi %mul3A_244, %add3A_245 : i32
      %lt3A_247 = arith.cmpi slt, %add3A_246, %select_n3A : i32
      %convert_element_type3A_248 = arith.extui %lt3A_247 : i1 to i32
      %cond3A_249 = arith.constant 0 : i32
      %cond3A_250 = arith.cmpi ne, %convert_element_type3A_248, %cond3A_249 : i32
      scf.if %cond3A_250 {
        %add3A_411 = arith.addi %sub3A, %add3A_246 : i32
        %dma_wait3A_412 = arith.constant 0 : i32
        %dma_wait3A_413 = tpu.memref_slice %arg6[%add3A_411, %dma_wait3A_412] : memref<80x125xi32, #tpu.memory_space<vmem>> -> memref<1x125xi32, #tpu.memory_space<vmem>>
        %dma_wait3A_414 = tpu.memref_squeeze %dma_wait3A_413 : memref<1x125xi32, #tpu.memory_space<vmem>> -> memref<125xi32, #tpu.memory_space<vmem>>
        %dma_wait3A_415 = arith.constant 0 : i32
        %dma_wait3A_416 = arith.constant 0 : i32
        %dma_wait3A_417 = tpu.memref_slice %arg2[%dma_wait3A_415, %dma_wait3A_416] : memref<10000x16xf32, #tpu.memory_space<hbm>> -> memref<10000x16xf32, #tpu.memory_space<hbm>>
        tpu.wait_indirect_dma semaphore(%arg18 : memref<!tpu.dma_semaphore, #tpu.memory_space<semaphore_mem>>) src(%dma_wait3A_417 : memref<10000x16xf32, #tpu.memory_space<hbm>>) dst(%arg10 : memref<125x16xf32, #tpu.memory_space<vmem>>)
      } else {
      }
      %lt3A_251 = arith.cmpi slt, %add3A_246, %select_n3A : i32
      %convert_element_type3A_252 = arith.extui %lt3A_251 : i1 to i32
      %cond3A_253 = arith.constant 0 : i32
      %cond3A_254 = arith.cmpi ne, %convert_element_type3A_252, %cond3A_253 : i32
      scf.if %cond3A_254 {
        %add3A_411 = arith.addi %sub3A, %add3A_246 : i32
        %dma_start3A_412 = arith.constant 0 : i32
        %dma_start3A_413 = tpu.memref_slice %arg7[%add3A_411, %dma_start3A_412] : memref<80x125xi32, #tpu.memory_space<vmem>> -> memref<1x125xi32, #tpu.memory_space<vmem>>
        %dma_start3A_414 = tpu.memref_squeeze %dma_start3A_413 : memref<1x125xi32, #tpu.memory_space<vmem>> -> memref<125xi32, #tpu.memory_space<vmem>>
        %dma_start3A_415 = arith.constant 0 : i32
        %dma_start3A_416 = arith.constant 0 : i32
        %dma_start3A_417 = tpu.memref_slice %arg8[%dma_start3A_415, %dma_start3A_416] : memref<10112x16xf32, #tpu.memory_space<vmem_shared>> -> memref<10112x16xf32, #tpu.memory_space<vmem_shared>>
        tpu.enqueue_indirect_dma source(%arg10 : memref<125x16xf32, #tpu.memory_space<vmem>>) target(%dma_start3A_417 : memref<10112x16xf32, #tpu.memory_space<vmem_shared>>) offsets(%dma_start3A_414 : memref<125xi32, #tpu.memory_space<vmem>>) semaphore(%arg26 : memref<!tpu.dma_semaphore, #tpu.memory_space<semaphore_mem>>) {add = true}
      } else {
      }
      %sub3A_255 = arith.constant 4 : i32
      %sub3A_256 = arith.subi %add3A_246, %sub3A_255 : i32
      %lt3A_257 = arith.cmpi slt, %sub3A_256, %select_n3A : i32
      %convert_element_type3A_258 = arith.extui %lt3A_257 : i1 to i32
      %cond3A_259 = arith.constant 0 : i32
      %cond3A_260 = arith.cmpi ne, %convert_element_type3A_258, %cond3A_259 : i32
      scf.if %cond3A_260 {
        %add3A_411 = arith.addi %sub3A, %sub3A_256 : i32
        %dma_wait3A_412 = arith.constant 0 : i32
        %dma_wait3A_413 = tpu.memref_slice %arg7[%add3A_411, %dma_wait3A_412] : memref<80x125xi32, #tpu.memory_space<vmem>> -> memref<1x125xi32, #tpu.memory_space<vmem>>
        %dma_wait3A_414 = tpu.memref_squeeze %dma_wait3A_413 : memref<1x125xi32, #tpu.memory_space<vmem>> -> memref<125xi32, #tpu.memory_space<vmem>>
        %dma_wait3A_415 = arith.constant 0 : i32
        %dma_wait3A_416 = arith.constant 0 : i32
        %dma_wait3A_417 = tpu.memref_slice %arg8[%dma_wait3A_415, %dma_wait3A_416] : memref<10112x16xf32, #tpu.memory_space<vmem_shared>> -> memref<10112x16xf32, #tpu.memory_space<vmem_shared>>
        tpu.wait_indirect_dma semaphore(%arg30 : memref<!tpu.dma_semaphore, #tpu.memory_space<semaphore_mem>>) src(%arg14 : memref<125x16xf32, #tpu.memory_space<vmem>>) dst(%dma_wait3A_417 : memref<10112x16xf32, #tpu.memory_space<vmem_shared>>)
      } else {
      }
      %add3A_261 = arith.constant 4 : i32
      %add3A_262 = arith.addi %add3A_246, %add3A_261 : i32
      %lt3A_263 = arith.cmpi slt, %add3A_262, %select_n3A : i32
      %convert_element_type3A_264 = arith.extui %lt3A_263 : i1 to i32
      %cond3A_265 = arith.constant 0 : i32
      %cond3A_266 = arith.cmpi ne, %convert_element_type3A_264, %cond3A_265 : i32
      scf.if %cond3A_266 {
        %add3A_411 = arith.addi %sub3A, %add3A_262 : i32
        %dma_start3A_412 = arith.constant 0 : i32
        %dma_start3A_413 = tpu.memref_slice %arg6[%add3A_411, %dma_start3A_412] : memref<80x125xi32, #tpu.memory_space<vmem>> -> memref<1x125xi32, #tpu.memory_space<vmem>>
        %dma_start3A_414 = tpu.memref_squeeze %dma_start3A_413 : memref<1x125xi32, #tpu.memory_space<vmem>> -> memref<125xi32, #tpu.memory_space<vmem>>
        %dma_start3A_415 = arith.constant 0 : i32
        %dma_start3A_416 = arith.constant 0 : i32
        %dma_start3A_417 = tpu.memref_slice %arg2[%dma_start3A_415, %dma_start3A_416] : memref<10000x16xf32, #tpu.memory_space<hbm>> -> memref<10000x16xf32, #tpu.memory_space<hbm>>
        tpu.enqueue_indirect_dma source(%dma_start3A_417 : memref<10000x16xf32, #tpu.memory_space<hbm>>) target(%arg14 : memref<125x16xf32, #tpu.memory_space<vmem>>) offsets(%dma_start3A_414 : memref<125xi32, #tpu.memory_space<vmem>>) semaphore(%arg22 : memref<!tpu.dma_semaphore, #tpu.memory_space<semaphore_mem>>)
      } else {
      }
      %mul3A_267 = arith.constant 8 : i32
      %mul3A_268 = arith.muli %scan3A_219, %mul3A_267 : i32
      %add3A_269 = arith.constant 2 : i32
      %add3A_270 = arith.addi %mul3A_268, %add3A_269 : i32
      %lt3A_271 = arith.cmpi slt, %add3A_270, %select_n3A : i32
      %convert_element_type3A_272 = arith.extui %lt3A_271 : i1 to i32
      %cond3A_273 = arith.constant 0 : i32
      %cond3A_274 = arith.cmpi ne, %convert_element_type3A_272, %cond3A_273 : i32
      scf.if %cond3A_274 {
        %add3A_411 = arith.addi %sub3A, %add3A_270 : i32
        %dma_wait3A_412 = arith.constant 0 : i32
        %dma_wait3A_413 = tpu.memref_slice %arg6[%add3A_411, %dma_wait3A_412] : memref<80x125xi32, #tpu.memory_space<vmem>> -> memref<1x125xi32, #tpu.memory_space<vmem>>
        %dma_wait3A_414 = tpu.memref_squeeze %dma_wait3A_413 : memref<1x125xi32, #tpu.memory_space<vmem>> -> memref<125xi32, #tpu.memory_space<vmem>>
        %dma_wait3A_415 = arith.constant 0 : i32
        %dma_wait3A_416 = arith.constant 0 : i32
        %dma_wait3A_417 = tpu.memref_slice %arg2[%dma_wait3A_415, %dma_wait3A_416] : memref<10000x16xf32, #tpu.memory_space<hbm>> -> memref<10000x16xf32, #tpu.memory_space<hbm>>
        tpu.wait_indirect_dma semaphore(%arg19 : memref<!tpu.dma_semaphore, #tpu.memory_space<semaphore_mem>>) src(%dma_wait3A_417 : memref<10000x16xf32, #tpu.memory_space<hbm>>) dst(%arg11 : memref<125x16xf32, #tpu.memory_space<vmem>>)
      } else {
      }
      %lt3A_275 = arith.cmpi slt, %add3A_270, %select_n3A : i32
      %convert_element_type3A_276 = arith.extui %lt3A_275 : i1 to i32
      %cond3A_277 = arith.constant 0 : i32
      %cond3A_278 = arith.cmpi ne, %convert_element_type3A_276, %cond3A_277 : i32
      scf.if %cond3A_278 {
        %add3A_411 = arith.addi %sub3A, %add3A_270 : i32
        %dma_start3A_412 = arith.constant 0 : i32
        %dma_start3A_413 = tpu.memref_slice %arg7[%add3A_411, %dma_start3A_412] : memref<80x125xi32, #tpu.memory_space<vmem>> -> memref<1x125xi32, #tpu.memory_space<vmem>>
        %dma_start3A_414 = tpu.memref_squeeze %dma_start3A_413 : memref<1x125xi32, #tpu.memory_space<vmem>> -> memref<125xi32, #tpu.memory_space<vmem>>
        %dma_start3A_415 = arith.constant 0 : i32
        %dma_start3A_416 = arith.constant 0 : i32
        %dma_start3A_417 = tpu.memref_slice %arg8[%dma_start3A_415, %dma_start3A_416] : memref<10112x16xf32, #tpu.memory_space<vmem_shared>> -> memref<10112x16xf32, #tpu.memory_space<vmem_shared>>
        tpu.enqueue_indirect_dma source(%arg11 : memref<125x16xf32, #tpu.memory_space<vmem>>) target(%dma_start3A_417 : memref<10112x16xf32, #tpu.memory_space<vmem_shared>>) offsets(%dma_start3A_414 : memref<125xi32, #tpu.memory_space<vmem>>) semaphore(%arg27 : memref<!tpu.dma_semaphore, #tpu.memory_space<semaphore_mem>>) {add = true}
      } else {
      }
      %sub3A_279 = arith.constant 4 : i32
      %sub3A_280 = arith.subi %add3A_270, %sub3A_279 : i32
      %lt3A_281 = arith.cmpi slt, %sub3A_280, %select_n3A : i32
      %convert_element_type3A_282 = arith.extui %lt3A_281 : i1 to i32
      %cond3A_283 = arith.constant 0 : i32
      %cond3A_284 = arith.cmpi ne, %convert_element_type3A_282, %cond3A_283 : i32
      scf.if %cond3A_284 {
        %add3A_411 = arith.addi %sub3A, %sub3A_280 : i32
        %dma_wait3A_412 = arith.constant 0 : i32
        %dma_wait3A_413 = tpu.memref_slice %arg7[%add3A_411, %dma_wait3A_412] : memref<80x125xi32, #tpu.memory_space<vmem>> -> memref<1x125xi32, #tpu.memory_space<vmem>>
        %dma_wait3A_414 = tpu.memref_squeeze %dma_wait3A_413 : memref<1x125xi32, #tpu.memory_space<vmem>> -> memref<125xi32, #tpu.memory_space<vmem>>
        %dma_wait3A_415 = arith.constant 0 : i32
        %dma_wait3A_416 = arith.constant 0 : i32
        %dma_wait3A_417 = tpu.memref_slice %arg8[%dma_wait3A_415, %dma_wait3A_416] : memref<10112x16xf32, #tpu.memory_space<vmem_shared>> -> memref<10112x16xf32, #tpu.memory_space<vmem_shared>>
        tpu.wait_indirect_dma semaphore(%arg31 : memref<!tpu.dma_semaphore, #tpu.memory_space<semaphore_mem>>) src(%arg15 : memref<125x16xf32, #tpu.memory_space<vmem>>) dst(%dma_wait3A_417 : memref<10112x16xf32, #tpu.memory_space<vmem_shared>>)
      } else {
      }
      %add3A_285 = arith.constant 4 : i32
      %add3A_286 = arith.addi %add3A_270, %add3A_285 : i32
      %lt3A_287 = arith.cmpi slt, %add3A_286, %select_n3A : i32
      %convert_element_type3A_288 = arith.extui %lt3A_287 : i1 to i32
      %cond3A_289 = arith.constant 0 : i32
      %cond3A_290 = arith.cmpi ne, %convert_element_type3A_288, %cond3A_289 : i32
      scf.if %cond3A_290 {
        %add3A_411 = arith.addi %sub3A, %add3A_286 : i32
        %dma_start3A_412 = arith.constant 0 : i32
        %dma_start3A_413 = tpu.memref_slice %arg6[%add3A_411, %dma_start3A_412] : memref<80x125xi32, #tpu.memory_space<vmem>> -> memref<1x125xi32, #tpu.memory_space<vmem>>
        %dma_start3A_414 = tpu.memref_squeeze %dma_start3A_413 : memref<1x125xi32, #tpu.memory_space<vmem>> -> memref<125xi32, #tpu.memory_space<vmem>>
        %dma_start3A_415 = arith.constant 0 : i32
        %dma_start3A_416 = arith.constant 0 : i32
        %dma_start3A_417 = tpu.memref_slice %arg2[%dma_start3A_415, %dma_start3A_416] : memref<10000x16xf32, #tpu.memory_space<hbm>> -> memref<10000x16xf32, #tpu.memory_space<hbm>>
        tpu.enqueue_indirect_dma source(%dma_start3A_417 : memref<10000x16xf32, #tpu.memory_space<hbm>>) target(%arg15 : memref<125x16xf32, #tpu.memory_space<vmem>>) offsets(%dma_start3A_414 : memref<125xi32, #tpu.memory_space<vmem>>) semaphore(%arg23 : memref<!tpu.dma_semaphore, #tpu.memory_space<semaphore_mem>>)
      } else {
      }
      %mul3A_291 = arith.constant 8 : i32
      %mul3A_292 = arith.muli %scan3A_219, %mul3A_291 : i32
      %add3A_293 = arith.constant 3 : i32
      %add3A_294 = arith.addi %mul3A_292, %add3A_293 : i32
      %lt3A_295 = arith.cmpi slt, %add3A_294, %select_n3A : i32
      %convert_element_type3A_296 = arith.extui %lt3A_295 : i1 to i32
      %cond3A_297 = arith.constant 0 : i32
      %cond3A_298 = arith.cmpi ne, %convert_element_type3A_296, %cond3A_297 : i32
      scf.if %cond3A_298 {
        %add3A_411 = arith.addi %sub3A, %add3A_294 : i32
        %dma_wait3A_412 = arith.constant 0 : i32
        %dma_wait3A_413 = tpu.memref_slice %arg6[%add3A_411, %dma_wait3A_412] : memref<80x125xi32, #tpu.memory_space<vmem>> -> memref<1x125xi32, #tpu.memory_space<vmem>>
        %dma_wait3A_414 = tpu.memref_squeeze %dma_wait3A_413 : memref<1x125xi32, #tpu.memory_space<vmem>> -> memref<125xi32, #tpu.memory_space<vmem>>
        %dma_wait3A_415 = arith.constant 0 : i32
        %dma_wait3A_416 = arith.constant 0 : i32
        %dma_wait3A_417 = tpu.memref_slice %arg2[%dma_wait3A_415, %dma_wait3A_416] : memref<10000x16xf32, #tpu.memory_space<hbm>> -> memref<10000x16xf32, #tpu.memory_space<hbm>>
        tpu.wait_indirect_dma semaphore(%arg20 : memref<!tpu.dma_semaphore, #tpu.memory_space<semaphore_mem>>) src(%dma_wait3A_417 : memref<10000x16xf32, #tpu.memory_space<hbm>>) dst(%arg12 : memref<125x16xf32, #tpu.memory_space<vmem>>)
      } else {
      }
      %lt3A_299 = arith.cmpi slt, %add3A_294, %select_n3A : i32
      %convert_element_type3A_300 = arith.extui %lt3A_299 : i1 to i32
      %cond3A_301 = arith.constant 0 : i32
      %cond3A_302 = arith.cmpi ne, %convert_element_type3A_300, %cond3A_301 : i32
      scf.if %cond3A_302 {
        %add3A_411 = arith.addi %sub3A, %add3A_294 : i32
        %dma_start3A_412 = arith.constant 0 : i32
        %dma_start3A_413 = tpu.memref_slice %arg7[%add3A_411, %dma_start3A_412] : memref<80x125xi32, #tpu.memory_space<vmem>> -> memref<1x125xi32, #tpu.memory_space<vmem>>
        %dma_start3A_414 = tpu.memref_squeeze %dma_start3A_413 : memref<1x125xi32, #tpu.memory_space<vmem>> -> memref<125xi32, #tpu.memory_space<vmem>>
        %dma_start3A_415 = arith.constant 0 : i32
        %dma_start3A_416 = arith.constant 0 : i32
        %dma_start3A_417 = tpu.memref_slice %arg8[%dma_start3A_415, %dma_start3A_416] : memref<10112x16xf32, #tpu.memory_space<vmem_shared>> -> memref<10112x16xf32, #tpu.memory_space<vmem_shared>>
        tpu.enqueue_indirect_dma source(%arg12 : memref<125x16xf32, #tpu.memory_space<vmem>>) target(%dma_start3A_417 : memref<10112x16xf32, #tpu.memory_space<vmem_shared>>) offsets(%dma_start3A_414 : memref<125xi32, #tpu.memory_space<vmem>>) semaphore(%arg28 : memref<!tpu.dma_semaphore, #tpu.memory_space<semaphore_mem>>) {add = true}
      } else {
      }
      %sub3A_303 = arith.constant 4 : i32
      %sub3A_304 = arith.subi %add3A_294, %sub3A_303 : i32
      %lt3A_305 = arith.cmpi slt, %sub3A_304, %select_n3A : i32
      %convert_element_type3A_306 = arith.extui %lt3A_305 : i1 to i32
      %cond3A_307 = arith.constant 0 : i32
      %cond3A_308 = arith.cmpi ne, %convert_element_type3A_306, %cond3A_307 : i32
      scf.if %cond3A_308 {
        %add3A_411 = arith.addi %sub3A, %sub3A_304 : i32
        %dma_wait3A_412 = arith.constant 0 : i32
        %dma_wait3A_413 = tpu.memref_slice %arg7[%add3A_411, %dma_wait3A_412] : memref<80x125xi32, #tpu.memory_space<vmem>> -> memref<1x125xi32, #tpu.memory_space<vmem>>
        %dma_wait3A_414 = tpu.memref_squeeze %dma_wait3A_413 : memref<1x125xi32, #tpu.memory_space<vmem>> -> memref<125xi32, #tpu.memory_space<vmem>>
        %dma_wait3A_415 = arith.constant 0 : i32
        %dma_wait3A_416 = arith.constant 0 : i32
        %dma_wait3A_417 = tpu.memref_slice %arg8[%dma_wait3A_415, %dma_wait3A_416] : memref<10112x16xf32, #tpu.memory_space<vmem_shared>> -> memref<10112x16xf32, #tpu.memory_space<vmem_shared>>
        tpu.wait_indirect_dma semaphore(%arg32 : memref<!tpu.dma_semaphore, #tpu.memory_space<semaphore_mem>>) src(%arg16 : memref<125x16xf32, #tpu.memory_space<vmem>>) dst(%dma_wait3A_417 : memref<10112x16xf32, #tpu.memory_space<vmem_shared>>)
      } else {
      }
      %add3A_309 = arith.constant 4 : i32
      %add3A_310 = arith.addi %add3A_294, %add3A_309 : i32
      %lt3A_311 = arith.cmpi slt, %add3A_310, %select_n3A : i32
      %convert_element_type3A_312 = arith.extui %lt3A_311 : i1 to i32
      %cond3A_313 = arith.constant 0 : i32
      %cond3A_314 = arith.cmpi ne, %convert_element_type3A_312, %cond3A_313 : i32
      scf.if %cond3A_314 {
        %add3A_411 = arith.addi %sub3A, %add3A_310 : i32
        %dma_start3A_412 = arith.constant 0 : i32
        %dma_start3A_413 = tpu.memref_slice %arg6[%add3A_411, %dma_start3A_412] : memref<80x125xi32, #tpu.memory_space<vmem>> -> memref<1x125xi32, #tpu.memory_space<vmem>>
        %dma_start3A_414 = tpu.memref_squeeze %dma_start3A_413 : memref<1x125xi32, #tpu.memory_space<vmem>> -> memref<125xi32, #tpu.memory_space<vmem>>
        %dma_start3A_415 = arith.constant 0 : i32
        %dma_start3A_416 = arith.constant 0 : i32
        %dma_start3A_417 = tpu.memref_slice %arg2[%dma_start3A_415, %dma_start3A_416] : memref<10000x16xf32, #tpu.memory_space<hbm>> -> memref<10000x16xf32, #tpu.memory_space<hbm>>
        tpu.enqueue_indirect_dma source(%dma_start3A_417 : memref<10000x16xf32, #tpu.memory_space<hbm>>) target(%arg16 : memref<125x16xf32, #tpu.memory_space<vmem>>) offsets(%dma_start3A_414 : memref<125xi32, #tpu.memory_space<vmem>>) semaphore(%arg24 : memref<!tpu.dma_semaphore, #tpu.memory_space<semaphore_mem>>)
      } else {
      }
      %mul3A_315 = arith.constant 8 : i32
      %mul3A_316 = arith.muli %scan3A_219, %mul3A_315 : i32
      %add3A_317 = arith.constant 4 : i32
      %add3A_318 = arith.addi %mul3A_316, %add3A_317 : i32
      %lt3A_319 = arith.cmpi slt, %add3A_318, %select_n3A : i32
      %convert_element_type3A_320 = arith.extui %lt3A_319 : i1 to i32
      %cond3A_321 = arith.constant 0 : i32
      %cond3A_322 = arith.cmpi ne, %convert_element_type3A_320, %cond3A_321 : i32
      scf.if %cond3A_322 {
        %add3A_411 = arith.addi %sub3A, %add3A_318 : i32
        %dma_wait3A_412 = arith.constant 0 : i32
        %dma_wait3A_413 = tpu.memref_slice %arg6[%add3A_411, %dma_wait3A_412] : memref<80x125xi32, #tpu.memory_space<vmem>> -> memref<1x125xi32, #tpu.memory_space<vmem>>
        %dma_wait3A_414 = tpu.memref_squeeze %dma_wait3A_413 : memref<1x125xi32, #tpu.memory_space<vmem>> -> memref<125xi32, #tpu.memory_space<vmem>>
        %dma_wait3A_415 = arith.constant 0 : i32
        %dma_wait3A_416 = arith.constant 0 : i32
        %dma_wait3A_417 = tpu.memref_slice %arg2[%dma_wait3A_415, %dma_wait3A_416] : memref<10000x16xf32, #tpu.memory_space<hbm>> -> memref<10000x16xf32, #tpu.memory_space<hbm>>
        tpu.wait_indirect_dma semaphore(%arg21 : memref<!tpu.dma_semaphore, #tpu.memory_space<semaphore_mem>>) src(%dma_wait3A_417 : memref<10000x16xf32, #tpu.memory_space<hbm>>) dst(%arg13 : memref<125x16xf32, #tpu.memory_space<vmem>>)
      } else {
      }
      %lt3A_323 = arith.cmpi slt, %add3A_318, %select_n3A : i32
      %convert_element_type3A_324 = arith.extui %lt3A_323 : i1 to i32
      %cond3A_325 = arith.constant 0 : i32
      %cond3A_326 = arith.cmpi ne, %convert_element_type3A_324, %cond3A_325 : i32
      scf.if %cond3A_326 {
        %add3A_411 = arith.addi %sub3A, %add3A_318 : i32
        %dma_start3A_412 = arith.constant 0 : i32
        %dma_start3A_413 = tpu.memref_slice %arg7[%add3A_411, %dma_start3A_412] : memref<80x125xi32, #tpu.memory_space<vmem>> -> memref<1x125xi32, #tpu.memory_space<vmem>>
        %dma_start3A_414 = tpu.memref_squeeze %dma_start3A_413 : memref<1x125xi32, #tpu.memory_space<vmem>> -> memref<125xi32, #tpu.memory_space<vmem>>
        %dma_start3A_415 = arith.constant 0 : i32
        %dma_start3A_416 = arith.constant 0 : i32
        %dma_start3A_417 = tpu.memref_slice %arg8[%dma_start3A_415, %dma_start3A_416] : memref<10112x16xf32, #tpu.memory_space<vmem_shared>> -> memref<10112x16xf32, #tpu.memory_space<vmem_shared>>
        tpu.enqueue_indirect_dma source(%arg13 : memref<125x16xf32, #tpu.memory_space<vmem>>) target(%dma_start3A_417 : memref<10112x16xf32, #tpu.memory_space<vmem_shared>>) offsets(%dma_start3A_414 : memref<125xi32, #tpu.memory_space<vmem>>) semaphore(%arg29 : memref<!tpu.dma_semaphore, #tpu.memory_space<semaphore_mem>>) {add = true}
      } else {
      }
      %sub3A_327 = arith.constant 4 : i32
      %sub3A_328 = arith.subi %add3A_318, %sub3A_327 : i32
      %lt3A_329 = arith.cmpi slt, %sub3A_328, %select_n3A : i32
      %convert_element_type3A_330 = arith.extui %lt3A_329 : i1 to i32
      %cond3A_331 = arith.constant 0 : i32
      %cond3A_332 = arith.cmpi ne, %convert_element_type3A_330, %cond3A_331 : i32
      scf.if %cond3A_332 {
        %add3A_411 = arith.addi %sub3A, %sub3A_328 : i32
        %dma_wait3A_412 = arith.constant 0 : i32
        %dma_wait3A_413 = tpu.memref_slice %arg7[%add3A_411, %dma_wait3A_412] : memref<80x125xi32, #tpu.memory_space<vmem>> -> memref<1x125xi32, #tpu.memory_space<vmem>>
        %dma_wait3A_414 = tpu.memref_squeeze %dma_wait3A_413 : memref<1x125xi32, #tpu.memory_space<vmem>> -> memref<125xi32, #tpu.memory_space<vmem>>
        %dma_wait3A_415 = arith.constant 0 : i32
        %dma_wait3A_416 = arith.constant 0 : i32
        %dma_wait3A_417 = tpu.memref_slice %arg8[%dma_wait3A_415, %dma_wait3A_416] : memref<10112x16xf32, #tpu.memory_space<vmem_shared>> -> memref<10112x16xf32, #tpu.memory_space<vmem_shared>>
        tpu.wait_indirect_dma semaphore(%arg25 : memref<!tpu.dma_semaphore, #tpu.memory_space<semaphore_mem>>) src(%arg9 : memref<125x16xf32, #tpu.memory_space<vmem>>) dst(%dma_wait3A_417 : memref<10112x16xf32, #tpu.memory_space<vmem_shared>>)
      } else {
      }
      %add3A_333 = arith.constant 4 : i32
      %add3A_334 = arith.addi %add3A_318, %add3A_333 : i32
      %lt3A_335 = arith.cmpi slt, %add3A_334, %select_n3A : i32
      %convert_element_type3A_336 = arith.extui %lt3A_335 : i1 to i32
      %cond3A_337 = arith.constant 0 : i32
      %cond3A_338 = arith.cmpi ne, %convert_element_type3A_336, %cond3A_337 : i32
      scf.if %cond3A_338 {
        %add3A_411 = arith.addi %sub3A, %add3A_334 : i32
        %dma_start3A_412 = arith.constant 0 : i32
        %dma_start3A_413 = tpu.memref_slice %arg6[%add3A_411, %dma_start3A_412] : memref<80x125xi32, #tpu.memory_space<vmem>> -> memref<1x125xi32, #tpu.memory_space<vmem>>
        %dma_start3A_414 = tpu.memref_squeeze %dma_start3A_413 : memref<1x125xi32, #tpu.memory_space<vmem>> -> memref<125xi32, #tpu.memory_space<vmem>>
        %dma_start3A_415 = arith.constant 0 : i32
        %dma_start3A_416 = arith.constant 0 : i32
        %dma_start3A_417 = tpu.memref_slice %arg2[%dma_start3A_415, %dma_start3A_416] : memref<10000x16xf32, #tpu.memory_space<hbm>> -> memref<10000x16xf32, #tpu.memory_space<hbm>>
        tpu.enqueue_indirect_dma source(%dma_start3A_417 : memref<10000x16xf32, #tpu.memory_space<hbm>>) target(%arg9 : memref<125x16xf32, #tpu.memory_space<vmem>>) offsets(%dma_start3A_414 : memref<125xi32, #tpu.memory_space<vmem>>) semaphore(%arg17 : memref<!tpu.dma_semaphore, #tpu.memory_space<semaphore_mem>>)
      } else {
      }
      %mul3A_339 = arith.constant 8 : i32
      %mul3A_340 = arith.muli %scan3A_219, %mul3A_339 : i32
      %add3A_341 = arith.constant 5 : i32
      %add3A_342 = arith.addi %mul3A_340, %add3A_341 : i32
      %lt3A_343 = arith.cmpi slt, %add3A_342, %select_n3A : i32
      %convert_element_type3A_344 = arith.extui %lt3A_343 : i1 to i32
      %cond3A_345 = arith.constant 0 : i32
      %cond3A_346 = arith.cmpi ne, %convert_element_type3A_344, %cond3A_345 : i32
      scf.if %cond3A_346 {
        %add3A_411 = arith.addi %sub3A, %add3A_342 : i32
        %dma_wait3A_412 = arith.constant 0 : i32
        %dma_wait3A_413 = tpu.memref_slice %arg6[%add3A_411, %dma_wait3A_412] : memref<80x125xi32, #tpu.memory_space<vmem>> -> memref<1x125xi32, #tpu.memory_space<vmem>>
        %dma_wait3A_414 = tpu.memref_squeeze %dma_wait3A_413 : memref<1x125xi32, #tpu.memory_space<vmem>> -> memref<125xi32, #tpu.memory_space<vmem>>
        %dma_wait3A_415 = arith.constant 0 : i32
        %dma_wait3A_416 = arith.constant 0 : i32
        %dma_wait3A_417 = tpu.memref_slice %arg2[%dma_wait3A_415, %dma_wait3A_416] : memref<10000x16xf32, #tpu.memory_space<hbm>> -> memref<10000x16xf32, #tpu.memory_space<hbm>>
        tpu.wait_indirect_dma semaphore(%arg22 : memref<!tpu.dma_semaphore, #tpu.memory_space<semaphore_mem>>) src(%dma_wait3A_417 : memref<10000x16xf32, #tpu.memory_space<hbm>>) dst(%arg14 : memref<125x16xf32, #tpu.memory_space<vmem>>)
      } else {
      }
      %lt3A_347 = arith.cmpi slt, %add3A_342, %select_n3A : i32
      %convert_element_type3A_348 = arith.extui %lt3A_347 : i1 to i32
      %cond3A_349 = arith.constant 0 : i32
      %cond3A_350 = arith.cmpi ne, %convert_element_type3A_348, %cond3A_349 : i32
      scf.if %cond3A_350 {
        %add3A_411 = arith.addi %sub3A, %add3A_342 : i32
        %dma_start3A_412 = arith.constant 0 : i32
        %dma_start3A_413 = tpu.memref_slice %arg7[%add3A_411, %dma_start3A_412] : memref<80x125xi32, #tpu.memory_space<vmem>> -> memref<1x125xi32, #tpu.memory_space<vmem>>
        %dma_start3A_414 = tpu.memref_squeeze %dma_start3A_413 : memref<1x125xi32, #tpu.memory_space<vmem>> -> memref<125xi32, #tpu.memory_space<vmem>>
        %dma_start3A_415 = arith.constant 0 : i32
        %dma_start3A_416 = arith.constant 0 : i32
        %dma_start3A_417 = tpu.memref_slice %arg8[%dma_start3A_415, %dma_start3A_416] : memref<10112x16xf32, #tpu.memory_space<vmem_shared>> -> memref<10112x16xf32, #tpu.memory_space<vmem_shared>>
        tpu.enqueue_indirect_dma source(%arg14 : memref<125x16xf32, #tpu.memory_space<vmem>>) target(%dma_start3A_417 : memref<10112x16xf32, #tpu.memory_space<vmem_shared>>) offsets(%dma_start3A_414 : memref<125xi32, #tpu.memory_space<vmem>>) semaphore(%arg30 : memref<!tpu.dma_semaphore, #tpu.memory_space<semaphore_mem>>) {add = true}
      } else {
      }
      %sub3A_351 = arith.constant 4 : i32
      %sub3A_352 = arith.subi %add3A_342, %sub3A_351 : i32
      %lt3A_353 = arith.cmpi slt, %sub3A_352, %select_n3A : i32
      %convert_element_type3A_354 = arith.extui %lt3A_353 : i1 to i32
      %cond3A_355 = arith.constant 0 : i32
      %cond3A_356 = arith.cmpi ne, %convert_element_type3A_354, %cond3A_355 : i32
      scf.if %cond3A_356 {
        %add3A_411 = arith.addi %sub3A, %sub3A_352 : i32
        %dma_wait3A_412 = arith.constant 0 : i32
        %dma_wait3A_413 = tpu.memref_slice %arg7[%add3A_411, %dma_wait3A_412] : memref<80x125xi32, #tpu.memory_space<vmem>> -> memref<1x125xi32, #tpu.memory_space<vmem>>
        %dma_wait3A_414 = tpu.memref_squeeze %dma_wait3A_413 : memref<1x125xi32, #tpu.memory_space<vmem>> -> memref<125xi32, #tpu.memory_space<vmem>>
        %dma_wait3A_415 = arith.constant 0 : i32
        %dma_wait3A_416 = arith.constant 0 : i32
        %dma_wait3A_417 = tpu.memref_slice %arg8[%dma_wait3A_415, %dma_wait3A_416] : memref<10112x16xf32, #tpu.memory_space<vmem_shared>> -> memref<10112x16xf32, #tpu.memory_space<vmem_shared>>
        tpu.wait_indirect_dma semaphore(%arg26 : memref<!tpu.dma_semaphore, #tpu.memory_space<semaphore_mem>>) src(%arg10 : memref<125x16xf32, #tpu.memory_space<vmem>>) dst(%dma_wait3A_417 : memref<10112x16xf32, #tpu.memory_space<vmem_shared>>)
      } else {
      }
      %add3A_357 = arith.constant 4 : i32
      %add3A_358 = arith.addi %add3A_342, %add3A_357 : i32
      %lt3A_359 = arith.cmpi slt, %add3A_358, %select_n3A : i32
      %convert_element_type3A_360 = arith.extui %lt3A_359 : i1 to i32
      %cond3A_361 = arith.constant 0 : i32
      %cond3A_362 = arith.cmpi ne, %convert_element_type3A_360, %cond3A_361 : i32
      scf.if %cond3A_362 {
        %add3A_411 = arith.addi %sub3A, %add3A_358 : i32
        %dma_start3A_412 = arith.constant 0 : i32
        %dma_start3A_413 = tpu.memref_slice %arg6[%add3A_411, %dma_start3A_412] : memref<80x125xi32, #tpu.memory_space<vmem>> -> memref<1x125xi32, #tpu.memory_space<vmem>>
        %dma_start3A_414 = tpu.memref_squeeze %dma_start3A_413 : memref<1x125xi32, #tpu.memory_space<vmem>> -> memref<125xi32, #tpu.memory_space<vmem>>
        %dma_start3A_415 = arith.constant 0 : i32
        %dma_start3A_416 = arith.constant 0 : i32
        %dma_start3A_417 = tpu.memref_slice %arg2[%dma_start3A_415, %dma_start3A_416] : memref<10000x16xf32, #tpu.memory_space<hbm>> -> memref<10000x16xf32, #tpu.memory_space<hbm>>
        tpu.enqueue_indirect_dma source(%dma_start3A_417 : memref<10000x16xf32, #tpu.memory_space<hbm>>) target(%arg10 : memref<125x16xf32, #tpu.memory_space<vmem>>) offsets(%dma_start3A_414 : memref<125xi32, #tpu.memory_space<vmem>>) semaphore(%arg18 : memref<!tpu.dma_semaphore, #tpu.memory_space<semaphore_mem>>)
      } else {
      }
      %mul3A_363 = arith.constant 8 : i32
      %mul3A_364 = arith.muli %scan3A_219, %mul3A_363 : i32
      %add3A_365 = arith.constant 6 : i32
      %add3A_366 = arith.addi %mul3A_364, %add3A_365 : i32
      %lt3A_367 = arith.cmpi slt, %add3A_366, %select_n3A : i32
      %convert_element_type3A_368 = arith.extui %lt3A_367 : i1 to i32
      %cond3A_369 = arith.constant 0 : i32
      %cond3A_370 = arith.cmpi ne, %convert_element_type3A_368, %cond3A_369 : i32
      scf.if %cond3A_370 {
        %add3A_411 = arith.addi %sub3A, %add3A_366 : i32
        %dma_wait3A_412 = arith.constant 0 : i32
        %dma_wait3A_413 = tpu.memref_slice %arg6[%add3A_411, %dma_wait3A_412] : memref<80x125xi32, #tpu.memory_space<vmem>> -> memref<1x125xi32, #tpu.memory_space<vmem>>
        %dma_wait3A_414 = tpu.memref_squeeze %dma_wait3A_413 : memref<1x125xi32, #tpu.memory_space<vmem>> -> memref<125xi32, #tpu.memory_space<vmem>>
        %dma_wait3A_415 = arith.constant 0 : i32
        %dma_wait3A_416 = arith.constant 0 : i32
        %dma_wait3A_417 = tpu.memref_slice %arg2[%dma_wait3A_415, %dma_wait3A_416] : memref<10000x16xf32, #tpu.memory_space<hbm>> -> memref<10000x16xf32, #tpu.memory_space<hbm>>
        tpu.wait_indirect_dma semaphore(%arg23 : memref<!tpu.dma_semaphore, #tpu.memory_space<semaphore_mem>>) src(%dma_wait3A_417 : memref<10000x16xf32, #tpu.memory_space<hbm>>) dst(%arg15 : memref<125x16xf32, #tpu.memory_space<vmem>>)
      } else {
      }
      %lt3A_371 = arith.cmpi slt, %add3A_366, %select_n3A : i32
      %convert_element_type3A_372 = arith.extui %lt3A_371 : i1 to i32
      %cond3A_373 = arith.constant 0 : i32
      %cond3A_374 = arith.cmpi ne, %convert_element_type3A_372, %cond3A_373 : i32
      scf.if %cond3A_374 {
        %add3A_411 = arith.addi %sub3A, %add3A_366 : i32
        %dma_start3A_412 = arith.constant 0 : i32
        %dma_start3A_413 = tpu.memref_slice %arg7[%add3A_411, %dma_start3A_412] : memref<80x125xi32, #tpu.memory_space<vmem>> -> memref<1x125xi32, #tpu.memory_space<vmem>>
        %dma_start3A_414 = tpu.memref_squeeze %dma_start3A_413 : memref<1x125xi32, #tpu.memory_space<vmem>> -> memref<125xi32, #tpu.memory_space<vmem>>
        %dma_start3A_415 = arith.constant 0 : i32
        %dma_start3A_416 = arith.constant 0 : i32
        %dma_start3A_417 = tpu.memref_slice %arg8[%dma_start3A_415, %dma_start3A_416] : memref<10112x16xf32, #tpu.memory_space<vmem_shared>> -> memref<10112x16xf32, #tpu.memory_space<vmem_shared>>
        tpu.enqueue_indirect_dma source(%arg15 : memref<125x16xf32, #tpu.memory_space<vmem>>) target(%dma_start3A_417 : memref<10112x16xf32, #tpu.memory_space<vmem_shared>>) offsets(%dma_start3A_414 : memref<125xi32, #tpu.memory_space<vmem>>) semaphore(%arg31 : memref<!tpu.dma_semaphore, #tpu.memory_space<semaphore_mem>>) {add = true}
      } else {
      }
      %sub3A_375 = arith.constant 4 : i32
      %sub3A_376 = arith.subi %add3A_366, %sub3A_375 : i32
      %lt3A_377 = arith.cmpi slt, %sub3A_376, %select_n3A : i32
      %convert_element_type3A_378 = arith.extui %lt3A_377 : i1 to i32
      %cond3A_379 = arith.constant 0 : i32
      %cond3A_380 = arith.cmpi ne, %convert_element_type3A_378, %cond3A_379 : i32
      scf.if %cond3A_380 {
        %add3A_411 = arith.addi %sub3A, %sub3A_376 : i32
        %dma_wait3A_412 = arith.constant 0 : i32
        %dma_wait3A_413 = tpu.memref_slice %arg7[%add3A_411, %dma_wait3A_412] : memref<80x125xi32, #tpu.memory_space<vmem>> -> memref<1x125xi32, #tpu.memory_space<vmem>>
        %dma_wait3A_414 = tpu.memref_squeeze %dma_wait3A_413 : memref<1x125xi32, #tpu.memory_space<vmem>> -> memref<125xi32, #tpu.memory_space<vmem>>
        %dma_wait3A_415 = arith.constant 0 : i32
        %dma_wait3A_416 = arith.constant 0 : i32
        %dma_wait3A_417 = tpu.memref_slice %arg8[%dma_wait3A_415, %dma_wait3A_416] : memref<10112x16xf32, #tpu.memory_space<vmem_shared>> -> memref<10112x16xf32, #tpu.memory_space<vmem_shared>>
        tpu.wait_indirect_dma semaphore(%arg27 : memref<!tpu.dma_semaphore, #tpu.memory_space<semaphore_mem>>) src(%arg11 : memref<125x16xf32, #tpu.memory_space<vmem>>) dst(%dma_wait3A_417 : memref<10112x16xf32, #tpu.memory_space<vmem_shared>>)
      } else {
      }
      %add3A_381 = arith.constant 4 : i32
      %add3A_382 = arith.addi %add3A_366, %add3A_381 : i32
      %lt3A_383 = arith.cmpi slt, %add3A_382, %select_n3A : i32
      %convert_element_type3A_384 = arith.extui %lt3A_383 : i1 to i32
      %cond3A_385 = arith.constant 0 : i32
      %cond3A_386 = arith.cmpi ne, %convert_element_type3A_384, %cond3A_385 : i32
      scf.if %cond3A_386 {
        %add3A_411 = arith.addi %sub3A, %add3A_382 : i32
        %dma_start3A_412 = arith.constant 0 : i32
        %dma_start3A_413 = tpu.memref_slice %arg6[%add3A_411, %dma_start3A_412] : memref<80x125xi32, #tpu.memory_space<vmem>> -> memref<1x125xi32, #tpu.memory_space<vmem>>
        %dma_start3A_414 = tpu.memref_squeeze %dma_start3A_413 : memref<1x125xi32, #tpu.memory_space<vmem>> -> memref<125xi32, #tpu.memory_space<vmem>>
        %dma_start3A_415 = arith.constant 0 : i32
        %dma_start3A_416 = arith.constant 0 : i32
        %dma_start3A_417 = tpu.memref_slice %arg2[%dma_start3A_415, %dma_start3A_416] : memref<10000x16xf32, #tpu.memory_space<hbm>> -> memref<10000x16xf32, #tpu.memory_space<hbm>>
        tpu.enqueue_indirect_dma source(%dma_start3A_417 : memref<10000x16xf32, #tpu.memory_space<hbm>>) target(%arg11 : memref<125x16xf32, #tpu.memory_space<vmem>>) offsets(%dma_start3A_414 : memref<125xi32, #tpu.memory_space<vmem>>) semaphore(%arg19 : memref<!tpu.dma_semaphore, #tpu.memory_space<semaphore_mem>>)
      } else {
      }
      %mul3A_387 = arith.constant 8 : i32
      %mul3A_388 = arith.muli %scan3A_219, %mul3A_387 : i32
      %add3A_389 = arith.constant 7 : i32
      %add3A_390 = arith.addi %mul3A_388, %add3A_389 : i32
      %lt3A_391 = arith.cmpi slt, %add3A_390, %select_n3A : i32
      %convert_element_type3A_392 = arith.extui %lt3A_391 : i1 to i32
      %cond3A_393 = arith.constant 0 : i32
      %cond3A_394 = arith.cmpi ne, %convert_element_type3A_392, %cond3A_393 : i32
      scf.if %cond3A_394 {
        %add3A_411 = arith.addi %sub3A, %add3A_390 : i32
        %dma_wait3A_412 = arith.constant 0 : i32
        %dma_wait3A_413 = tpu.memref_slice %arg6[%add3A_411, %dma_wait3A_412] : memref<80x125xi32, #tpu.memory_space<vmem>> -> memref<1x125xi32, #tpu.memory_space<vmem>>
        %dma_wait3A_414 = tpu.memref_squeeze %dma_wait3A_413 : memref<1x125xi32, #tpu.memory_space<vmem>> -> memref<125xi32, #tpu.memory_space<vmem>>
        %dma_wait3A_415 = arith.constant 0 : i32
        %dma_wait3A_416 = arith.constant 0 : i32
        %dma_wait3A_417 = tpu.memref_slice %arg2[%dma_wait3A_415, %dma_wait3A_416] : memref<10000x16xf32, #tpu.memory_space<hbm>> -> memref<10000x16xf32, #tpu.memory_space<hbm>>
        tpu.wait_indirect_dma semaphore(%arg24 : memref<!tpu.dma_semaphore, #tpu.memory_space<semaphore_mem>>) src(%dma_wait3A_417 : memref<10000x16xf32, #tpu.memory_space<hbm>>) dst(%arg16 : memref<125x16xf32, #tpu.memory_space<vmem>>)
      } else {
      }
      %lt3A_395 = arith.cmpi slt, %add3A_390, %select_n3A : i32
      %convert_element_type3A_396 = arith.extui %lt3A_395 : i1 to i32
      %cond3A_397 = arith.constant 0 : i32
      %cond3A_398 = arith.cmpi ne, %convert_element_type3A_396, %cond3A_397 : i32
      scf.if %cond3A_398 {
        %add3A_411 = arith.addi %sub3A, %add3A_390 : i32
        %dma_start3A_412 = arith.constant 0 : i32
        %dma_start3A_413 = tpu.memref_slice %arg7[%add3A_411, %dma_start3A_412] : memref<80x125xi32, #tpu.memory_space<vmem>> -> memref<1x125xi32, #tpu.memory_space<vmem>>
        %dma_start3A_414 = tpu.memref_squeeze %dma_start3A_413 : memref<1x125xi32, #tpu.memory_space<vmem>> -> memref<125xi32, #tpu.memory_space<vmem>>
        %dma_start3A_415 = arith.constant 0 : i32
        %dma_start3A_416 = arith.constant 0 : i32
        %dma_start3A_417 = tpu.memref_slice %arg8[%dma_start3A_415, %dma_start3A_416] : memref<10112x16xf32, #tpu.memory_space<vmem_shared>> -> memref<10112x16xf32, #tpu.memory_space<vmem_shared>>
        tpu.enqueue_indirect_dma source(%arg16 : memref<125x16xf32, #tpu.memory_space<vmem>>) target(%dma_start3A_417 : memref<10112x16xf32, #tpu.memory_space<vmem_shared>>) offsets(%dma_start3A_414 : memref<125xi32, #tpu.memory_space<vmem>>) semaphore(%arg32 : memref<!tpu.dma_semaphore, #tpu.memory_space<semaphore_mem>>) {add = true}
      } else {
      }
      %sub3A_399 = arith.constant 4 : i32
      %sub3A_400 = arith.subi %add3A_390, %sub3A_399 : i32
      %lt3A_401 = arith.cmpi slt, %sub3A_400, %select_n3A : i32
      %convert_element_type3A_402 = arith.extui %lt3A_401 : i1 to i32
      %cond3A_403 = arith.constant 0 : i32
      %cond3A_404 = arith.cmpi ne, %convert_element_type3A_402, %cond3A_403 : i32
      scf.if %cond3A_404 {
        %add3A_411 = arith.addi %sub3A, %sub3A_400 : i32
        %dma_wait3A_412 = arith.constant 0 : i32
        %dma_wait3A_413 = tpu.memref_slice %arg7[%add3A_411, %dma_wait3A_412] : memref<80x125xi32, #tpu.memory_space<vmem>> -> memref<1x125xi32, #tpu.memory_space<vmem>>
        %dma_wait3A_414 = tpu.memref_squeeze %dma_wait3A_413 : memref<1x125xi32, #tpu.memory_space<vmem>> -> memref<125xi32, #tpu.memory_space<vmem>>
        %dma_wait3A_415 = arith.constant 0 : i32
        %dma_wait3A_416 = arith.constant 0 : i32
        %dma_wait3A_417 = tpu.memref_slice %arg8[%dma_wait3A_415, %dma_wait3A_416] : memref<10112x16xf32, #tpu.memory_space<vmem_shared>> -> memref<10112x16xf32, #tpu.memory_space<vmem_shared>>
        tpu.wait_indirect_dma semaphore(%arg28 : memref<!tpu.dma_semaphore, #tpu.memory_space<semaphore_mem>>) src(%arg12 : memref<125x16xf32, #tpu.memory_space<vmem>>) dst(%dma_wait3A_417 : memref<10112x16xf32, #tpu.memory_space<vmem_shared>>)
      } else {
      }
      %add3A_405 = arith.constant 4 : i32
      %add3A_406 = arith.addi %add3A_390, %add3A_405 : i32
      %lt3A_407 = arith.cmpi slt, %add3A_406, %select_n3A : i32
      %convert_element_type3A_408 = arith.extui %lt3A_407 : i1 to i32
      %cond3A_409 = arith.constant 0 : i32
      %cond3A_410 = arith.cmpi ne, %convert_element_type3A_408, %cond3A_409 : i32
      scf.if %cond3A_410 {
        %add3A_411 = arith.addi %sub3A, %add3A_406 : i32
        %dma_start3A_412 = arith.constant 0 : i32
        %dma_start3A_413 = tpu.memref_slice %arg6[%add3A_411, %dma_start3A_412] : memref<80x125xi32, #tpu.memory_space<vmem>> -> memref<1x125xi32, #tpu.memory_space<vmem>>
        %dma_start3A_414 = tpu.memref_squeeze %dma_start3A_413 : memref<1x125xi32, #tpu.memory_space<vmem>> -> memref<125xi32, #tpu.memory_space<vmem>>
        %dma_start3A_415 = arith.constant 0 : i32
        %dma_start3A_416 = arith.constant 0 : i32
        %dma_start3A_417 = tpu.memref_slice %arg2[%dma_start3A_415, %dma_start3A_416] : memref<10000x16xf32, #tpu.memory_space<hbm>> -> memref<10000x16xf32, #tpu.memory_space<hbm>>
        tpu.enqueue_indirect_dma source(%dma_start3A_417 : memref<10000x16xf32, #tpu.memory_space<hbm>>) target(%arg12 : memref<125x16xf32, #tpu.memory_space<vmem>>) offsets(%dma_start3A_414 : memref<125xi32, #tpu.memory_space<vmem>>) semaphore(%arg20 : memref<!tpu.dma_semaphore, #tpu.memory_space<semaphore_mem>>)
      } else {
      }
    }
    %scan3A_197 = arith.constant 9 : i32
    %gt3A_198 = arith.constant 76 : i32
    %gt3A_199 = arith.cmpi sgt, %select_n3A, %gt3A_198 : i32
    %convert_element_type3A_200 = arith.extui %gt3A_199 : i1 to i32
    %cond3A_201 = arith.constant 0 : i32
    %cond3A_202 = arith.cmpi ne, %convert_element_type3A_200, %cond3A_201 : i32
    scf.if %cond3A_202 {
      %add3A_219 = arith.constant 76 : i32
      %add3A_220 = arith.addi %sub3A, %add3A_219 : i32
      %dma_wait3A_221 = arith.constant 0 : i32
      %dma_wait3A_222 = tpu.memref_slice %arg7[%add3A_220, %dma_wait3A_221] : memref<80x125xi32, #tpu.memory_space<vmem>> -> memref<1x125xi32, #tpu.memory_space<vmem>>
      %dma_wait3A_223 = tpu.memref_squeeze %dma_wait3A_222 : memref<1x125xi32, #tpu.memory_space<vmem>> -> memref<125xi32, #tpu.memory_space<vmem>>
      %dma_wait3A_224 = arith.constant 0 : i32
      %dma_wait3A_225 = arith.constant 0 : i32
      %dma_wait3A_226 = tpu.memref_slice %arg8[%dma_wait3A_224, %dma_wait3A_225] : memref<10112x16xf32, #tpu.memory_space<vmem_shared>> -> memref<10112x16xf32, #tpu.memory_space<vmem_shared>>
      tpu.wait_indirect_dma semaphore(%arg29 : memref<!tpu.dma_semaphore, #tpu.memory_space<semaphore_mem>>) src(%arg13 : memref<125x16xf32, #tpu.memory_space<vmem>>) dst(%dma_wait3A_226 : memref<10112x16xf32, #tpu.memory_space<vmem_shared>>)
    } else {
    }
    %gt3A_203 = arith.constant 77 : i32
    %gt3A_204 = arith.cmpi sgt, %select_n3A, %gt3A_203 : i32
    %convert_element_type3A_205 = arith.extui %gt3A_204 : i1 to i32
    %cond3A_206 = arith.constant 0 : i32
    %cond3A_207 = arith.cmpi ne, %convert_element_type3A_205, %cond3A_206 : i32
    scf.if %cond3A_207 {
      %add3A_219 = arith.constant 77 : i32
      %add3A_220 = arith.addi %sub3A, %add3A_219 : i32
      %dma_wait3A_221 = arith.constant 0 : i32
      %dma_wait3A_222 = tpu.memref_slice %arg7[%add3A_220, %dma_wait3A_221] : memref<80x125xi32, #tpu.memory_space<vmem>> -> memref<1x125xi32, #tpu.memory_space<vmem>>
      %dma_wait3A_223 = tpu.memref_squeeze %dma_wait3A_222 : memref<1x125xi32, #tpu.memory_space<vmem>> -> memref<125xi32, #tpu.memory_space<vmem>>
      %dma_wait3A_224 = arith.constant 0 : i32
      %dma_wait3A_225 = arith.constant 0 : i32
      %dma_wait3A_226 = tpu.memref_slice %arg8[%dma_wait3A_224, %dma_wait3A_225] : memref<10112x16xf32, #tpu.memory_space<vmem_shared>> -> memref<10112x16xf32, #tpu.memory_space<vmem_shared>>
      tpu.wait_indirect_dma semaphore(%arg30 : memref<!tpu.dma_semaphore, #tpu.memory_space<semaphore_mem>>) src(%arg14 : memref<125x16xf32, #tpu.memory_space<vmem>>) dst(%dma_wait3A_226 : memref<10112x16xf32, #tpu.memory_space<vmem_shared>>)
    } else {
    }
    %gt3A_208 = arith.constant 78 : i32
    %gt3A_209 = arith.cmpi sgt, %select_n3A, %gt3A_208 : i32
    %convert_element_type3A_210 = arith.extui %gt3A_209 : i1 to i32
    %cond3A_211 = arith.constant 0 : i32
    %cond3A_212 = arith.cmpi ne, %convert_element_type3A_210, %cond3A_211 : i32
    scf.if %cond3A_212 {
      %add3A_219 = arith.constant 78 : i32
      %add3A_220 = arith.addi %sub3A, %add3A_219 : i32
      %dma_wait3A_221 = arith.constant 0 : i32
      %dma_wait3A_222 = tpu.memref_slice %arg7[%add3A_220, %dma_wait3A_221] : memref<80x125xi32, #tpu.memory_space<vmem>> -> memref<1x125xi32, #tpu.memory_space<vmem>>
      %dma_wait3A_223 = tpu.memref_squeeze %dma_wait3A_222 : memref<1x125xi32, #tpu.memory_space<vmem>> -> memref<125xi32, #tpu.memory_space<vmem>>
      %dma_wait3A_224 = arith.constant 0 : i32
      %dma_wait3A_225 = arith.constant 0 : i32
      %dma_wait3A_226 = tpu.memref_slice %arg8[%dma_wait3A_224, %dma_wait3A_225] : memref<10112x16xf32, #tpu.memory_space<vmem_shared>> -> memref<10112x16xf32, #tpu.memory_space<vmem_shared>>
      tpu.wait_indirect_dma semaphore(%arg31 : memref<!tpu.dma_semaphore, #tpu.memory_space<semaphore_mem>>) src(%arg15 : memref<125x16xf32, #tpu.memory_space<vmem>>) dst(%dma_wait3A_226 : memref<10112x16xf32, #tpu.memory_space<vmem_shared>>)
    } else {
    }
    %gt3A_213 = arith.constant 79 : i32
    %gt3A_214 = arith.cmpi sgt, %select_n3A, %gt3A_213 : i32
    %convert_element_type3A_215 = arith.extui %gt3A_214 : i1 to i32
    %cond3A_216 = arith.constant 0 : i32
    %cond3A_217 = arith.cmpi ne, %convert_element_type3A_215, %cond3A_216 : i32
    scf.if %cond3A_217 {
      %add3A_219 = arith.constant 79 : i32
      %add3A_220 = arith.addi %sub3A, %add3A_219 : i32
      %dma_wait3A_221 = arith.constant 0 : i32
      %dma_wait3A_222 = tpu.memref_slice %arg7[%add3A_220, %dma_wait3A_221] : memref<80x125xi32, #tpu.memory_space<vmem>> -> memref<1x125xi32, #tpu.memory_space<vmem>>
      %dma_wait3A_223 = tpu.memref_squeeze %dma_wait3A_222 : memref<1x125xi32, #tpu.memory_space<vmem>> -> memref<125xi32, #tpu.memory_space<vmem>>
      %dma_wait3A_224 = arith.constant 0 : i32
      %dma_wait3A_225 = arith.constant 0 : i32
      %dma_wait3A_226 = tpu.memref_slice %arg8[%dma_wait3A_224, %dma_wait3A_225] : memref<10112x16xf32, #tpu.memory_space<vmem_shared>> -> memref<10112x16xf32, #tpu.memory_space<vmem_shared>>
      tpu.wait_indirect_dma semaphore(%arg32 : memref<!tpu.dma_semaphore, #tpu.memory_space<semaphore_mem>>) src(%arg16 : memref<125x16xf32, #tpu.memory_space<vmem>>) dst(%dma_wait3A_226 : memref<10112x16xf32, #tpu.memory_space<vmem_shared>>)
    } else {
    }
    %barrier3A_218 = arith.constant 0 : index
    tpu.barrier barrier_id(%barrier3A_218)
    "tpu.region"() ({
      %run_scoped3A = tpu.sem_alloc : memref<!tpu.dma_semaphore, #tpu.memory_space<semaphore_mem>>
      %dma_start3A_219 = arith.constant 0 : i32
      %dma_start3A_220 = tpu.memref_slice %arg5[%arg0, %mul3A_0, %dma_start3A_219] : memref<2x10112x16xf32, #tpu.memory_space<hbm>> -> memref<1x632x16xf32, #tpu.memory_space<hbm>>
      %dma_start3A_221 = tpu.memref_squeeze %dma_start3A_220 : memref<1x632x16xf32, #tpu.memory_space<hbm>> -> memref<632x16xf32, #tpu.memory_space<hbm>>
      %dma_start3A_222 = arith.constant 0 : i32
      %dma_start3A_223 = tpu.memref_slice %arg8[%mul3A_0, %dma_start3A_222] : memref<10112x16xf32, #tpu.memory_space<vmem_shared>> -> memref<632x16xf32, #tpu.memory_space<vmem_shared>>
      tpu.enqueue_dma source(%dma_start3A_223 : memref<632x16xf32, #tpu.memory_space<vmem_shared>>) target(%dma_start3A_221 : memref<632x16xf32, #tpu.memory_space<hbm>>) target_semaphore(%run_scoped3A : memref<!tpu.dma_semaphore, #tpu.memory_space<semaphore_mem>>)
      %dma_wait3A_224 = arith.constant 0 : i32
      %dma_wait3A_225 = tpu.memref_slice %arg5[%arg0, %mul3A_0, %dma_wait3A_224] : memref<2x10112x16xf32, #tpu.memory_space<hbm>> -> memref<1x632x16xf32, #tpu.memory_space<hbm>>
      %dma_wait3A_226 = tpu.memref_squeeze %dma_wait3A_225 : memref<1x632x16xf32, #tpu.memory_space<hbm>> -> memref<632x16xf32, #tpu.memory_space<hbm>>
      %dma_wait3A_227 = arith.constant 0 : i32
      %dma_wait3A_228 = tpu.memref_slice %arg8[%mul3A_0, %dma_wait3A_227] : memref<10112x16xf32, #tpu.memory_space<vmem_shared>> -> memref<632x16xf32, #tpu.memory_space<vmem_shared>>
      tpu.wait_dma2 semaphore(%run_scoped3A : memref<!tpu.dma_semaphore, #tpu.memory_space<semaphore_mem>>) src(%dma_wait3A_228 : memref<632x16xf32, #tpu.memory_space<vmem_shared>>) dst(%dma_wait3A_226 : memref<632x16xf32, #tpu.memory_space<hbm>>)
      tpu.yield
    }) : () -> ()
    return
  }
}

#map = affine_map<(d0, d1) -> (0, 0)>
#map1 = affine_map<(d0, d1) -> (0, 0, 0)>
module attributes {stable_mosaic.version = 14 : i64} {
  func.func @k(%arg0: i32, %arg1: i32, %arg2: memref<10000x16xf32, #tpu.memory_space<hbm>>, %arg3: memref<5120x125xi32, #tpu.memory_space<hbm>>, %arg4: memref<10112x16xf32, #tpu.memory_space<hbm>>, %arg5: memref<2x10112x16xf32, #tpu.memory_space<hbm>>, %arg6: memref<80x125xi32, #tpu.memory_space<vmem>>, %arg7: memref<80x125xi32, #tpu.memory_space<vmem>>, %arg8: memref<10112x16xf32, #tpu.memory_space<vmem_shared>>, %arg9: memref<125x16xf32, #tpu.memory_space<vmem>>, %arg10: memref<125x16xf32, #tpu.memory_space<vmem>>, %arg11: memref<125x16xf32, #tpu.memory_space<vmem>>, %arg12: memref<125x16xf32, #tpu.memory_space<vmem>>, %arg13: memref<125x16xf32, #tpu.memory_space<vmem>>, %arg14: memref<125x16xf32, #tpu.memory_space<vmem>>, %arg15: memref<125x16xf32, #tpu.memory_space<vmem>>, %arg16: memref<125x16xf32, #tpu.memory_space<vmem>>, %arg17: memref<!tpu.dma_semaphore, #tpu.memory_space<semaphore_mem>>, %arg18: memref<!tpu.dma_semaphore, #tpu.memory_space<semaphore_mem>>, %arg19: memref<!tpu.dma_semaphore, #tpu.memory_space<semaphore_mem>>, %arg20: memref<!tpu.dma_semaphore, #tpu.memory_space<semaphore_mem>>, %arg21: memref<!tpu.dma_semaphore, #tpu.memory_space<semaphore_mem>>, %arg22: memref<!tpu.dma_semaphore, #tpu.memory_space<semaphore_mem>>, %arg23: memref<!tpu.dma_semaphore, #tpu.memory_space<semaphore_mem>>, %arg24: memref<!tpu.dma_semaphore, #tpu.memory_space<semaphore_mem>>, %arg25: memref<!tpu.dma_semaphore, #tpu.memory_space<semaphore_mem>>, %arg26: memref<!tpu.dma_semaphore, #tpu.memory_space<semaphore_mem>>, %arg27: memref<!tpu.dma_semaphore, #tpu.memory_space<semaphore_mem>>, %arg28: memref<!tpu.dma_semaphore, #tpu.memory_space<semaphore_mem>>, %arg29: memref<!tpu.dma_semaphore, #tpu.memory_space<semaphore_mem>>, %arg30: memref<!tpu.dma_semaphore, #tpu.memory_space<semaphore_mem>>, %arg31: memref<!tpu.dma_semaphore, #tpu.memory_space<semaphore_mem>>, %arg32: memref<!tpu.dma_semaphore, #tpu.memory_space<semaphore_mem>>) attributes {dimension_semantics = [#tpu.dimension_semantics<core_parallel>, #tpu.dimension_semantics<subcore_parallel>], iteration_bounds = array<i64: 2, 16>, scalar_prefetch = 0 : i64, scratch_operands = 27 : i64, tpu.core_type = #tpu.core_type<sc_vector_subcore>, window_params = [{transform_indices = #map}, {transform_indices = #map}, {transform_indices = #map}, {transform_indices = #map1}]} {
    %mul3A = arith.constant 632 : i32
    %mul3A_0 = arith.muli %arg1, %mul3A : i32
    %eq3A = arith.constant 0 : i32
    %eq3A_1 = arith.cmpi eq, %arg0, %eq3A : i32
    %jit3A = arith.constant 80 : i32
    %jit3A_2 = arith.constant 80 : i32
    %select_n3A = arith.select %eq3A_1, %jit3A, %jit3A_2 : i32
    %eq3A_3 = arith.constant 0 : i32
    %eq3A_4 = arith.cmpi eq, %arg0, %eq3A_3 : i32
    %mul3A_5 = arith.constant 80 : i32
    %mul3A_6 = arith.muli %arg1, %mul3A_5 : i32
    %mul3A_7 = arith.constant 80 : i32
    %mul3A_8 = arith.muli %arg1, %mul3A_7 : i32
    %add3A = arith.constant 1280 : i32
    %add3A_9 = arith.addi %add3A, %mul3A_8 : i32
    %select_n3A_10 = arith.select %eq3A_4, %mul3A_6, %add3A_9 : i32
    %min3A = arith.constant 2480 : i32
    %min3A_11 = arith.minsi %select_n3A_10, %min3A : i32
    %sub3A = arith.subi %select_n3A_10, %min3A_11 : i32
    %dma_start3A = arith.constant 0 : i32
    %dma_start3A_12 = tpu.memref_slice %arg8[%mul3A_0, %dma_start3A] : memref<10112x16xf32, #tpu.memory_space<vmem_shared>> -> memref<632x16xf32, #tpu.memory_space<vmem_shared>>
    %dma_start3A_13 = arith.constant 0 : i32
    %dma_start3A_14 = tpu.memref_slice %arg4[%mul3A_0, %dma_start3A_13] : memref<10112x16xf32, #tpu.memory_space<hbm>> -> memref<632x16xf32, #tpu.memory_space<hbm>>
    tpu.enqueue_dma source(%dma_start3A_14 : memref<632x16xf32, #tpu.memory_space<hbm>>) target(%dma_start3A_12 : memref<632x16xf32, #tpu.memory_space<vmem_shared>>) target_semaphore(%arg17 : memref<!tpu.dma_semaphore, #tpu.memory_space<semaphore_mem>>)
    %dma_start3A_15 = arith.constant 0 : i32
    %dma_start3A_16 = tpu.memref_slice %arg3[%min3A_11, %dma_start3A_15] : memref<5120x125xi32, #tpu.memory_space<hbm>> -> memref<80x125xi32, #tpu.memory_space<hbm>>
    %dma_start3A_17 = arith.constant 0 : i32
    %dma_start3A_18 = tpu.memref_slice %arg3[%min3A_11, %dma_start3A_17] : memref<5120x125xi32, #tpu.memory_space<hbm>> -> memref<80x125xi32, #tpu.memory_space<hbm>>
    tpu.enqueue_dma source(%dma_start3A_18 : memref<80x125xi32, #tpu.memory_space<hbm>>) target(%arg6 : memref<80x125xi32, #tpu.memory_space<vmem>>) target_semaphore(%arg18 : memref<!tpu.dma_semaphore, #tpu.memory_space<semaphore_mem>>)
    %add3A_19 = arith.constant 2560 : i32
    %add3A_20 = arith.addi %add3A_19, %min3A_11 : i32
    %dma_start3A_21 = arith.constant 0 : i32
    %dma_start3A_22 = tpu.memref_slice %arg3[%add3A_20, %dma_start3A_21] : memref<5120x125xi32, #tpu.memory_space<hbm>> -> memref<80x125xi32, #tpu.memory_space<hbm>>
    %dma_start3A_23 = arith.constant 0 : i32
    %dma_start3A_24 = tpu.memref_slice %arg3[%add3A_20, %dma_start3A_23] : memref<5120x125xi32, #tpu.memory_space<hbm>> -> memref<80x125xi32, #tpu.memory_space<hbm>>
    tpu.enqueue_dma source(%dma_start3A_24 : memref<80x125xi32, #tpu.memory_space<hbm>>) target(%arg7 : memref<80x125xi32, #tpu.memory_space<vmem>>) target_semaphore(%arg19 : memref<!tpu.dma_semaphore, #tpu.memory_space<semaphore_mem>>)
    %dma_wait3A = arith.constant 0 : i32
    %dma_wait3A_25 = tpu.memref_slice %arg8[%mul3A_0, %dma_wait3A] : memref<10112x16xf32, #tpu.memory_space<vmem_shared>> -> memref<632x16xf32, #tpu.memory_space<vmem_shared>>
    %dma_wait3A_26 = arith.constant 0 : i32
    %dma_wait3A_27 = tpu.memref_slice %arg4[%mul3A_0, %dma_wait3A_26] : memref<10112x16xf32, #tpu.memory_space<hbm>> -> memref<632x16xf32, #tpu.memory_space<hbm>>
    tpu.wait_dma2 semaphore(%arg17 : memref<!tpu.dma_semaphore, #tpu.memory_space<semaphore_mem>>) src(%dma_wait3A_27 : memref<632x16xf32, #tpu.memory_space<hbm>>) dst(%dma_wait3A_25 : memref<632x16xf32, #tpu.memory_space<vmem_shared>>)
    %dma_wait3A_28 = arith.constant 0 : i32
    %dma_wait3A_29 = tpu.memref_slice %arg3[%min3A_11, %dma_wait3A_28] : memref<5120x125xi32, #tpu.memory_space<hbm>> -> memref<80x125xi32, #tpu.memory_space<hbm>>
    %dma_wait3A_30 = arith.constant 0 : i32
    %dma_wait3A_31 = tpu.memref_slice %arg3[%min3A_11, %dma_wait3A_30] : memref<5120x125xi32, #tpu.memory_space<hbm>> -> memref<80x125xi32, #tpu.memory_space<hbm>>
    tpu.wait_dma2 semaphore(%arg18 : memref<!tpu.dma_semaphore, #tpu.memory_space<semaphore_mem>>) src(%dma_wait3A_31 : memref<80x125xi32, #tpu.memory_space<hbm>>) dst(%arg6 : memref<80x125xi32, #tpu.memory_space<vmem>>)
    %dma_wait3A_32 = arith.constant 0 : i32
    %dma_wait3A_33 = tpu.memref_slice %arg3[%add3A_20, %dma_wait3A_32] : memref<5120x125xi32, #tpu.memory_space<hbm>> -> memref<80x125xi32, #tpu.memory_space<hbm>>
    %dma_wait3A_34 = arith.constant 0 : i32
    %dma_wait3A_35 = tpu.memref_slice %arg3[%add3A_20, %dma_wait3A_34] : memref<5120x125xi32, #tpu.memory_space<hbm>> -> memref<80x125xi32, #tpu.memory_space<hbm>>
    tpu.wait_dma2 semaphore(%arg19 : memref<!tpu.dma_semaphore, #tpu.memory_space<semaphore_mem>>) src(%dma_wait3A_35 : memref<80x125xi32, #tpu.memory_space<hbm>>) dst(%arg7 : memref<80x125xi32, #tpu.memory_space<vmem>>)
    %barrier3A = arith.constant 0 : index
    tpu.barrier barrier_id(%barrier3A)
    %gt3A = arith.constant 0 : i32
    %gt3A_36 = arith.cmpi sgt, %select_n3A, %gt3A : i32
    %convert_element_type3A = arith.extui %gt3A_36 : i1 to i32
    %cond3A = arith.constant 0 : i32
    %cond3A_37 = arith.cmpi ne, %convert_element_type3A, %cond3A : i32
    scf.if %cond3A_37 {
      %add3A_219 = arith.constant 0 : i32
      %add3A_220 = arith.addi %sub3A, %add3A_219 : i32
      %dma_start3A_221 = arith.constant 0 : i32
      %dma_start3A_222 = tpu.memref_slice %arg6[%add3A_220, %dma_start3A_221] : memref<80x125xi32, #tpu.memory_space<vmem>> -> memref<1x125xi32, #tpu.memory_space<vmem>>
      %dma_start3A_223 = tpu.memref_squeeze %dma_start3A_222 : memref<1x125xi32, #tpu.memory_space<vmem>> -> memref<125xi32, #tpu.memory_space<vmem>>
      %dma_start3A_224 = arith.constant 0 : i32
      %dma_start3A_225 = arith.constant 0 : i32
      %dma_start3A_226 = tpu.memref_slice %arg2[%dma_start3A_224, %dma_start3A_225] : memref<10000x16xf32, #tpu.memory_space<hbm>> -> memref<10000x16xf32, #tpu.memory_space<hbm>>
      tpu.enqueue_indirect_dma source(%dma_start3A_226 : memref<10000x16xf32, #tpu.memory_space<hbm>>) target(%arg9 : memref<125x16xf32, #tpu.memory_space<vmem>>) offsets(%dma_start3A_223 : memref<125xi32, #tpu.memory_space<vmem>>) semaphore(%arg17 : memref<!tpu.dma_semaphore, #tpu.memory_space<semaphore_mem>>)
    } else {
    }
    %gt3A_38 = arith.constant 1 : i32
    %gt3A_39 = arith.cmpi sgt, %select_n3A, %gt3A_38 : i32
    %convert_element_type3A_40 = arith.extui %gt3A_39 : i1 to i32
    %cond3A_41 = arith.constant 0 : i32
    %cond3A_42 = arith.cmpi ne, %convert_element_type3A_40, %cond3A_41 : i32
    scf.if %cond3A_42 {
      %add3A_219 = arith.constant 1 : i32
      %add3A_220 = arith.addi %sub3A, %add3A_219 : i32
      %dma_start3A_221 = arith.constant 0 : i32
      %dma_start3A_222 = tpu.memref_slice %arg6[%add3A_220, %dma_start3A_221] : memref<80x125xi32, #tpu.memory_space<vmem>> -> memref<1x125xi32, #tpu.memory_space<vmem>>
      %dma_start3A_223 = tpu.memref_squeeze %dma_start3A_222 : memref<1x125xi32, #tpu.memory_space<vmem>> -> memref<125xi32, #tpu.memory_space<vmem>>
      %dma_start3A_224 = arith.constant 0 : i32
      %dma_start3A_225 = arith.constant 0 : i32
      %dma_start3A_226 = tpu.memref_slice %arg2[%dma_start3A_224, %dma_start3A_225] : memref<10000x16xf32, #tpu.memory_space<hbm>> -> memref<10000x16xf32, #tpu.memory_space<hbm>>
      tpu.enqueue_indirect_dma source(%dma_start3A_226 : memref<10000x16xf32, #tpu.memory_space<hbm>>) target(%arg10 : memref<125x16xf32, #tpu.memory_space<vmem>>) offsets(%dma_start3A_223 : memref<125xi32, #tpu.memory_space<vmem>>) semaphore(%arg18 : memref<!tpu.dma_semaphore, #tpu.memory_space<semaphore_mem>>)
    } else {
    }
    %gt3A_43 = arith.constant 2 : i32
    %gt3A_44 = arith.cmpi sgt, %select_n3A, %gt3A_43 : i32
    %convert_element_type3A_45 = arith.extui %gt3A_44 : i1 to i32
    %cond3A_46 = arith.constant 0 : i32
    %cond3A_47 = arith.cmpi ne, %convert_element_type3A_45, %cond3A_46 : i32
    scf.if %cond3A_47 {
      %add3A_219 = arith.constant 2 : i32
      %add3A_220 = arith.addi %sub3A, %add3A_219 : i32
      %dma_start3A_221 = arith.constant 0 : i32
      %dma_start3A_222 = tpu.memref_slice %arg6[%add3A_220, %dma_start3A_221] : memref<80x125xi32, #tpu.memory_space<vmem>> -> memref<1x125xi32, #tpu.memory_space<vmem>>
      %dma_start3A_223 = tpu.memref_squeeze %dma_start3A_222 : memref<1x125xi32, #tpu.memory_space<vmem>> -> memref<125xi32, #tpu.memory_space<vmem>>
      %dma_start3A_224 = arith.constant 0 : i32
      %dma_start3A_225 = arith.constant 0 : i32
      %dma_start3A_226 = tpu.memref_slice %arg2[%dma_start3A_224, %dma_start3A_225] : memref<10000x16xf32, #tpu.memory_space<hbm>> -> memref<10000x16xf32, #tpu.memory_space<hbm>>
      tpu.enqueue_indirect_dma source(%dma_start3A_226 : memref<10000x16xf32, #tpu.memory_space<hbm>>) target(%arg11 : memref<125x16xf32, #tpu.memory_space<vmem>>) offsets(%dma_start3A_223 : memref<125xi32, #tpu.memory_space<vmem>>) semaphore(%arg19 : memref<!tpu.dma_semaphore, #tpu.memory_space<semaphore_mem>>)
    } else {
    }
    %gt3A_48 = arith.constant 3 : i32
    %gt3A_49 = arith.cmpi sgt, %select_n3A, %gt3A_48 : i32
    %convert_element_type3A_50 = arith.extui %gt3A_49 : i1 to i32
    %cond3A_51 = arith.constant 0 : i32
    %cond3A_52 = arith.cmpi ne, %convert_element_type3A_50, %cond3A_51 : i32
    scf.if %cond3A_52 {
      %add3A_219 = arith.constant 3 : i32
      %add3A_220 = arith.addi %sub3A, %add3A_219 : i32
      %dma_start3A_221 = arith.constant 0 : i32
      %dma_start3A_222 = tpu.memref_slice %arg6[%add3A_220, %dma_start3A_221] : memref<80x125xi32, #tpu.memory_space<vmem>> -> memref<1x125xi32, #tpu.memory_space<vmem>>
      %dma_start3A_223 = tpu.memref_squeeze %dma_start3A_222 : memref<1x125xi32, #tpu.memory_space<vmem>> -> memref<125xi32, #tpu.memory_space<vmem>>
      %dma_start3A_224 = arith.constant 0 : i32
      %dma_start3A_225 = arith.constant 0 : i32
      %dma_start3A_226 = tpu.memref_slice %arg2[%dma_start3A_224, %dma_start3A_225] : memref<10000x16xf32, #tpu.memory_space<hbm>> -> memref<10000x16xf32, #tpu.memory_space<hbm>>
      tpu.enqueue_indirect_dma source(%dma_start3A_226 : memref<10000x16xf32, #tpu.memory_space<hbm>>) target(%arg12 : memref<125x16xf32, #tpu.memory_space<vmem>>) offsets(%dma_start3A_223 : memref<125xi32, #tpu.memory_space<vmem>>) semaphore(%arg20 : memref<!tpu.dma_semaphore, #tpu.memory_space<semaphore_mem>>)
    } else {
    }
    %gt3A_53 = arith.constant 0 : i32
    %gt3A_54 = arith.cmpi sgt, %select_n3A, %gt3A_53 : i32
    %convert_element_type3A_55 = arith.extui %gt3A_54 : i1 to i32
    %cond3A_56 = arith.constant 0 : i32
    %cond3A_57 = arith.cmpi ne, %convert_element_type3A_55, %cond3A_56 : i32
    scf.if %cond3A_57 {
      %add3A_219 = arith.constant 0 : i32
      %add3A_220 = arith.addi %sub3A, %add3A_219 : i32
      %dma_wait3A_221 = arith.constant 0 : i32
      %dma_wait3A_222 = tpu.memref_slice %arg6[%add3A_220, %dma_wait3A_221] : memref<80x125xi32, #tpu.memory_space<vmem>> -> memref<1x125xi32, #tpu.memory_space<vmem>>
      %dma_wait3A_223 = tpu.memref_squeeze %dma_wait3A_222 : memref<1x125xi32, #tpu.memory_space<vmem>> -> memref<125xi32, #tpu.memory_space<vmem>>
      %dma_wait3A_224 = arith.constant 0 : i32
      %dma_wait3A_225 = arith.constant 0 : i32
      %dma_wait3A_226 = tpu.memref_slice %arg2[%dma_wait3A_224, %dma_wait3A_225] : memref<10000x16xf32, #tpu.memory_space<hbm>> -> memref<10000x16xf32, #tpu.memory_space<hbm>>
      tpu.wait_indirect_dma semaphore(%arg17 : memref<!tpu.dma_semaphore, #tpu.memory_space<semaphore_mem>>) src(%dma_wait3A_226 : memref<10000x16xf32, #tpu.memory_space<hbm>>) dst(%arg9 : memref<125x16xf32, #tpu.memory_space<vmem>>)
    } else {
    }
    %gt3A_58 = arith.constant 0 : i32
    %gt3A_59 = arith.cmpi sgt, %select_n3A, %gt3A_58 : i32
    %convert_element_type3A_60 = arith.extui %gt3A_59 : i1 to i32
    %cond3A_61 = arith.constant 0 : i32
    %cond3A_62 = arith.cmpi ne, %convert_element_type3A_60, %cond3A_61 : i32
    scf.if %cond3A_62 {
      %add3A_219 = arith.constant 0 : i32
      %add3A_220 = arith.addi %sub3A, %add3A_219 : i32
      %dma_start3A_221 = arith.constant 0 : i32
      %dma_start3A_222 = tpu.memref_slice %arg7[%add3A_220, %dma_start3A_221] : memref<80x125xi32, #tpu.memory_space<vmem>> -> memref<1x125xi32, #tpu.memory_space<vmem>>
      %dma_start3A_223 = tpu.memref_squeeze %dma_start3A_222 : memref<1x125xi32, #tpu.memory_space<vmem>> -> memref<125xi32, #tpu.memory_space<vmem>>
      %dma_start3A_224 = arith.constant 0 : i32
      %dma_start3A_225 = arith.constant 0 : i32
      %dma_start3A_226 = tpu.memref_slice %arg8[%dma_start3A_224, %dma_start3A_225] : memref<10112x16xf32, #tpu.memory_space<vmem_shared>> -> memref<10112x16xf32, #tpu.memory_space<vmem_shared>>
      tpu.enqueue_indirect_dma source(%arg9 : memref<125x16xf32, #tpu.memory_space<vmem>>) target(%dma_start3A_226 : memref<10112x16xf32, #tpu.memory_space<vmem_shared>>) offsets(%dma_start3A_223 : memref<125xi32, #tpu.memory_space<vmem>>) semaphore(%arg25 : memref<!tpu.dma_semaphore, #tpu.memory_space<semaphore_mem>>) {add = true}
    } else {
    }
    %gt3A_63 = arith.constant 4 : i32
    %gt3A_64 = arith.cmpi sgt, %select_n3A, %gt3A_63 : i32
    %convert_element_type3A_65 = arith.extui %gt3A_64 : i1 to i32
    %cond3A_66 = arith.constant 0 : i32
    %cond3A_67 = arith.cmpi ne, %convert_element_type3A_65, %cond3A_66 : i32
    scf.if %cond3A_67 {
      %add3A_219 = arith.constant 4 : i32
      %add3A_220 = arith.addi %sub3A, %add3A_219 : i32
      %dma_start3A_221 = arith.constant 0 : i32
      %dma_start3A_222 = tpu.memref_slice %arg6[%add3A_220, %dma_start3A_221] : memref<80x125xi32, #tpu.memory_space<vmem>> -> memref<1x125xi32, #tpu.memory_space<vmem>>
      %dma_start3A_223 = tpu.memref_squeeze %dma_start3A_222 : memref<1x125xi32, #tpu.memory_space<vmem>> -> memref<125xi32, #tpu.memory_space<vmem>>
      %dma_start3A_224 = arith.constant 0 : i32
      %dma_start3A_225 = arith.constant 0 : i32
      %dma_start3A_226 = tpu.memref_slice %arg2[%dma_start3A_224, %dma_start3A_225] : memref<10000x16xf32, #tpu.memory_space<hbm>> -> memref<10000x16xf32, #tpu.memory_space<hbm>>
      tpu.enqueue_indirect_dma source(%dma_start3A_226 : memref<10000x16xf32, #tpu.memory_space<hbm>>) target(%arg13 : memref<125x16xf32, #tpu.memory_space<vmem>>) offsets(%dma_start3A_223 : memref<125xi32, #tpu.memory_space<vmem>>) semaphore(%arg21 : memref<!tpu.dma_semaphore, #tpu.memory_space<semaphore_mem>>)
    } else {
    }
    %gt3A_68 = arith.constant 1 : i32
    %gt3A_69 = arith.cmpi sgt, %select_n3A, %gt3A_68 : i32
    %convert_element_type3A_70 = arith.extui %gt3A_69 : i1 to i32
    %cond3A_71 = arith.constant 0 : i32
    %cond3A_72 = arith.cmpi ne, %convert_element_type3A_70, %cond3A_71 : i32
    scf.if %cond3A_72 {
      %add3A_219 = arith.constant 1 : i32
      %add3A_220 = arith.addi %sub3A, %add3A_219 : i32
      %dma_wait3A_221 = arith.constant 0 : i32
      %dma_wait3A_222 = tpu.memref_slice %arg6[%add3A_220, %dma_wait3A_221] : memref<80x125xi32, #tpu.memory_space<vmem>> -> memref<1x125xi32, #tpu.memory_space<vmem>>
      %dma_wait3A_223 = tpu.memref_squeeze %dma_wait3A_222 : memref<1x125xi32, #tpu.memory_space<vmem>> -> memref<125xi32, #tpu.memory_space<vmem>>
      %dma_wait3A_224 = arith.constant 0 : i32
      %dma_wait3A_225 = arith.constant 0 : i32
      %dma_wait3A_226 = tpu.memref_slice %arg2[%dma_wait3A_224, %dma_wait3A_225] : memref<10000x16xf32, #tpu.memory_space<hbm>> -> memref<10000x16xf32, #tpu.memory_space<hbm>>
      tpu.wait_indirect_dma semaphore(%arg18 : memref<!tpu.dma_semaphore, #tpu.memory_space<semaphore_mem>>) src(%dma_wait3A_226 : memref<10000x16xf32, #tpu.memory_space<hbm>>) dst(%arg10 : memref<125x16xf32, #tpu.memory_space<vmem>>)
    } else {
    }
    %gt3A_73 = arith.constant 1 : i32
    %gt3A_74 = arith.cmpi sgt, %select_n3A, %gt3A_73 : i32
    %convert_element_type3A_75 = arith.extui %gt3A_74 : i1 to i32
    %cond3A_76 = arith.constant 0 : i32
    %cond3A_77 = arith.cmpi ne, %convert_element_type3A_75, %cond3A_76 : i32
    scf.if %cond3A_77 {
      %add3A_219 = arith.constant 1 : i32
      %add3A_220 = arith.addi %sub3A, %add3A_219 : i32
      %dma_start3A_221 = arith.constant 0 : i32
      %dma_start3A_222 = tpu.memref_slice %arg7[%add3A_220, %dma_start3A_221] : memref<80x125xi32, #tpu.memory_space<vmem>> -> memref<1x125xi32, #tpu.memory_space<vmem>>
      %dma_start3A_223 = tpu.memref_squeeze %dma_start3A_222 : memref<1x125xi32, #tpu.memory_space<vmem>> -> memref<125xi32, #tpu.memory_space<vmem>>
      %dma_start3A_224 = arith.constant 0 : i32
      %dma_start3A_225 = arith.constant 0 : i32
      %dma_start3A_226 = tpu.memref_slice %arg8[%dma_start3A_224, %dma_start3A_225] : memref<10112x16xf32, #tpu.memory_space<vmem_shared>> -> memref<10112x16xf32, #tpu.memory_space<vmem_shared>>
      tpu.enqueue_indirect_dma source(%arg10 : memref<125x16xf32, #tpu.memory_space<vmem>>) target(%dma_start3A_226 : memref<10112x16xf32, #tpu.memory_space<vmem_shared>>) offsets(%dma_start3A_223 : memref<125xi32, #tpu.memory_space<vmem>>) semaphore(%arg26 : memref<!tpu.dma_semaphore, #tpu.memory_space<semaphore_mem>>) {add = true}
    } else {
    }
    %gt3A_78 = arith.constant 5 : i32
    %gt3A_79 = arith.cmpi sgt, %select_n3A, %gt3A_78 : i32
    %convert_element_type3A_80 = arith.extui %gt3A_79 : i1 to i32
    %cond3A_81 = arith.constant 0 : i32
    %cond3A_82 = arith.cmpi ne, %convert_element_type3A_80, %cond3A_81 : i32
    scf.if %cond3A_82 {
      %add3A_219 = arith.constant 5 : i32
      %add3A_220 = arith.addi %sub3A, %add3A_219 : i32
      %dma_start3A_221 = arith.constant 0 : i32
      %dma_start3A_222 = tpu.memref_slice %arg6[%add3A_220, %dma_start3A_221] : memref<80x125xi32, #tpu.memory_space<vmem>> -> memref<1x125xi32, #tpu.memory_space<vmem>>
      %dma_start3A_223 = tpu.memref_squeeze %dma_start3A_222 : memref<1x125xi32, #tpu.memory_space<vmem>> -> memref<125xi32, #tpu.memory_space<vmem>>
      %dma_start3A_224 = arith.constant 0 : i32
      %dma_start3A_225 = arith.constant 0 : i32
      %dma_start3A_226 = tpu.memref_slice %arg2[%dma_start3A_224, %dma_start3A_225] : memref<10000x16xf32, #tpu.memory_space<hbm>> -> memref<10000x16xf32, #tpu.memory_space<hbm>>
      tpu.enqueue_indirect_dma source(%dma_start3A_226 : memref<10000x16xf32, #tpu.memory_space<hbm>>) target(%arg14 : memref<125x16xf32, #tpu.memory_space<vmem>>) offsets(%dma_start3A_223 : memref<125xi32, #tpu.memory_space<vmem>>) semaphore(%arg22 : memref<!tpu.dma_semaphore, #tpu.memory_space<semaphore_mem>>)
    } else {
    }
    %gt3A_83 = arith.constant 2 : i32
    %gt3A_84 = arith.cmpi sgt, %select_n3A, %gt3A_83 : i32
    %convert_element_type3A_85 = arith.extui %gt3A_84 : i1 to i32
    %cond3A_86 = arith.constant 0 : i32
    %cond3A_87 = arith.cmpi ne, %convert_element_type3A_85, %cond3A_86 : i32
    scf.if %cond3A_87 {
      %add3A_219 = arith.constant 2 : i32
      %add3A_220 = arith.addi %sub3A, %add3A_219 : i32
      %dma_wait3A_221 = arith.constant 0 : i32
      %dma_wait3A_222 = tpu.memref_slice %arg6[%add3A_220, %dma_wait3A_221] : memref<80x125xi32, #tpu.memory_space<vmem>> -> memref<1x125xi32, #tpu.memory_space<vmem>>
      %dma_wait3A_223 = tpu.memref_squeeze %dma_wait3A_222 : memref<1x125xi32, #tpu.memory_space<vmem>> -> memref<125xi32, #tpu.memory_space<vmem>>
      %dma_wait3A_224 = arith.constant 0 : i32
      %dma_wait3A_225 = arith.constant 0 : i32
      %dma_wait3A_226 = tpu.memref_slice %arg2[%dma_wait3A_224, %dma_wait3A_225] : memref<10000x16xf32, #tpu.memory_space<hbm>> -> memref<10000x16xf32, #tpu.memory_space<hbm>>
      tpu.wait_indirect_dma semaphore(%arg19 : memref<!tpu.dma_semaphore, #tpu.memory_space<semaphore_mem>>) src(%dma_wait3A_226 : memref<10000x16xf32, #tpu.memory_space<hbm>>) dst(%arg11 : memref<125x16xf32, #tpu.memory_space<vmem>>)
    } else {
    }
    %gt3A_88 = arith.constant 2 : i32
    %gt3A_89 = arith.cmpi sgt, %select_n3A, %gt3A_88 : i32
    %convert_element_type3A_90 = arith.extui %gt3A_89 : i1 to i32
    %cond3A_91 = arith.constant 0 : i32
    %cond3A_92 = arith.cmpi ne, %convert_element_type3A_90, %cond3A_91 : i32
    scf.if %cond3A_92 {
      %add3A_219 = arith.constant 2 : i32
      %add3A_220 = arith.addi %sub3A, %add3A_219 : i32
      %dma_start3A_221 = arith.constant 0 : i32
      %dma_start3A_222 = tpu.memref_slice %arg7[%add3A_220, %dma_start3A_221] : memref<80x125xi32, #tpu.memory_space<vmem>> -> memref<1x125xi32, #tpu.memory_space<vmem>>
      %dma_start3A_223 = tpu.memref_squeeze %dma_start3A_222 : memref<1x125xi32, #tpu.memory_space<vmem>> -> memref<125xi32, #tpu.memory_space<vmem>>
      %dma_start3A_224 = arith.constant 0 : i32
      %dma_start3A_225 = arith.constant 0 : i32
      %dma_start3A_226 = tpu.memref_slice %arg8[%dma_start3A_224, %dma_start3A_225] : memref<10112x16xf32, #tpu.memory_space<vmem_shared>> -> memref<10112x16xf32, #tpu.memory_space<vmem_shared>>
      tpu.enqueue_indirect_dma source(%arg11 : memref<125x16xf32, #tpu.memory_space<vmem>>) target(%dma_start3A_226 : memref<10112x16xf32, #tpu.memory_space<vmem_shared>>) offsets(%dma_start3A_223 : memref<125xi32, #tpu.memory_space<vmem>>) semaphore(%arg27 : memref<!tpu.dma_semaphore, #tpu.memory_space<semaphore_mem>>) {add = true}
    } else {
    }
    %gt3A_93 = arith.constant 6 : i32
    %gt3A_94 = arith.cmpi sgt, %select_n3A, %gt3A_93 : i32
    %convert_element_type3A_95 = arith.extui %gt3A_94 : i1 to i32
    %cond3A_96 = arith.constant 0 : i32
    %cond3A_97 = arith.cmpi ne, %convert_element_type3A_95, %cond3A_96 : i32
    scf.if %cond3A_97 {
      %add3A_219 = arith.constant 6 : i32
      %add3A_220 = arith.addi %sub3A, %add3A_219 : i32
      %dma_start3A_221 = arith.constant 0 : i32
      %dma_start3A_222 = tpu.memref_slice %arg6[%add3A_220, %dma_start3A_221] : memref<80x125xi32, #tpu.memory_space<vmem>> -> memref<1x125xi32, #tpu.memory_space<vmem>>
      %dma_start3A_223 = tpu.memref_squeeze %dma_start3A_222 : memref<1x125xi32, #tpu.memory_space<vmem>> -> memref<125xi32, #tpu.memory_space<vmem>>
      %dma_start3A_224 = arith.constant 0 : i32
      %dma_start3A_225 = arith.constant 0 : i32
      %dma_start3A_226 = tpu.memref_slice %arg2[%dma_start3A_224, %dma_start3A_225] : memref<10000x16xf32, #tpu.memory_space<hbm>> -> memref<10000x16xf32, #tpu.memory_space<hbm>>
      tpu.enqueue_indirect_dma source(%dma_start3A_226 : memref<10000x16xf32, #tpu.memory_space<hbm>>) target(%arg15 : memref<125x16xf32, #tpu.memory_space<vmem>>) offsets(%dma_start3A_223 : memref<125xi32, #tpu.memory_space<vmem>>) semaphore(%arg23 : memref<!tpu.dma_semaphore, #tpu.memory_space<semaphore_mem>>)
    } else {
    }
    %gt3A_98 = arith.constant 3 : i32
    %gt3A_99 = arith.cmpi sgt, %select_n3A, %gt3A_98 : i32
    %convert_element_type3A_100 = arith.extui %gt3A_99 : i1 to i32
    %cond3A_101 = arith.constant 0 : i32
    %cond3A_102 = arith.cmpi ne, %convert_element_type3A_100, %cond3A_101 : i32
    scf.if %cond3A_102 {
      %add3A_219 = arith.constant 3 : i32
      %add3A_220 = arith.addi %sub3A, %add3A_219 : i32
      %dma_wait3A_221 = arith.constant 0 : i32
      %dma_wait3A_222 = tpu.memref_slice %arg6[%add3A_220, %dma_wait3A_221] : memref<80x125xi32, #tpu.memory_space<vmem>> -> memref<1x125xi32, #tpu.memory_space<vmem>>
      %dma_wait3A_223 = tpu.memref_squeeze %dma_wait3A_222 : memref<1x125xi32, #tpu.memory_space<vmem>> -> memref<125xi32, #tpu.memory_space<vmem>>
      %dma_wait3A_224 = arith.constant 0 : i32
      %dma_wait3A_225 = arith.constant 0 : i32
      %dma_wait3A_226 = tpu.memref_slice %arg2[%dma_wait3A_224, %dma_wait3A_225] : memref<10000x16xf32, #tpu.memory_space<hbm>> -> memref<10000x16xf32, #tpu.memory_space<hbm>>
      tpu.wait_indirect_dma semaphore(%arg20 : memref<!tpu.dma_semaphore, #tpu.memory_space<semaphore_mem>>) src(%dma_wait3A_226 : memref<10000x16xf32, #tpu.memory_space<hbm>>) dst(%arg12 : memref<125x16xf32, #tpu.memory_space<vmem>>)
    } else {
    }
    %gt3A_103 = arith.constant 3 : i32
    %gt3A_104 = arith.cmpi sgt, %select_n3A, %gt3A_103 : i32
    %convert_element_type3A_105 = arith.extui %gt3A_104 : i1 to i32
    %cond3A_106 = arith.constant 0 : i32
    %cond3A_107 = arith.cmpi ne, %convert_element_type3A_105, %cond3A_106 : i32
    scf.if %cond3A_107 {
      %add3A_219 = arith.constant 3 : i32
      %add3A_220 = arith.addi %sub3A, %add3A_219 : i32
      %dma_start3A_221 = arith.constant 0 : i32
      %dma_start3A_222 = tpu.memref_slice %arg7[%add3A_220, %dma_start3A_221] : memref<80x125xi32, #tpu.memory_space<vmem>> -> memref<1x125xi32, #tpu.memory_space<vmem>>
      %dma_start3A_223 = tpu.memref_squeeze %dma_start3A_222 : memref<1x125xi32, #tpu.memory_space<vmem>> -> memref<125xi32, #tpu.memory_space<vmem>>
      %dma_start3A_224 = arith.constant 0 : i32
      %dma_start3A_225 = arith.constant 0 : i32
      %dma_start3A_226 = tpu.memref_slice %arg8[%dma_start3A_224, %dma_start3A_225] : memref<10112x16xf32, #tpu.memory_space<vmem_shared>> -> memref<10112x16xf32, #tpu.memory_space<vmem_shared>>
      tpu.enqueue_indirect_dma source(%arg12 : memref<125x16xf32, #tpu.memory_space<vmem>>) target(%dma_start3A_226 : memref<10112x16xf32, #tpu.memory_space<vmem_shared>>) offsets(%dma_start3A_223 : memref<125xi32, #tpu.memory_space<vmem>>) semaphore(%arg28 : memref<!tpu.dma_semaphore, #tpu.memory_space<semaphore_mem>>) {add = true}
    } else {
    }
    %gt3A_108 = arith.constant 7 : i32
    %gt3A_109 = arith.cmpi sgt, %select_n3A, %gt3A_108 : i32
    %convert_element_type3A_110 = arith.extui %gt3A_109 : i1 to i32
    %cond3A_111 = arith.constant 0 : i32
    %cond3A_112 = arith.cmpi ne, %convert_element_type3A_110, %cond3A_111 : i32
    scf.if %cond3A_112 {
      %add3A_219 = arith.constant 7 : i32
      %add3A_220 = arith.addi %sub3A, %add3A_219 : i32
      %dma_start3A_221 = arith.constant 0 : i32
      %dma_start3A_222 = tpu.memref_slice %arg6[%add3A_220, %dma_start3A_221] : memref<80x125xi32, #tpu.memory_space<vmem>> -> memref<1x125xi32, #tpu.memory_space<vmem>>
      %dma_start3A_223 = tpu.memref_squeeze %dma_start3A_222 : memref<1x125xi32, #tpu.memory_space<vmem>> -> memref<125xi32, #tpu.memory_space<vmem>>
      %dma_start3A_224 = arith.constant 0 : i32
      %dma_start3A_225 = arith.constant 0 : i32
      %dma_start3A_226 = tpu.memref_slice %arg2[%dma_start3A_224, %dma_start3A_225] : memref<10000x16xf32, #tpu.memory_space<hbm>> -> memref<10000x16xf32, #tpu.memory_space<hbm>>
      tpu.enqueue_indirect_dma source(%dma_start3A_226 : memref<10000x16xf32, #tpu.memory_space<hbm>>) target(%arg16 : memref<125x16xf32, #tpu.memory_space<vmem>>) offsets(%dma_start3A_223 : memref<125xi32, #tpu.memory_space<vmem>>) semaphore(%arg24 : memref<!tpu.dma_semaphore, #tpu.memory_space<semaphore_mem>>)
    } else {
    }
    %gt3A_113 = arith.constant 4 : i32
    %gt3A_114 = arith.cmpi sgt, %select_n3A, %gt3A_113 : i32
    %convert_element_type3A_115 = arith.extui %gt3A_114 : i1 to i32
    %cond3A_116 = arith.constant 0 : i32
    %cond3A_117 = arith.cmpi ne, %convert_element_type3A_115, %cond3A_116 : i32
    scf.if %cond3A_117 {
      %add3A_219 = arith.constant 4 : i32
      %add3A_220 = arith.addi %sub3A, %add3A_219 : i32
      %dma_wait3A_221 = arith.constant 0 : i32
      %dma_wait3A_222 = tpu.memref_slice %arg6[%add3A_220, %dma_wait3A_221] : memref<80x125xi32, #tpu.memory_space<vmem>> -> memref<1x125xi32, #tpu.memory_space<vmem>>
      %dma_wait3A_223 = tpu.memref_squeeze %dma_wait3A_222 : memref<1x125xi32, #tpu.memory_space<vmem>> -> memref<125xi32, #tpu.memory_space<vmem>>
      %dma_wait3A_224 = arith.constant 0 : i32
      %dma_wait3A_225 = arith.constant 0 : i32
      %dma_wait3A_226 = tpu.memref_slice %arg2[%dma_wait3A_224, %dma_wait3A_225] : memref<10000x16xf32, #tpu.memory_space<hbm>> -> memref<10000x16xf32, #tpu.memory_space<hbm>>
      tpu.wait_indirect_dma semaphore(%arg21 : memref<!tpu.dma_semaphore, #tpu.memory_space<semaphore_mem>>) src(%dma_wait3A_226 : memref<10000x16xf32, #tpu.memory_space<hbm>>) dst(%arg13 : memref<125x16xf32, #tpu.memory_space<vmem>>)
    } else {
    }
    %gt3A_118 = arith.constant 4 : i32
    %gt3A_119 = arith.cmpi sgt, %select_n3A, %gt3A_118 : i32
    %convert_element_type3A_120 = arith.extui %gt3A_119 : i1 to i32
    %cond3A_121 = arith.constant 0 : i32
    %cond3A_122 = arith.cmpi ne, %convert_element_type3A_120, %cond3A_121 : i32
    scf.if %cond3A_122 {
      %add3A_219 = arith.constant 4 : i32
      %add3A_220 = arith.addi %sub3A, %add3A_219 : i32
      %dma_start3A_221 = arith.constant 0 : i32
      %dma_start3A_222 = tpu.memref_slice %arg7[%add3A_220, %dma_start3A_221] : memref<80x125xi32, #tpu.memory_space<vmem>> -> memref<1x125xi32, #tpu.memory_space<vmem>>
      %dma_start3A_223 = tpu.memref_squeeze %dma_start3A_222 : memref<1x125xi32, #tpu.memory_space<vmem>> -> memref<125xi32, #tpu.memory_space<vmem>>
      %dma_start3A_224 = arith.constant 0 : i32
      %dma_start3A_225 = arith.constant 0 : i32
      %dma_start3A_226 = tpu.memref_slice %arg8[%dma_start3A_224, %dma_start3A_225] : memref<10112x16xf32, #tpu.memory_space<vmem_shared>> -> memref<10112x16xf32, #tpu.memory_space<vmem_shared>>
      tpu.enqueue_indirect_dma source(%arg13 : memref<125x16xf32, #tpu.memory_space<vmem>>) target(%dma_start3A_226 : memref<10112x16xf32, #tpu.memory_space<vmem_shared>>) offsets(%dma_start3A_223 : memref<125xi32, #tpu.memory_space<vmem>>) semaphore(%arg29 : memref<!tpu.dma_semaphore, #tpu.memory_space<semaphore_mem>>) {add = true}
    } else {
    }
    %gt3A_123 = arith.constant 0 : i32
    %gt3A_124 = arith.cmpi sgt, %select_n3A, %gt3A_123 : i32
    %convert_element_type3A_125 = arith.extui %gt3A_124 : i1 to i32
    %cond3A_126 = arith.constant 0 : i32
    %cond3A_127 = arith.cmpi ne, %convert_element_type3A_125, %cond3A_126 : i32
    scf.if %cond3A_127 {
      %add3A_219 = arith.constant 0 : i32
      %add3A_220 = arith.addi %sub3A, %add3A_219 : i32
      %dma_wait3A_221 = arith.constant 0 : i32
      %dma_wait3A_222 = tpu.memref_slice %arg7[%add3A_220, %dma_wait3A_221] : memref<80x125xi32, #tpu.memory_space<vmem>> -> memref<1x125xi32, #tpu.memory_space<vmem>>
      %dma_wait3A_223 = tpu.memref_squeeze %dma_wait3A_222 : memref<1x125xi32, #tpu.memory_space<vmem>> -> memref<125xi32, #tpu.memory_space<vmem>>
      %dma_wait3A_224 = arith.constant 0 : i32
      %dma_wait3A_225 = arith.constant 0 : i32
      %dma_wait3A_226 = tpu.memref_slice %arg8[%dma_wait3A_224, %dma_wait3A_225] : memref<10112x16xf32, #tpu.memory_space<vmem_shared>> -> memref<10112x16xf32, #tpu.memory_space<vmem_shared>>
      tpu.wait_indirect_dma semaphore(%arg25 : memref<!tpu.dma_semaphore, #tpu.memory_space<semaphore_mem>>) src(%arg9 : memref<125x16xf32, #tpu.memory_space<vmem>>) dst(%dma_wait3A_226 : memref<10112x16xf32, #tpu.memory_space<vmem_shared>>)
    } else {
    }
    %gt3A_128 = arith.constant 8 : i32
    %gt3A_129 = arith.cmpi sgt, %select_n3A, %gt3A_128 : i32
    %convert_element_type3A_130 = arith.extui %gt3A_129 : i1 to i32
    %cond3A_131 = arith.constant 0 : i32
    %cond3A_132 = arith.cmpi ne, %convert_element_type3A_130, %cond3A_131 : i32
    scf.if %cond3A_132 {
      %add3A_219 = arith.constant 8 : i32
      %add3A_220 = arith.addi %sub3A, %add3A_219 : i32
      %dma_start3A_221 = arith.constant 0 : i32
      %dma_start3A_222 = tpu.memref_slice %arg6[%add3A_220, %dma_start3A_221] : memref<80x125xi32, #tpu.memory_space<vmem>> -> memref<1x125xi32, #tpu.memory_space<vmem>>
      %dma_start3A_223 = tpu.memref_squeeze %dma_start3A_222 : memref<1x125xi32, #tpu.memory_space<vmem>> -> memref<125xi32, #tpu.memory_space<vmem>>
      %dma_start3A_224 = arith.constant 0 : i32
      %dma_start3A_225 = arith.constant 0 : i32
      %dma_start3A_226 = tpu.memref_slice %arg2[%dma_start3A_224, %dma_start3A_225] : memref<10000x16xf32, #tpu.memory_space<hbm>> -> memref<10000x16xf32, #tpu.memory_space<hbm>>
      tpu.enqueue_indirect_dma source(%dma_start3A_226 : memref<10000x16xf32, #tpu.memory_space<hbm>>) target(%arg9 : memref<125x16xf32, #tpu.memory_space<vmem>>) offsets(%dma_start3A_223 : memref<125xi32, #tpu.memory_space<vmem>>) semaphore(%arg17 : memref<!tpu.dma_semaphore, #tpu.memory_space<semaphore_mem>>)
    } else {
    }
    %gt3A_133 = arith.constant 5 : i32
    %gt3A_134 = arith.cmpi sgt, %select_n3A, %gt3A_133 : i32
    %convert_element_type3A_135 = arith.extui %gt3A_134 : i1 to i32
    %cond3A_136 = arith.constant 0 : i32
    %cond3A_137 = arith.cmpi ne, %convert_element_type3A_135, %cond3A_136 : i32
    scf.if %cond3A_137 {
      %add3A_219 = arith.constant 5 : i32
      %add3A_220 = arith.addi %sub3A, %add3A_219 : i32
      %dma_wait3A_221 = arith.constant 0 : i32
      %dma_wait3A_222 = tpu.memref_slice %arg6[%add3A_220, %dma_wait3A_221] : memref<80x125xi32, #tpu.memory_space<vmem>> -> memref<1x125xi32, #tpu.memory_space<vmem>>
      %dma_wait3A_223 = tpu.memref_squeeze %dma_wait3A_222 : memref<1x125xi32, #tpu.memory_space<vmem>> -> memref<125xi32, #tpu.memory_space<vmem>>
      %dma_wait3A_224 = arith.constant 0 : i32
      %dma_wait3A_225 = arith.constant 0 : i32
      %dma_wait3A_226 = tpu.memref_slice %arg2[%dma_wait3A_224, %dma_wait3A_225] : memref<10000x16xf32, #tpu.memory_space<hbm>> -> memref<10000x16xf32, #tpu.memory_space<hbm>>
      tpu.wait_indirect_dma semaphore(%arg22 : memref<!tpu.dma_semaphore, #tpu.memory_space<semaphore_mem>>) src(%dma_wait3A_226 : memref<10000x16xf32, #tpu.memory_space<hbm>>) dst(%arg14 : memref<125x16xf32, #tpu.memory_space<vmem>>)
    } else {
    }
    %gt3A_138 = arith.constant 5 : i32
    %gt3A_139 = arith.cmpi sgt, %select_n3A, %gt3A_138 : i32
    %convert_element_type3A_140 = arith.extui %gt3A_139 : i1 to i32
    %cond3A_141 = arith.constant 0 : i32
    %cond3A_142 = arith.cmpi ne, %convert_element_type3A_140, %cond3A_141 : i32
    scf.if %cond3A_142 {
      %add3A_219 = arith.constant 5 : i32
      %add3A_220 = arith.addi %sub3A, %add3A_219 : i32
      %dma_start3A_221 = arith.constant 0 : i32
      %dma_start3A_222 = tpu.memref_slice %arg7[%add3A_220, %dma_start3A_221] : memref<80x125xi32, #tpu.memory_space<vmem>> -> memref<1x125xi32, #tpu.memory_space<vmem>>
      %dma_start3A_223 = tpu.memref_squeeze %dma_start3A_222 : memref<1x125xi32, #tpu.memory_space<vmem>> -> memref<125xi32, #tpu.memory_space<vmem>>
      %dma_start3A_224 = arith.constant 0 : i32
      %dma_start3A_225 = arith.constant 0 : i32
      %dma_start3A_226 = tpu.memref_slice %arg8[%dma_start3A_224, %dma_start3A_225] : memref<10112x16xf32, #tpu.memory_space<vmem_shared>> -> memref<10112x16xf32, #tpu.memory_space<vmem_shared>>
      tpu.enqueue_indirect_dma source(%arg14 : memref<125x16xf32, #tpu.memory_space<vmem>>) target(%dma_start3A_226 : memref<10112x16xf32, #tpu.memory_space<vmem_shared>>) offsets(%dma_start3A_223 : memref<125xi32, #tpu.memory_space<vmem>>) semaphore(%arg30 : memref<!tpu.dma_semaphore, #tpu.memory_space<semaphore_mem>>) {add = true}
    } else {
    }
    %gt3A_143 = arith.constant 1 : i32
    %gt3A_144 = arith.cmpi sgt, %select_n3A, %gt3A_143 : i32
    %convert_element_type3A_145 = arith.extui %gt3A_144 : i1 to i32
    %cond3A_146 = arith.constant 0 : i32
    %cond3A_147 = arith.cmpi ne, %convert_element_type3A_145, %cond3A_146 : i32
    scf.if %cond3A_147 {
      %add3A_219 = arith.constant 1 : i32
      %add3A_220 = arith.addi %sub3A, %add3A_219 : i32
      %dma_wait3A_221 = arith.constant 0 : i32
      %dma_wait3A_222 = tpu.memref_slice %arg7[%add3A_220, %dma_wait3A_221] : memref<80x125xi32, #tpu.memory_space<vmem>> -> memref<1x125xi32, #tpu.memory_space<vmem>>
      %dma_wait3A_223 = tpu.memref_squeeze %dma_wait3A_222 : memref<1x125xi32, #tpu.memory_space<vmem>> -> memref<125xi32, #tpu.memory_space<vmem>>
      %dma_wait3A_224 = arith.constant 0 : i32
      %dma_wait3A_225 = arith.constant 0 : i32
      %dma_wait3A_226 = tpu.memref_slice %arg8[%dma_wait3A_224, %dma_wait3A_225] : memref<10112x16xf32, #tpu.memory_space<vmem_shared>> -> memref<10112x16xf32, #tpu.memory_space<vmem_shared>>
      tpu.wait_indirect_dma semaphore(%arg26 : memref<!tpu.dma_semaphore, #tpu.memory_space<semaphore_mem>>) src(%arg10 : memref<125x16xf32, #tpu.memory_space<vmem>>) dst(%dma_wait3A_226 : memref<10112x16xf32, #tpu.memory_space<vmem_shared>>)
    } else {
    }
    %gt3A_148 = arith.constant 9 : i32
    %gt3A_149 = arith.cmpi sgt, %select_n3A, %gt3A_148 : i32
    %convert_element_type3A_150 = arith.extui %gt3A_149 : i1 to i32
    %cond3A_151 = arith.constant 0 : i32
    %cond3A_152 = arith.cmpi ne, %convert_element_type3A_150, %cond3A_151 : i32
    scf.if %cond3A_152 {
      %add3A_219 = arith.constant 9 : i32
      %add3A_220 = arith.addi %sub3A, %add3A_219 : i32
      %dma_start3A_221 = arith.constant 0 : i32
      %dma_start3A_222 = tpu.memref_slice %arg6[%add3A_220, %dma_start3A_221] : memref<80x125xi32, #tpu.memory_space<vmem>> -> memref<1x125xi32, #tpu.memory_space<vmem>>
      %dma_start3A_223 = tpu.memref_squeeze %dma_start3A_222 : memref<1x125xi32, #tpu.memory_space<vmem>> -> memref<125xi32, #tpu.memory_space<vmem>>
      %dma_start3A_224 = arith.constant 0 : i32
      %dma_start3A_225 = arith.constant 0 : i32
      %dma_start3A_226 = tpu.memref_slice %arg2[%dma_start3A_224, %dma_start3A_225] : memref<10000x16xf32, #tpu.memory_space<hbm>> -> memref<10000x16xf32, #tpu.memory_space<hbm>>
      tpu.enqueue_indirect_dma source(%dma_start3A_226 : memref<10000x16xf32, #tpu.memory_space<hbm>>) target(%arg10 : memref<125x16xf32, #tpu.memory_space<vmem>>) offsets(%dma_start3A_223 : memref<125xi32, #tpu.memory_space<vmem>>) semaphore(%arg18 : memref<!tpu.dma_semaphore, #tpu.memory_space<semaphore_mem>>)
    } else {
    }
    %gt3A_153 = arith.constant 6 : i32
    %gt3A_154 = arith.cmpi sgt, %select_n3A, %gt3A_153 : i32
    %convert_element_type3A_155 = arith.extui %gt3A_154 : i1 to i32
    %cond3A_156 = arith.constant 0 : i32
    %cond3A_157 = arith.cmpi ne, %convert_element_type3A_155, %cond3A_156 : i32
    scf.if %cond3A_157 {
      %add3A_219 = arith.constant 6 : i32
      %add3A_220 = arith.addi %sub3A, %add3A_219 : i32
      %dma_wait3A_221 = arith.constant 0 : i32
      %dma_wait3A_222 = tpu.memref_slice %arg6[%add3A_220, %dma_wait3A_221] : memref<80x125xi32, #tpu.memory_space<vmem>> -> memref<1x125xi32, #tpu.memory_space<vmem>>
      %dma_wait3A_223 = tpu.memref_squeeze %dma_wait3A_222 : memref<1x125xi32, #tpu.memory_space<vmem>> -> memref<125xi32, #tpu.memory_space<vmem>>
      %dma_wait3A_224 = arith.constant 0 : i32
      %dma_wait3A_225 = arith.constant 0 : i32
      %dma_wait3A_226 = tpu.memref_slice %arg2[%dma_wait3A_224, %dma_wait3A_225] : memref<10000x16xf32, #tpu.memory_space<hbm>> -> memref<10000x16xf32, #tpu.memory_space<hbm>>
      tpu.wait_indirect_dma semaphore(%arg23 : memref<!tpu.dma_semaphore, #tpu.memory_space<semaphore_mem>>) src(%dma_wait3A_226 : memref<10000x16xf32, #tpu.memory_space<hbm>>) dst(%arg15 : memref<125x16xf32, #tpu.memory_space<vmem>>)
    } else {
    }
    %gt3A_158 = arith.constant 6 : i32
    %gt3A_159 = arith.cmpi sgt, %select_n3A, %gt3A_158 : i32
    %convert_element_type3A_160 = arith.extui %gt3A_159 : i1 to i32
    %cond3A_161 = arith.constant 0 : i32
    %cond3A_162 = arith.cmpi ne, %convert_element_type3A_160, %cond3A_161 : i32
    scf.if %cond3A_162 {
      %add3A_219 = arith.constant 6 : i32
      %add3A_220 = arith.addi %sub3A, %add3A_219 : i32
      %dma_start3A_221 = arith.constant 0 : i32
      %dma_start3A_222 = tpu.memref_slice %arg7[%add3A_220, %dma_start3A_221] : memref<80x125xi32, #tpu.memory_space<vmem>> -> memref<1x125xi32, #tpu.memory_space<vmem>>
      %dma_start3A_223 = tpu.memref_squeeze %dma_start3A_222 : memref<1x125xi32, #tpu.memory_space<vmem>> -> memref<125xi32, #tpu.memory_space<vmem>>
      %dma_start3A_224 = arith.constant 0 : i32
      %dma_start3A_225 = arith.constant 0 : i32
      %dma_start3A_226 = tpu.memref_slice %arg8[%dma_start3A_224, %dma_start3A_225] : memref<10112x16xf32, #tpu.memory_space<vmem_shared>> -> memref<10112x16xf32, #tpu.memory_space<vmem_shared>>
      tpu.enqueue_indirect_dma source(%arg15 : memref<125x16xf32, #tpu.memory_space<vmem>>) target(%dma_start3A_226 : memref<10112x16xf32, #tpu.memory_space<vmem_shared>>) offsets(%dma_start3A_223 : memref<125xi32, #tpu.memory_space<vmem>>) semaphore(%arg31 : memref<!tpu.dma_semaphore, #tpu.memory_space<semaphore_mem>>) {add = true}
    } else {
    }
    %gt3A_163 = arith.constant 2 : i32
    %gt3A_164 = arith.cmpi sgt, %select_n3A, %gt3A_163 : i32
    %convert_element_type3A_165 = arith.extui %gt3A_164 : i1 to i32
    %cond3A_166 = arith.constant 0 : i32
    %cond3A_167 = arith.cmpi ne, %convert_element_type3A_165, %cond3A_166 : i32
    scf.if %cond3A_167 {
      %add3A_219 = arith.constant 2 : i32
      %add3A_220 = arith.addi %sub3A, %add3A_219 : i32
      %dma_wait3A_221 = arith.constant 0 : i32
      %dma_wait3A_222 = tpu.memref_slice %arg7[%add3A_220, %dma_wait3A_221] : memref<80x125xi32, #tpu.memory_space<vmem>> -> memref<1x125xi32, #tpu.memory_space<vmem>>
      %dma_wait3A_223 = tpu.memref_squeeze %dma_wait3A_222 : memref<1x125xi32, #tpu.memory_space<vmem>> -> memref<125xi32, #tpu.memory_space<vmem>>
      %dma_wait3A_224 = arith.constant 0 : i32
      %dma_wait3A_225 = arith.constant 0 : i32
      %dma_wait3A_226 = tpu.memref_slice %arg8[%dma_wait3A_224, %dma_wait3A_225] : memref<10112x16xf32, #tpu.memory_space<vmem_shared>> -> memref<10112x16xf32, #tpu.memory_space<vmem_shared>>
      tpu.wait_indirect_dma semaphore(%arg27 : memref<!tpu.dma_semaphore, #tpu.memory_space<semaphore_mem>>) src(%arg11 : memref<125x16xf32, #tpu.memory_space<vmem>>) dst(%dma_wait3A_226 : memref<10112x16xf32, #tpu.memory_space<vmem_shared>>)
    } else {
    }
    %gt3A_168 = arith.constant 10 : i32
    %gt3A_169 = arith.cmpi sgt, %select_n3A, %gt3A_168 : i32
    %convert_element_type3A_170 = arith.extui %gt3A_169 : i1 to i32
    %cond3A_171 = arith.constant 0 : i32
    %cond3A_172 = arith.cmpi ne, %convert_element_type3A_170, %cond3A_171 : i32
    scf.if %cond3A_172 {
      %add3A_219 = arith.constant 10 : i32
      %add3A_220 = arith.addi %sub3A, %add3A_219 : i32
      %dma_start3A_221 = arith.constant 0 : i32
      %dma_start3A_222 = tpu.memref_slice %arg6[%add3A_220, %dma_start3A_221] : memref<80x125xi32, #tpu.memory_space<vmem>> -> memref<1x125xi32, #tpu.memory_space<vmem>>
      %dma_start3A_223 = tpu.memref_squeeze %dma_start3A_222 : memref<1x125xi32, #tpu.memory_space<vmem>> -> memref<125xi32, #tpu.memory_space<vmem>>
      %dma_start3A_224 = arith.constant 0 : i32
      %dma_start3A_225 = arith.constant 0 : i32
      %dma_start3A_226 = tpu.memref_slice %arg2[%dma_start3A_224, %dma_start3A_225] : memref<10000x16xf32, #tpu.memory_space<hbm>> -> memref<10000x16xf32, #tpu.memory_space<hbm>>
      tpu.enqueue_indirect_dma source(%dma_start3A_226 : memref<10000x16xf32, #tpu.memory_space<hbm>>) target(%arg11 : memref<125x16xf32, #tpu.memory_space<vmem>>) offsets(%dma_start3A_223 : memref<125xi32, #tpu.memory_space<vmem>>) semaphore(%arg19 : memref<!tpu.dma_semaphore, #tpu.memory_space<semaphore_mem>>)
    } else {
    }
    %gt3A_173 = arith.constant 7 : i32
    %gt3A_174 = arith.cmpi sgt, %select_n3A, %gt3A_173 : i32
    %convert_element_type3A_175 = arith.extui %gt3A_174 : i1 to i32
    %cond3A_176 = arith.constant 0 : i32
    %cond3A_177 = arith.cmpi ne, %convert_element_type3A_175, %cond3A_176 : i32
    scf.if %cond3A_177 {
      %add3A_219 = arith.constant 7 : i32
      %add3A_220 = arith.addi %sub3A, %add3A_219 : i32
      %dma_wait3A_221 = arith.constant 0 : i32
      %dma_wait3A_222 = tpu.memref_slice %arg6[%add3A_220, %dma_wait3A_221] : memref<80x125xi32, #tpu.memory_space<vmem>> -> memref<1x125xi32, #tpu.memory_space<vmem>>
      %dma_wait3A_223 = tpu.memref_squeeze %dma_wait3A_222 : memref<1x125xi32, #tpu.memory_space<vmem>> -> memref<125xi32, #tpu.memory_space<vmem>>
      %dma_wait3A_224 = arith.constant 0 : i32
      %dma_wait3A_225 = arith.constant 0 : i32
      %dma_wait3A_226 = tpu.memref_slice %arg2[%dma_wait3A_224, %dma_wait3A_225] : memref<10000x16xf32, #tpu.memory_space<hbm>> -> memref<10000x16xf32, #tpu.memory_space<hbm>>
      tpu.wait_indirect_dma semaphore(%arg24 : memref<!tpu.dma_semaphore, #tpu.memory_space<semaphore_mem>>) src(%dma_wait3A_226 : memref<10000x16xf32, #tpu.memory_space<hbm>>) dst(%arg16 : memref<125x16xf32, #tpu.memory_space<vmem>>)
    } else {
    }
    %gt3A_178 = arith.constant 7 : i32
    %gt3A_179 = arith.cmpi sgt, %select_n3A, %gt3A_178 : i32
    %convert_element_type3A_180 = arith.extui %gt3A_179 : i1 to i32
    %cond3A_181 = arith.constant 0 : i32
    %cond3A_182 = arith.cmpi ne, %convert_element_type3A_180, %cond3A_181 : i32
    scf.if %cond3A_182 {
      %add3A_219 = arith.constant 7 : i32
      %add3A_220 = arith.addi %sub3A, %add3A_219 : i32
      %dma_start3A_221 = arith.constant 0 : i32
      %dma_start3A_222 = tpu.memref_slice %arg7[%add3A_220, %dma_start3A_221] : memref<80x125xi32, #tpu.memory_space<vmem>> -> memref<1x125xi32, #tpu.memory_space<vmem>>
      %dma_start3A_223 = tpu.memref_squeeze %dma_start3A_222 : memref<1x125xi32, #tpu.memory_space<vmem>> -> memref<125xi32, #tpu.memory_space<vmem>>
      %dma_start3A_224 = arith.constant 0 : i32
      %dma_start3A_225 = arith.constant 0 : i32
      %dma_start3A_226 = tpu.memref_slice %arg8[%dma_start3A_224, %dma_start3A_225] : memref<10112x16xf32, #tpu.memory_space<vmem_shared>> -> memref<10112x16xf32, #tpu.memory_space<vmem_shared>>
      tpu.enqueue_indirect_dma source(%arg16 : memref<125x16xf32, #tpu.memory_space<vmem>>) target(%dma_start3A_226 : memref<10112x16xf32, #tpu.memory_space<vmem_shared>>) offsets(%dma_start3A_223 : memref<125xi32, #tpu.memory_space<vmem>>) semaphore(%arg32 : memref<!tpu.dma_semaphore, #tpu.memory_space<semaphore_mem>>) {add = true}
    } else {
    }
    %gt3A_183 = arith.constant 3 : i32
    %gt3A_184 = arith.cmpi sgt, %select_n3A, %gt3A_183 : i32
    %convert_element_type3A_185 = arith.extui %gt3A_184 : i1 to i32
    %cond3A_186 = arith.constant 0 : i32
    %cond3A_187 = arith.cmpi ne, %convert_element_type3A_185, %cond3A_186 : i32
    scf.if %cond3A_187 {
      %add3A_219 = arith.constant 3 : i32
      %add3A_220 = arith.addi %sub3A, %add3A_219 : i32
      %dma_wait3A_221 = arith.constant 0 : i32
      %dma_wait3A_222 = tpu.memref_slice %arg7[%add3A_220, %dma_wait3A_221] : memref<80x125xi32, #tpu.memory_space<vmem>> -> memref<1x125xi32, #tpu.memory_space<vmem>>
      %dma_wait3A_223 = tpu.memref_squeeze %dma_wait3A_222 : memref<1x125xi32, #tpu.memory_space<vmem>> -> memref<125xi32, #tpu.memory_space<vmem>>
      %dma_wait3A_224 = arith.constant 0 : i32
      %dma_wait3A_225 = arith.constant 0 : i32
      %dma_wait3A_226 = tpu.memref_slice %arg8[%dma_wait3A_224, %dma_wait3A_225] : memref<10112x16xf32, #tpu.memory_space<vmem_shared>> -> memref<10112x16xf32, #tpu.memory_space<vmem_shared>>
      tpu.wait_indirect_dma semaphore(%arg28 : memref<!tpu.dma_semaphore, #tpu.memory_space<semaphore_mem>>) src(%arg12 : memref<125x16xf32, #tpu.memory_space<vmem>>) dst(%dma_wait3A_226 : memref<10112x16xf32, #tpu.memory_space<vmem_shared>>)
    } else {
    }
    %gt3A_188 = arith.constant 11 : i32
    %gt3A_189 = arith.cmpi sgt, %select_n3A, %gt3A_188 : i32
    %convert_element_type3A_190 = arith.extui %gt3A_189 : i1 to i32
    %cond3A_191 = arith.constant 0 : i32
    %cond3A_192 = arith.cmpi ne, %convert_element_type3A_190, %cond3A_191 : i32
    scf.if %cond3A_192 {
      %add3A_219 = arith.constant 11 : i32
      %add3A_220 = arith.addi %sub3A, %add3A_219 : i32
      %dma_start3A_221 = arith.constant 0 : i32
      %dma_start3A_222 = tpu.memref_slice %arg6[%add3A_220, %dma_start3A_221] : memref<80x125xi32, #tpu.memory_space<vmem>> -> memref<1x125xi32, #tpu.memory_space<vmem>>
      %dma_start3A_223 = tpu.memref_squeeze %dma_start3A_222 : memref<1x125xi32, #tpu.memory_space<vmem>> -> memref<125xi32, #tpu.memory_space<vmem>>
      %dma_start3A_224 = arith.constant 0 : i32
      %dma_start3A_225 = arith.constant 0 : i32
      %dma_start3A_226 = tpu.memref_slice %arg2[%dma_start3A_224, %dma_start3A_225] : memref<10000x16xf32, #tpu.memory_space<hbm>> -> memref<10000x16xf32, #tpu.memory_space<hbm>>
      tpu.enqueue_indirect_dma source(%dma_start3A_226 : memref<10000x16xf32, #tpu.memory_space<hbm>>) target(%arg12 : memref<125x16xf32, #tpu.memory_space<vmem>>) offsets(%dma_start3A_223 : memref<125xi32, #tpu.memory_space<vmem>>) semaphore(%arg20 : memref<!tpu.dma_semaphore, #tpu.memory_space<semaphore_mem>>)
    } else {
    }
    %scan3A = arith.constant 0 : i32
    %scan3A_193 = arith.constant 1 : i32
    %scan3A_194 = arith.constant 9 : i32
    %scan3A_195 = arith.addi %scan3A_193, %scan3A_194 : i32
    %scan3A_196 = arith.constant 1 : i32
    scf.for %scan3A_219 = %scan3A_193 to %scan3A_195 step %scan3A_196  : i32 {
      %mul3A_220 = arith.constant 8 : i32
      %mul3A_221 = arith.muli %scan3A_219, %mul3A_220 : i32
      %add3A_222 = arith.constant 0 : i32
      %add3A_223 = arith.addi %mul3A_221, %add3A_222 : i32
      %lt3A = arith.cmpi slt, %add3A_223, %select_n3A : i32
      %convert_element_type3A_224 = arith.extui %lt3A : i1 to i32
      %cond3A_225 = arith.constant 0 : i32
      %cond3A_226 = arith.cmpi ne, %convert_element_type3A_224, %cond3A_225 : i32
      scf.if %cond3A_226 {
        %add3A_411 = arith.addi %sub3A, %add3A_223 : i32
        %dma_wait3A_412 = arith.constant 0 : i32
        %dma_wait3A_413 = tpu.memref_slice %arg6[%add3A_411, %dma_wait3A_412] : memref<80x125xi32, #tpu.memory_space<vmem>> -> memref<1x125xi32, #tpu.memory_space<vmem>>
        %dma_wait3A_414 = tpu.memref_squeeze %dma_wait3A_413 : memref<1x125xi32, #tpu.memory_space<vmem>> -> memref<125xi32, #tpu.memory_space<vmem>>
        %dma_wait3A_415 = arith.constant 0 : i32
        %dma_wait3A_416 = arith.constant 0 : i32
        %dma_wait3A_417 = tpu.memref_slice %arg2[%dma_wait3A_415, %dma_wait3A_416] : memref<10000x16xf32, #tpu.memory_space<hbm>> -> memref<10000x16xf32, #tpu.memory_space<hbm>>
        tpu.wait_indirect_dma semaphore(%arg17 : memref<!tpu.dma_semaphore, #tpu.memory_space<semaphore_mem>>) src(%dma_wait3A_417 : memref<10000x16xf32, #tpu.memory_space<hbm>>) dst(%arg9 : memref<125x16xf32, #tpu.memory_space<vmem>>)
      } else {
      }
      %lt3A_227 = arith.cmpi slt, %add3A_223, %select_n3A : i32
      %convert_element_type3A_228 = arith.extui %lt3A_227 : i1 to i32
      %cond3A_229 = arith.constant 0 : i32
      %cond3A_230 = arith.cmpi ne, %convert_element_type3A_228, %cond3A_229 : i32
      scf.if %cond3A_230 {
        %add3A_411 = arith.addi %sub3A, %add3A_223 : i32
        %dma_start3A_412 = arith.constant 0 : i32
        %dma_start3A_413 = tpu.memref_slice %arg7[%add3A_411, %dma_start3A_412] : memref<80x125xi32, #tpu.memory_space<vmem>> -> memref<1x125xi32, #tpu.memory_space<vmem>>
        %dma_start3A_414 = tpu.memref_squeeze %dma_start3A_413 : memref<1x125xi32, #tpu.memory_space<vmem>> -> memref<125xi32, #tpu.memory_space<vmem>>
        %dma_start3A_415 = arith.constant 0 : i32
        %dma_start3A_416 = arith.constant 0 : i32
        %dma_start3A_417 = tpu.memref_slice %arg8[%dma_start3A_415, %dma_start3A_416] : memref<10112x16xf32, #tpu.memory_space<vmem_shared>> -> memref<10112x16xf32, #tpu.memory_space<vmem_shared>>
        tpu.enqueue_indirect_dma source(%arg9 : memref<125x16xf32, #tpu.memory_space<vmem>>) target(%dma_start3A_417 : memref<10112x16xf32, #tpu.memory_space<vmem_shared>>) offsets(%dma_start3A_414 : memref<125xi32, #tpu.memory_space<vmem>>) semaphore(%arg25 : memref<!tpu.dma_semaphore, #tpu.memory_space<semaphore_mem>>) {add = true}
      } else {
      }
      %sub3A_231 = arith.constant 4 : i32
      %sub3A_232 = arith.subi %add3A_223, %sub3A_231 : i32
      %lt3A_233 = arith.cmpi slt, %sub3A_232, %select_n3A : i32
      %convert_element_type3A_234 = arith.extui %lt3A_233 : i1 to i32
      %cond3A_235 = arith.constant 0 : i32
      %cond3A_236 = arith.cmpi ne, %convert_element_type3A_234, %cond3A_235 : i32
      scf.if %cond3A_236 {
        %add3A_411 = arith.addi %sub3A, %sub3A_232 : i32
        %dma_wait3A_412 = arith.constant 0 : i32
        %dma_wait3A_413 = tpu.memref_slice %arg7[%add3A_411, %dma_wait3A_412] : memref<80x125xi32, #tpu.memory_space<vmem>> -> memref<1x125xi32, #tpu.memory_space<vmem>>
        %dma_wait3A_414 = tpu.memref_squeeze %dma_wait3A_413 : memref<1x125xi32, #tpu.memory_space<vmem>> -> memref<125xi32, #tpu.memory_space<vmem>>
        %dma_wait3A_415 = arith.constant 0 : i32
        %dma_wait3A_416 = arith.constant 0 : i32
        %dma_wait3A_417 = tpu.memref_slice %arg8[%dma_wait3A_415, %dma_wait3A_416] : memref<10112x16xf32, #tpu.memory_space<vmem_shared>> -> memref<10112x16xf32, #tpu.memory_space<vmem_shared>>
        tpu.wait_indirect_dma semaphore(%arg29 : memref<!tpu.dma_semaphore, #tpu.memory_space<semaphore_mem>>) src(%arg13 : memref<125x16xf32, #tpu.memory_space<vmem>>) dst(%dma_wait3A_417 : memref<10112x16xf32, #tpu.memory_space<vmem_shared>>)
      } else {
      }
      %add3A_237 = arith.constant 4 : i32
      %add3A_238 = arith.addi %add3A_223, %add3A_237 : i32
      %lt3A_239 = arith.cmpi slt, %add3A_238, %select_n3A : i32
      %convert_element_type3A_240 = arith.extui %lt3A_239 : i1 to i32
      %cond3A_241 = arith.constant 0 : i32
      %cond3A_242 = arith.cmpi ne, %convert_element_type3A_240, %cond3A_241 : i32
      scf.if %cond3A_242 {
        %add3A_411 = arith.addi %sub3A, %add3A_238 : i32
        %dma_start3A_412 = arith.constant 0 : i32
        %dma_start3A_413 = tpu.memref_slice %arg6[%add3A_411, %dma_start3A_412] : memref<80x125xi32, #tpu.memory_space<vmem>> -> memref<1x125xi32, #tpu.memory_space<vmem>>
        %dma_start3A_414 = tpu.memref_squeeze %dma_start3A_413 : memref<1x125xi32, #tpu.memory_space<vmem>> -> memref<125xi32, #tpu.memory_space<vmem>>
        %dma_start3A_415 = arith.constant 0 : i32
        %dma_start3A_416 = arith.constant 0 : i32
        %dma_start3A_417 = tpu.memref_slice %arg2[%dma_start3A_415, %dma_start3A_416] : memref<10000x16xf32, #tpu.memory_space<hbm>> -> memref<10000x16xf32, #tpu.memory_space<hbm>>
        tpu.enqueue_indirect_dma source(%dma_start3A_417 : memref<10000x16xf32, #tpu.memory_space<hbm>>) target(%arg13 : memref<125x16xf32, #tpu.memory_space<vmem>>) offsets(%dma_start3A_414 : memref<125xi32, #tpu.memory_space<vmem>>) semaphore(%arg21 : memref<!tpu.dma_semaphore, #tpu.memory_space<semaphore_mem>>)
      } else {
      }
      %mul3A_243 = arith.constant 8 : i32
      %mul3A_244 = arith.muli %scan3A_219, %mul3A_243 : i32
      %add3A_245 = arith.constant 1 : i32
      %add3A_246 = arith.addi %mul3A_244, %add3A_245 : i32
      %lt3A_247 = arith.cmpi slt, %add3A_246, %select_n3A : i32
      %convert_element_type3A_248 = arith.extui %lt3A_247 : i1 to i32
      %cond3A_249 = arith.constant 0 : i32
      %cond3A_250 = arith.cmpi ne, %convert_element_type3A_248, %cond3A_249 : i32
      scf.if %cond3A_250 {
        %add3A_411 = arith.addi %sub3A, %add3A_246 : i32
        %dma_wait3A_412 = arith.constant 0 : i32
        %dma_wait3A_413 = tpu.memref_slice %arg6[%add3A_411, %dma_wait3A_412] : memref<80x125xi32, #tpu.memory_space<vmem>> -> memref<1x125xi32, #tpu.memory_space<vmem>>
        %dma_wait3A_414 = tpu.memref_squeeze %dma_wait3A_413 : memref<1x125xi32, #tpu.memory_space<vmem>> -> memref<125xi32, #tpu.memory_space<vmem>>
        %dma_wait3A_415 = arith.constant 0 : i32
        %dma_wait3A_416 = arith.constant 0 : i32
        %dma_wait3A_417 = tpu.memref_slice %arg2[%dma_wait3A_415, %dma_wait3A_416] : memref<10000x16xf32, #tpu.memory_space<hbm>> -> memref<10000x16xf32, #tpu.memory_space<hbm>>
        tpu.wait_indirect_dma semaphore(%arg18 : memref<!tpu.dma_semaphore, #tpu.memory_space<semaphore_mem>>) src(%dma_wait3A_417 : memref<10000x16xf32, #tpu.memory_space<hbm>>) dst(%arg10 : memref<125x16xf32, #tpu.memory_space<vmem>>)
      } else {
      }
      %lt3A_251 = arith.cmpi slt, %add3A_246, %select_n3A : i32
      %convert_element_type3A_252 = arith.extui %lt3A_251 : i1 to i32
      %cond3A_253 = arith.constant 0 : i32
      %cond3A_254 = arith.cmpi ne, %convert_element_type3A_252, %cond3A_253 : i32
      scf.if %cond3A_254 {
        %add3A_411 = arith.addi %sub3A, %add3A_246 : i32
        %dma_start3A_412 = arith.constant 0 : i32
        %dma_start3A_413 = tpu.memref_slice %arg7[%add3A_411, %dma_start3A_412] : memref<80x125xi32, #tpu.memory_space<vmem>> -> memref<1x125xi32, #tpu.memory_space<vmem>>
        %dma_start3A_414 = tpu.memref_squeeze %dma_start3A_413 : memref<1x125xi32, #tpu.memory_space<vmem>> -> memref<125xi32, #tpu.memory_space<vmem>>
        %dma_start3A_415 = arith.constant 0 : i32
        %dma_start3A_416 = arith.constant 0 : i32
        %dma_start3A_417 = tpu.memref_slice %arg8[%dma_start3A_415, %dma_start3A_416] : memref<10112x16xf32, #tpu.memory_space<vmem_shared>> -> memref<10112x16xf32, #tpu.memory_space<vmem_shared>>
        tpu.enqueue_indirect_dma source(%arg10 : memref<125x16xf32, #tpu.memory_space<vmem>>) target(%dma_start3A_417 : memref<10112x16xf32, #tpu.memory_space<vmem_shared>>) offsets(%dma_start3A_414 : memref<125xi32, #tpu.memory_space<vmem>>) semaphore(%arg26 : memref<!tpu.dma_semaphore, #tpu.memory_space<semaphore_mem>>) {add = true}
      } else {
      }
      %sub3A_255 = arith.constant 4 : i32
      %sub3A_256 = arith.subi %add3A_246, %sub3A_255 : i32
      %lt3A_257 = arith.cmpi slt, %sub3A_256, %select_n3A : i32
      %convert_element_type3A_258 = arith.extui %lt3A_257 : i1 to i32
      %cond3A_259 = arith.constant 0 : i32
      %cond3A_260 = arith.cmpi ne, %convert_element_type3A_258, %cond3A_259 : i32
      scf.if %cond3A_260 {
        %add3A_411 = arith.addi %sub3A, %sub3A_256 : i32
        %dma_wait3A_412 = arith.constant 0 : i32
        %dma_wait3A_413 = tpu.memref_slice %arg7[%add3A_411, %dma_wait3A_412] : memref<80x125xi32, #tpu.memory_space<vmem>> -> memref<1x125xi32, #tpu.memory_space<vmem>>
        %dma_wait3A_414 = tpu.memref_squeeze %dma_wait3A_413 : memref<1x125xi32, #tpu.memory_space<vmem>> -> memref<125xi32, #tpu.memory_space<vmem>>
        %dma_wait3A_415 = arith.constant 0 : i32
        %dma_wait3A_416 = arith.constant 0 : i32
        %dma_wait3A_417 = tpu.memref_slice %arg8[%dma_wait3A_415, %dma_wait3A_416] : memref<10112x16xf32, #tpu.memory_space<vmem_shared>> -> memref<10112x16xf32, #tpu.memory_space<vmem_shared>>
        tpu.wait_indirect_dma semaphore(%arg30 : memref<!tpu.dma_semaphore, #tpu.memory_space<semaphore_mem>>) src(%arg14 : memref<125x16xf32, #tpu.memory_space<vmem>>) dst(%dma_wait3A_417 : memref<10112x16xf32, #tpu.memory_space<vmem_shared>>)
      } else {
      }
      %add3A_261 = arith.constant 4 : i32
      %add3A_262 = arith.addi %add3A_246, %add3A_261 : i32
      %lt3A_263 = arith.cmpi slt, %add3A_262, %select_n3A : i32
      %convert_element_type3A_264 = arith.extui %lt3A_263 : i1 to i32
      %cond3A_265 = arith.constant 0 : i32
      %cond3A_266 = arith.cmpi ne, %convert_element_type3A_264, %cond3A_265 : i32
      scf.if %cond3A_266 {
        %add3A_411 = arith.addi %sub3A, %add3A_262 : i32
        %dma_start3A_412 = arith.constant 0 : i32
        %dma_start3A_413 = tpu.memref_slice %arg6[%add3A_411, %dma_start3A_412] : memref<80x125xi32, #tpu.memory_space<vmem>> -> memref<1x125xi32, #tpu.memory_space<vmem>>
        %dma_start3A_414 = tpu.memref_squeeze %dma_start3A_413 : memref<1x125xi32, #tpu.memory_space<vmem>> -> memref<125xi32, #tpu.memory_space<vmem>>
        %dma_start3A_415 = arith.constant 0 : i32
        %dma_start3A_416 = arith.constant 0 : i32
        %dma_start3A_417 = tpu.memref_slice %arg2[%dma_start3A_415, %dma_start3A_416] : memref<10000x16xf32, #tpu.memory_space<hbm>> -> memref<10000x16xf32, #tpu.memory_space<hbm>>
        tpu.enqueue_indirect_dma source(%dma_start3A_417 : memref<10000x16xf32, #tpu.memory_space<hbm>>) target(%arg14 : memref<125x16xf32, #tpu.memory_space<vmem>>) offsets(%dma_start3A_414 : memref<125xi32, #tpu.memory_space<vmem>>) semaphore(%arg22 : memref<!tpu.dma_semaphore, #tpu.memory_space<semaphore_mem>>)
      } else {
      }
      %mul3A_267 = arith.constant 8 : i32
      %mul3A_268 = arith.muli %scan3A_219, %mul3A_267 : i32
      %add3A_269 = arith.constant 2 : i32
      %add3A_270 = arith.addi %mul3A_268, %add3A_269 : i32
      %lt3A_271 = arith.cmpi slt, %add3A_270, %select_n3A : i32
      %convert_element_type3A_272 = arith.extui %lt3A_271 : i1 to i32
      %cond3A_273 = arith.constant 0 : i32
      %cond3A_274 = arith.cmpi ne, %convert_element_type3A_272, %cond3A_273 : i32
      scf.if %cond3A_274 {
        %add3A_411 = arith.addi %sub3A, %add3A_270 : i32
        %dma_wait3A_412 = arith.constant 0 : i32
        %dma_wait3A_413 = tpu.memref_slice %arg6[%add3A_411, %dma_wait3A_412] : memref<80x125xi32, #tpu.memory_space<vmem>> -> memref<1x125xi32, #tpu.memory_space<vmem>>
        %dma_wait3A_414 = tpu.memref_squeeze %dma_wait3A_413 : memref<1x125xi32, #tpu.memory_space<vmem>> -> memref<125xi32, #tpu.memory_space<vmem>>
        %dma_wait3A_415 = arith.constant 0 : i32
        %dma_wait3A_416 = arith.constant 0 : i32
        %dma_wait3A_417 = tpu.memref_slice %arg2[%dma_wait3A_415, %dma_wait3A_416] : memref<10000x16xf32, #tpu.memory_space<hbm>> -> memref<10000x16xf32, #tpu.memory_space<hbm>>
        tpu.wait_indirect_dma semaphore(%arg19 : memref<!tpu.dma_semaphore, #tpu.memory_space<semaphore_mem>>) src(%dma_wait3A_417 : memref<10000x16xf32, #tpu.memory_space<hbm>>) dst(%arg11 : memref<125x16xf32, #tpu.memory_space<vmem>>)
      } else {
      }
      %lt3A_275 = arith.cmpi slt, %add3A_270, %select_n3A : i32
      %convert_element_type3A_276 = arith.extui %lt3A_275 : i1 to i32
      %cond3A_277 = arith.constant 0 : i32
      %cond3A_278 = arith.cmpi ne, %convert_element_type3A_276, %cond3A_277 : i32
      scf.if %cond3A_278 {
        %add3A_411 = arith.addi %sub3A, %add3A_270 : i32
        %dma_start3A_412 = arith.constant 0 : i32
        %dma_start3A_413 = tpu.memref_slice %arg7[%add3A_411, %dma_start3A_412] : memref<80x125xi32, #tpu.memory_space<vmem>> -> memref<1x125xi32, #tpu.memory_space<vmem>>
        %dma_start3A_414 = tpu.memref_squeeze %dma_start3A_413 : memref<1x125xi32, #tpu.memory_space<vmem>> -> memref<125xi32, #tpu.memory_space<vmem>>
        %dma_start3A_415 = arith.constant 0 : i32
        %dma_start3A_416 = arith.constant 0 : i32
        %dma_start3A_417 = tpu.memref_slice %arg8[%dma_start3A_415, %dma_start3A_416] : memref<10112x16xf32, #tpu.memory_space<vmem_shared>> -> memref<10112x16xf32, #tpu.memory_space<vmem_shared>>
        tpu.enqueue_indirect_dma source(%arg11 : memref<125x16xf32, #tpu.memory_space<vmem>>) target(%dma_start3A_417 : memref<10112x16xf32, #tpu.memory_space<vmem_shared>>) offsets(%dma_start3A_414 : memref<125xi32, #tpu.memory_space<vmem>>) semaphore(%arg27 : memref<!tpu.dma_semaphore, #tpu.memory_space<semaphore_mem>>) {add = true}
      } else {
      }
      %sub3A_279 = arith.constant 4 : i32
      %sub3A_280 = arith.subi %add3A_270, %sub3A_279 : i32
      %lt3A_281 = arith.cmpi slt, %sub3A_280, %select_n3A : i32
      %convert_element_type3A_282 = arith.extui %lt3A_281 : i1 to i32
      %cond3A_283 = arith.constant 0 : i32
      %cond3A_284 = arith.cmpi ne, %convert_element_type3A_282, %cond3A_283 : i32
      scf.if %cond3A_284 {
        %add3A_411 = arith.addi %sub3A, %sub3A_280 : i32
        %dma_wait3A_412 = arith.constant 0 : i32
        %dma_wait3A_413 = tpu.memref_slice %arg7[%add3A_411, %dma_wait3A_412] : memref<80x125xi32, #tpu.memory_space<vmem>> -> memref<1x125xi32, #tpu.memory_space<vmem>>
        %dma_wait3A_414 = tpu.memref_squeeze %dma_wait3A_413 : memref<1x125xi32, #tpu.memory_space<vmem>> -> memref<125xi32, #tpu.memory_space<vmem>>
        %dma_wait3A_415 = arith.constant 0 : i32
        %dma_wait3A_416 = arith.constant 0 : i32
        %dma_wait3A_417 = tpu.memref_slice %arg8[%dma_wait3A_415, %dma_wait3A_416] : memref<10112x16xf32, #tpu.memory_space<vmem_shared>> -> memref<10112x16xf32, #tpu.memory_space<vmem_shared>>
        tpu.wait_indirect_dma semaphore(%arg31 : memref<!tpu.dma_semaphore, #tpu.memory_space<semaphore_mem>>) src(%arg15 : memref<125x16xf32, #tpu.memory_space<vmem>>) dst(%dma_wait3A_417 : memref<10112x16xf32, #tpu.memory_space<vmem_shared>>)
      } else {
      }
      %add3A_285 = arith.constant 4 : i32
      %add3A_286 = arith.addi %add3A_270, %add3A_285 : i32
      %lt3A_287 = arith.cmpi slt, %add3A_286, %select_n3A : i32
      %convert_element_type3A_288 = arith.extui %lt3A_287 : i1 to i32
      %cond3A_289 = arith.constant 0 : i32
      %cond3A_290 = arith.cmpi ne, %convert_element_type3A_288, %cond3A_289 : i32
      scf.if %cond3A_290 {
        %add3A_411 = arith.addi %sub3A, %add3A_286 : i32
        %dma_start3A_412 = arith.constant 0 : i32
        %dma_start3A_413 = tpu.memref_slice %arg6[%add3A_411, %dma_start3A_412] : memref<80x125xi32, #tpu.memory_space<vmem>> -> memref<1x125xi32, #tpu.memory_space<vmem>>
        %dma_start3A_414 = tpu.memref_squeeze %dma_start3A_413 : memref<1x125xi32, #tpu.memory_space<vmem>> -> memref<125xi32, #tpu.memory_space<vmem>>
        %dma_start3A_415 = arith.constant 0 : i32
        %dma_start3A_416 = arith.constant 0 : i32
        %dma_start3A_417 = tpu.memref_slice %arg2[%dma_start3A_415, %dma_start3A_416] : memref<10000x16xf32, #tpu.memory_space<hbm>> -> memref<10000x16xf32, #tpu.memory_space<hbm>>
        tpu.enqueue_indirect_dma source(%dma_start3A_417 : memref<10000x16xf32, #tpu.memory_space<hbm>>) target(%arg15 : memref<125x16xf32, #tpu.memory_space<vmem>>) offsets(%dma_start3A_414 : memref<125xi32, #tpu.memory_space<vmem>>) semaphore(%arg23 : memref<!tpu.dma_semaphore, #tpu.memory_space<semaphore_mem>>)
      } else {
      }
      %mul3A_291 = arith.constant 8 : i32
      %mul3A_292 = arith.muli %scan3A_219, %mul3A_291 : i32
      %add3A_293 = arith.constant 3 : i32
      %add3A_294 = arith.addi %mul3A_292, %add3A_293 : i32
      %lt3A_295 = arith.cmpi slt, %add3A_294, %select_n3A : i32
      %convert_element_type3A_296 = arith.extui %lt3A_295 : i1 to i32
      %cond3A_297 = arith.constant 0 : i32
      %cond3A_298 = arith.cmpi ne, %convert_element_type3A_296, %cond3A_297 : i32
      scf.if %cond3A_298 {
        %add3A_411 = arith.addi %sub3A, %add3A_294 : i32
        %dma_wait3A_412 = arith.constant 0 : i32
        %dma_wait3A_413 = tpu.memref_slice %arg6[%add3A_411, %dma_wait3A_412] : memref<80x125xi32, #tpu.memory_space<vmem>> -> memref<1x125xi32, #tpu.memory_space<vmem>>
        %dma_wait3A_414 = tpu.memref_squeeze %dma_wait3A_413 : memref<1x125xi32, #tpu.memory_space<vmem>> -> memref<125xi32, #tpu.memory_space<vmem>>
        %dma_wait3A_415 = arith.constant 0 : i32
        %dma_wait3A_416 = arith.constant 0 : i32
        %dma_wait3A_417 = tpu.memref_slice %arg2[%dma_wait3A_415, %dma_wait3A_416] : memref<10000x16xf32, #tpu.memory_space<hbm>> -> memref<10000x16xf32, #tpu.memory_space<hbm>>
        tpu.wait_indirect_dma semaphore(%arg20 : memref<!tpu.dma_semaphore, #tpu.memory_space<semaphore_mem>>) src(%dma_wait3A_417 : memref<10000x16xf32, #tpu.memory_space<hbm>>) dst(%arg12 : memref<125x16xf32, #tpu.memory_space<vmem>>)
      } else {
      }
      %lt3A_299 = arith.cmpi slt, %add3A_294, %select_n3A : i32
      %convert_element_type3A_300 = arith.extui %lt3A_299 : i1 to i32
      %cond3A_301 = arith.constant 0 : i32
      %cond3A_302 = arith.cmpi ne, %convert_element_type3A_300, %cond3A_301 : i32
      scf.if %cond3A_302 {
        %add3A_411 = arith.addi %sub3A, %add3A_294 : i32
        %dma_start3A_412 = arith.constant 0 : i32
        %dma_start3A_413 = tpu.memref_slice %arg7[%add3A_411, %dma_start3A_412] : memref<80x125xi32, #tpu.memory_space<vmem>> -> memref<1x125xi32, #tpu.memory_space<vmem>>
        %dma_start3A_414 = tpu.memref_squeeze %dma_start3A_413 : memref<1x125xi32, #tpu.memory_space<vmem>> -> memref<125xi32, #tpu.memory_space<vmem>>
        %dma_start3A_415 = arith.constant 0 : i32
        %dma_start3A_416 = arith.constant 0 : i32
        %dma_start3A_417 = tpu.memref_slice %arg8[%dma_start3A_415, %dma_start3A_416] : memref<10112x16xf32, #tpu.memory_space<vmem_shared>> -> memref<10112x16xf32, #tpu.memory_space<vmem_shared>>
        tpu.enqueue_indirect_dma source(%arg12 : memref<125x16xf32, #tpu.memory_space<vmem>>) target(%dma_start3A_417 : memref<10112x16xf32, #tpu.memory_space<vmem_shared>>) offsets(%dma_start3A_414 : memref<125xi32, #tpu.memory_space<vmem>>) semaphore(%arg28 : memref<!tpu.dma_semaphore, #tpu.memory_space<semaphore_mem>>) {add = true}
      } else {
      }
      %sub3A_303 = arith.constant 4 : i32
      %sub3A_304 = arith.subi %add3A_294, %sub3A_303 : i32
      %lt3A_305 = arith.cmpi slt, %sub3A_304, %select_n3A : i32
      %convert_element_type3A_306 = arith.extui %lt3A_305 : i1 to i32
      %cond3A_307 = arith.constant 0 : i32
      %cond3A_308 = arith.cmpi ne, %convert_element_type3A_306, %cond3A_307 : i32
      scf.if %cond3A_308 {
        %add3A_411 = arith.addi %sub3A, %sub3A_304 : i32
        %dma_wait3A_412 = arith.constant 0 : i32
        %dma_wait3A_413 = tpu.memref_slice %arg7[%add3A_411, %dma_wait3A_412] : memref<80x125xi32, #tpu.memory_space<vmem>> -> memref<1x125xi32, #tpu.memory_space<vmem>>
        %dma_wait3A_414 = tpu.memref_squeeze %dma_wait3A_413 : memref<1x125xi32, #tpu.memory_space<vmem>> -> memref<125xi32, #tpu.memory_space<vmem>>
        %dma_wait3A_415 = arith.constant 0 : i32
        %dma_wait3A_416 = arith.constant 0 : i32
        %dma_wait3A_417 = tpu.memref_slice %arg8[%dma_wait3A_415, %dma_wait3A_416] : memref<10112x16xf32, #tpu.memory_space<vmem_shared>> -> memref<10112x16xf32, #tpu.memory_space<vmem_shared>>
        tpu.wait_indirect_dma semaphore(%arg32 : memref<!tpu.dma_semaphore, #tpu.memory_space<semaphore_mem>>) src(%arg16 : memref<125x16xf32, #tpu.memory_space<vmem>>) dst(%dma_wait3A_417 : memref<10112x16xf32, #tpu.memory_space<vmem_shared>>)
      } else {
      }
      %add3A_309 = arith.constant 4 : i32
      %add3A_310 = arith.addi %add3A_294, %add3A_309 : i32
      %lt3A_311 = arith.cmpi slt, %add3A_310, %select_n3A : i32
      %convert_element_type3A_312 = arith.extui %lt3A_311 : i1 to i32
      %cond3A_313 = arith.constant 0 : i32
      %cond3A_314 = arith.cmpi ne, %convert_element_type3A_312, %cond3A_313 : i32
      scf.if %cond3A_314 {
        %add3A_411 = arith.addi %sub3A, %add3A_310 : i32
        %dma_start3A_412 = arith.constant 0 : i32
        %dma_start3A_413 = tpu.memref_slice %arg6[%add3A_411, %dma_start3A_412] : memref<80x125xi32, #tpu.memory_space<vmem>> -> memref<1x125xi32, #tpu.memory_space<vmem>>
        %dma_start3A_414 = tpu.memref_squeeze %dma_start3A_413 : memref<1x125xi32, #tpu.memory_space<vmem>> -> memref<125xi32, #tpu.memory_space<vmem>>
        %dma_start3A_415 = arith.constant 0 : i32
        %dma_start3A_416 = arith.constant 0 : i32
        %dma_start3A_417 = tpu.memref_slice %arg2[%dma_start3A_415, %dma_start3A_416] : memref<10000x16xf32, #tpu.memory_space<hbm>> -> memref<10000x16xf32, #tpu.memory_space<hbm>>
        tpu.enqueue_indirect_dma source(%dma_start3A_417 : memref<10000x16xf32, #tpu.memory_space<hbm>>) target(%arg16 : memref<125x16xf32, #tpu.memory_space<vmem>>) offsets(%dma_start3A_414 : memref<125xi32, #tpu.memory_space<vmem>>) semaphore(%arg24 : memref<!tpu.dma_semaphore, #tpu.memory_space<semaphore_mem>>)
      } else {
      }
      %mul3A_315 = arith.constant 8 : i32
      %mul3A_316 = arith.muli %scan3A_219, %mul3A_315 : i32
      %add3A_317 = arith.constant 4 : i32
      %add3A_318 = arith.addi %mul3A_316, %add3A_317 : i32
      %lt3A_319 = arith.cmpi slt, %add3A_318, %select_n3A : i32
      %convert_element_type3A_320 = arith.extui %lt3A_319 : i1 to i32
      %cond3A_321 = arith.constant 0 : i32
      %cond3A_322 = arith.cmpi ne, %convert_element_type3A_320, %cond3A_321 : i32
      scf.if %cond3A_322 {
        %add3A_411 = arith.addi %sub3A, %add3A_318 : i32
        %dma_wait3A_412 = arith.constant 0 : i32
        %dma_wait3A_413 = tpu.memref_slice %arg6[%add3A_411, %dma_wait3A_412] : memref<80x125xi32, #tpu.memory_space<vmem>> -> memref<1x125xi32, #tpu.memory_space<vmem>>
        %dma_wait3A_414 = tpu.memref_squeeze %dma_wait3A_413 : memref<1x125xi32, #tpu.memory_space<vmem>> -> memref<125xi32, #tpu.memory_space<vmem>>
        %dma_wait3A_415 = arith.constant 0 : i32
        %dma_wait3A_416 = arith.constant 0 : i32
        %dma_wait3A_417 = tpu.memref_slice %arg2[%dma_wait3A_415, %dma_wait3A_416] : memref<10000x16xf32, #tpu.memory_space<hbm>> -> memref<10000x16xf32, #tpu.memory_space<hbm>>
        tpu.wait_indirect_dma semaphore(%arg21 : memref<!tpu.dma_semaphore, #tpu.memory_space<semaphore_mem>>) src(%dma_wait3A_417 : memref<10000x16xf32, #tpu.memory_space<hbm>>) dst(%arg13 : memref<125x16xf32, #tpu.memory_space<vmem>>)
      } else {
      }
      %lt3A_323 = arith.cmpi slt, %add3A_318, %select_n3A : i32
      %convert_element_type3A_324 = arith.extui %lt3A_323 : i1 to i32
      %cond3A_325 = arith.constant 0 : i32
      %cond3A_326 = arith.cmpi ne, %convert_element_type3A_324, %cond3A_325 : i32
      scf.if %cond3A_326 {
        %add3A_411 = arith.addi %sub3A, %add3A_318 : i32
        %dma_start3A_412 = arith.constant 0 : i32
        %dma_start3A_413 = tpu.memref_slice %arg7[%add3A_411, %dma_start3A_412] : memref<80x125xi32, #tpu.memory_space<vmem>> -> memref<1x125xi32, #tpu.memory_space<vmem>>
        %dma_start3A_414 = tpu.memref_squeeze %dma_start3A_413 : memref<1x125xi32, #tpu.memory_space<vmem>> -> memref<125xi32, #tpu.memory_space<vmem>>
        %dma_start3A_415 = arith.constant 0 : i32
        %dma_start3A_416 = arith.constant 0 : i32
        %dma_start3A_417 = tpu.memref_slice %arg8[%dma_start3A_415, %dma_start3A_416] : memref<10112x16xf32, #tpu.memory_space<vmem_shared>> -> memref<10112x16xf32, #tpu.memory_space<vmem_shared>>
        tpu.enqueue_indirect_dma source(%arg13 : memref<125x16xf32, #tpu.memory_space<vmem>>) target(%dma_start3A_417 : memref<10112x16xf32, #tpu.memory_space<vmem_shared>>) offsets(%dma_start3A_414 : memref<125xi32, #tpu.memory_space<vmem>>) semaphore(%arg29 : memref<!tpu.dma_semaphore, #tpu.memory_space<semaphore_mem>>) {add = true}
      } else {
      }
      %sub3A_327 = arith.constant 4 : i32
      %sub3A_328 = arith.subi %add3A_318, %sub3A_327 : i32
      %lt3A_329 = arith.cmpi slt, %sub3A_328, %select_n3A : i32
      %convert_element_type3A_330 = arith.extui %lt3A_329 : i1 to i32
      %cond3A_331 = arith.constant 0 : i32
      %cond3A_332 = arith.cmpi ne, %convert_element_type3A_330, %cond3A_331 : i32
      scf.if %cond3A_332 {
        %add3A_411 = arith.addi %sub3A, %sub3A_328 : i32
        %dma_wait3A_412 = arith.constant 0 : i32
        %dma_wait3A_413 = tpu.memref_slice %arg7[%add3A_411, %dma_wait3A_412] : memref<80x125xi32, #tpu.memory_space<vmem>> -> memref<1x125xi32, #tpu.memory_space<vmem>>
        %dma_wait3A_414 = tpu.memref_squeeze %dma_wait3A_413 : memref<1x125xi32, #tpu.memory_space<vmem>> -> memref<125xi32, #tpu.memory_space<vmem>>
        %dma_wait3A_415 = arith.constant 0 : i32
        %dma_wait3A_416 = arith.constant 0 : i32
        %dma_wait3A_417 = tpu.memref_slice %arg8[%dma_wait3A_415, %dma_wait3A_416] : memref<10112x16xf32, #tpu.memory_space<vmem_shared>> -> memref<10112x16xf32, #tpu.memory_space<vmem_shared>>
        tpu.wait_indirect_dma semaphore(%arg25 : memref<!tpu.dma_semaphore, #tpu.memory_space<semaphore_mem>>) src(%arg9 : memref<125x16xf32, #tpu.memory_space<vmem>>) dst(%dma_wait3A_417 : memref<10112x16xf32, #tpu.memory_space<vmem_shared>>)
      } else {
      }
      %add3A_333 = arith.constant 4 : i32
      %add3A_334 = arith.addi %add3A_318, %add3A_333 : i32
      %lt3A_335 = arith.cmpi slt, %add3A_334, %select_n3A : i32
      %convert_element_type3A_336 = arith.extui %lt3A_335 : i1 to i32
      %cond3A_337 = arith.constant 0 : i32
      %cond3A_338 = arith.cmpi ne, %convert_element_type3A_336, %cond3A_337 : i32
      scf.if %cond3A_338 {
        %add3A_411 = arith.addi %sub3A, %add3A_334 : i32
        %dma_start3A_412 = arith.constant 0 : i32
        %dma_start3A_413 = tpu.memref_slice %arg6[%add3A_411, %dma_start3A_412] : memref<80x125xi32, #tpu.memory_space<vmem>> -> memref<1x125xi32, #tpu.memory_space<vmem>>
        %dma_start3A_414 = tpu.memref_squeeze %dma_start3A_413 : memref<1x125xi32, #tpu.memory_space<vmem>> -> memref<125xi32, #tpu.memory_space<vmem>>
        %dma_start3A_415 = arith.constant 0 : i32
        %dma_start3A_416 = arith.constant 0 : i32
        %dma_start3A_417 = tpu.memref_slice %arg2[%dma_start3A_415, %dma_start3A_416] : memref<10000x16xf32, #tpu.memory_space<hbm>> -> memref<10000x16xf32, #tpu.memory_space<hbm>>
        tpu.enqueue_indirect_dma source(%dma_start3A_417 : memref<10000x16xf32, #tpu.memory_space<hbm>>) target(%arg9 : memref<125x16xf32, #tpu.memory_space<vmem>>) offsets(%dma_start3A_414 : memref<125xi32, #tpu.memory_space<vmem>>) semaphore(%arg17 : memref<!tpu.dma_semaphore, #tpu.memory_space<semaphore_mem>>)
      } else {
      }
      %mul3A_339 = arith.constant 8 : i32
      %mul3A_340 = arith.muli %scan3A_219, %mul3A_339 : i32
      %add3A_341 = arith.constant 5 : i32
      %add3A_342 = arith.addi %mul3A_340, %add3A_341 : i32
      %lt3A_343 = arith.cmpi slt, %add3A_342, %select_n3A : i32
      %convert_element_type3A_344 = arith.extui %lt3A_343 : i1 to i32
      %cond3A_345 = arith.constant 0 : i32
      %cond3A_346 = arith.cmpi ne, %convert_element_type3A_344, %cond3A_345 : i32
      scf.if %cond3A_346 {
        %add3A_411 = arith.addi %sub3A, %add3A_342 : i32
        %dma_wait3A_412 = arith.constant 0 : i32
        %dma_wait3A_413 = tpu.memref_slice %arg6[%add3A_411, %dma_wait3A_412] : memref<80x125xi32, #tpu.memory_space<vmem>> -> memref<1x125xi32, #tpu.memory_space<vmem>>
        %dma_wait3A_414 = tpu.memref_squeeze %dma_wait3A_413 : memref<1x125xi32, #tpu.memory_space<vmem>> -> memref<125xi32, #tpu.memory_space<vmem>>
        %dma_wait3A_415 = arith.constant 0 : i32
        %dma_wait3A_416 = arith.constant 0 : i32
        %dma_wait3A_417 = tpu.memref_slice %arg2[%dma_wait3A_415, %dma_wait3A_416] : memref<10000x16xf32, #tpu.memory_space<hbm>> -> memref<10000x16xf32, #tpu.memory_space<hbm>>
        tpu.wait_indirect_dma semaphore(%arg22 : memref<!tpu.dma_semaphore, #tpu.memory_space<semaphore_mem>>) src(%dma_wait3A_417 : memref<10000x16xf32, #tpu.memory_space<hbm>>) dst(%arg14 : memref<125x16xf32, #tpu.memory_space<vmem>>)
      } else {
      }
      %lt3A_347 = arith.cmpi slt, %add3A_342, %select_n3A : i32
      %convert_element_type3A_348 = arith.extui %lt3A_347 : i1 to i32
      %cond3A_349 = arith.constant 0 : i32
      %cond3A_350 = arith.cmpi ne, %convert_element_type3A_348, %cond3A_349 : i32
      scf.if %cond3A_350 {
        %add3A_411 = arith.addi %sub3A, %add3A_342 : i32
        %dma_start3A_412 = arith.constant 0 : i32
        %dma_start3A_413 = tpu.memref_slice %arg7[%add3A_411, %dma_start3A_412] : memref<80x125xi32, #tpu.memory_space<vmem>> -> memref<1x125xi32, #tpu.memory_space<vmem>>
        %dma_start3A_414 = tpu.memref_squeeze %dma_start3A_413 : memref<1x125xi32, #tpu.memory_space<vmem>> -> memref<125xi32, #tpu.memory_space<vmem>>
        %dma_start3A_415 = arith.constant 0 : i32
        %dma_start3A_416 = arith.constant 0 : i32
        %dma_start3A_417 = tpu.memref_slice %arg8[%dma_start3A_415, %dma_start3A_416] : memref<10112x16xf32, #tpu.memory_space<vmem_shared>> -> memref<10112x16xf32, #tpu.memory_space<vmem_shared>>
        tpu.enqueue_indirect_dma source(%arg14 : memref<125x16xf32, #tpu.memory_space<vmem>>) target(%dma_start3A_417 : memref<10112x16xf32, #tpu.memory_space<vmem_shared>>) offsets(%dma_start3A_414 : memref<125xi32, #tpu.memory_space<vmem>>) semaphore(%arg30 : memref<!tpu.dma_semaphore, #tpu.memory_space<semaphore_mem>>) {add = true}
      } else {
      }
      %sub3A_351 = arith.constant 4 : i32
      %sub3A_352 = arith.subi %add3A_342, %sub3A_351 : i32
      %lt3A_353 = arith.cmpi slt, %sub3A_352, %select_n3A : i32
      %convert_element_type3A_354 = arith.extui %lt3A_353 : i1 to i32
      %cond3A_355 = arith.constant 0 : i32
      %cond3A_356 = arith.cmpi ne, %convert_element_type3A_354, %cond3A_355 : i32
      scf.if %cond3A_356 {
        %add3A_411 = arith.addi %sub3A, %sub3A_352 : i32
        %dma_wait3A_412 = arith.constant 0 : i32
        %dma_wait3A_413 = tpu.memref_slice %arg7[%add3A_411, %dma_wait3A_412] : memref<80x125xi32, #tpu.memory_space<vmem>> -> memref<1x125xi32, #tpu.memory_space<vmem>>
        %dma_wait3A_414 = tpu.memref_squeeze %dma_wait3A_413 : memref<1x125xi32, #tpu.memory_space<vmem>> -> memref<125xi32, #tpu.memory_space<vmem>>
        %dma_wait3A_415 = arith.constant 0 : i32
        %dma_wait3A_416 = arith.constant 0 : i32
        %dma_wait3A_417 = tpu.memref_slice %arg8[%dma_wait3A_415, %dma_wait3A_416] : memref<10112x16xf32, #tpu.memory_space<vmem_shared>> -> memref<10112x16xf32, #tpu.memory_space<vmem_shared>>
        tpu.wait_indirect_dma semaphore(%arg26 : memref<!tpu.dma_semaphore, #tpu.memory_space<semaphore_mem>>) src(%arg10 : memref<125x16xf32, #tpu.memory_space<vmem>>) dst(%dma_wait3A_417 : memref<10112x16xf32, #tpu.memory_space<vmem_shared>>)
      } else {
      }
      %add3A_357 = arith.constant 4 : i32
      %add3A_358 = arith.addi %add3A_342, %add3A_357 : i32
      %lt3A_359 = arith.cmpi slt, %add3A_358, %select_n3A : i32
      %convert_element_type3A_360 = arith.extui %lt3A_359 : i1 to i32
      %cond3A_361 = arith.constant 0 : i32
      %cond3A_362 = arith.cmpi ne, %convert_element_type3A_360, %cond3A_361 : i32
      scf.if %cond3A_362 {
        %add3A_411 = arith.addi %sub3A, %add3A_358 : i32
        %dma_start3A_412 = arith.constant 0 : i32
        %dma_start3A_413 = tpu.memref_slice %arg6[%add3A_411, %dma_start3A_412] : memref<80x125xi32, #tpu.memory_space<vmem>> -> memref<1x125xi32, #tpu.memory_space<vmem>>
        %dma_start3A_414 = tpu.memref_squeeze %dma_start3A_413 : memref<1x125xi32, #tpu.memory_space<vmem>> -> memref<125xi32, #tpu.memory_space<vmem>>
        %dma_start3A_415 = arith.constant 0 : i32
        %dma_start3A_416 = arith.constant 0 : i32
        %dma_start3A_417 = tpu.memref_slice %arg2[%dma_start3A_415, %dma_start3A_416] : memref<10000x16xf32, #tpu.memory_space<hbm>> -> memref<10000x16xf32, #tpu.memory_space<hbm>>
        tpu.enqueue_indirect_dma source(%dma_start3A_417 : memref<10000x16xf32, #tpu.memory_space<hbm>>) target(%arg10 : memref<125x16xf32, #tpu.memory_space<vmem>>) offsets(%dma_start3A_414 : memref<125xi32, #tpu.memory_space<vmem>>) semaphore(%arg18 : memref<!tpu.dma_semaphore, #tpu.memory_space<semaphore_mem>>)
      } else {
      }
      %mul3A_363 = arith.constant 8 : i32
      %mul3A_364 = arith.muli %scan3A_219, %mul3A_363 : i32
      %add3A_365 = arith.constant 6 : i32
      %add3A_366 = arith.addi %mul3A_364, %add3A_365 : i32
      %lt3A_367 = arith.cmpi slt, %add3A_366, %select_n3A : i32
      %convert_element_type3A_368 = arith.extui %lt3A_367 : i1 to i32
      %cond3A_369 = arith.constant 0 : i32
      %cond3A_370 = arith.cmpi ne, %convert_element_type3A_368, %cond3A_369 : i32
      scf.if %cond3A_370 {
        %add3A_411 = arith.addi %sub3A, %add3A_366 : i32
        %dma_wait3A_412 = arith.constant 0 : i32
        %dma_wait3A_413 = tpu.memref_slice %arg6[%add3A_411, %dma_wait3A_412] : memref<80x125xi32, #tpu.memory_space<vmem>> -> memref<1x125xi32, #tpu.memory_space<vmem>>
        %dma_wait3A_414 = tpu.memref_squeeze %dma_wait3A_413 : memref<1x125xi32, #tpu.memory_space<vmem>> -> memref<125xi32, #tpu.memory_space<vmem>>
        %dma_wait3A_415 = arith.constant 0 : i32
        %dma_wait3A_416 = arith.constant 0 : i32
        %dma_wait3A_417 = tpu.memref_slice %arg2[%dma_wait3A_415, %dma_wait3A_416] : memref<10000x16xf32, #tpu.memory_space<hbm>> -> memref<10000x16xf32, #tpu.memory_space<hbm>>
        tpu.wait_indirect_dma semaphore(%arg23 : memref<!tpu.dma_semaphore, #tpu.memory_space<semaphore_mem>>) src(%dma_wait3A_417 : memref<10000x16xf32, #tpu.memory_space<hbm>>) dst(%arg15 : memref<125x16xf32, #tpu.memory_space<vmem>>)
      } else {
      }
      %lt3A_371 = arith.cmpi slt, %add3A_366, %select_n3A : i32
      %convert_element_type3A_372 = arith.extui %lt3A_371 : i1 to i32
      %cond3A_373 = arith.constant 0 : i32
      %cond3A_374 = arith.cmpi ne, %convert_element_type3A_372, %cond3A_373 : i32
      scf.if %cond3A_374 {
        %add3A_411 = arith.addi %sub3A, %add3A_366 : i32
        %dma_start3A_412 = arith.constant 0 : i32
        %dma_start3A_413 = tpu.memref_slice %arg7[%add3A_411, %dma_start3A_412] : memref<80x125xi32, #tpu.memory_space<vmem>> -> memref<1x125xi32, #tpu.memory_space<vmem>>
        %dma_start3A_414 = tpu.memref_squeeze %dma_start3A_413 : memref<1x125xi32, #tpu.memory_space<vmem>> -> memref<125xi32, #tpu.memory_space<vmem>>
        %dma_start3A_415 = arith.constant 0 : i32
        %dma_start3A_416 = arith.constant 0 : i32
        %dma_start3A_417 = tpu.memref_slice %arg8[%dma_start3A_415, %dma_start3A_416] : memref<10112x16xf32, #tpu.memory_space<vmem_shared>> -> memref<10112x16xf32, #tpu.memory_space<vmem_shared>>
        tpu.enqueue_indirect_dma source(%arg15 : memref<125x16xf32, #tpu.memory_space<vmem>>) target(%dma_start3A_417 : memref<10112x16xf32, #tpu.memory_space<vmem_shared>>) offsets(%dma_start3A_414 : memref<125xi32, #tpu.memory_space<vmem>>) semaphore(%arg31 : memref<!tpu.dma_semaphore, #tpu.memory_space<semaphore_mem>>) {add = true}
      } else {
      }
      %sub3A_375 = arith.constant 4 : i32
      %sub3A_376 = arith.subi %add3A_366, %sub3A_375 : i32
      %lt3A_377 = arith.cmpi slt, %sub3A_376, %select_n3A : i32
      %convert_element_type3A_378 = arith.extui %lt3A_377 : i1 to i32
      %cond3A_379 = arith.constant 0 : i32
      %cond3A_380 = arith.cmpi ne, %convert_element_type3A_378, %cond3A_379 : i32
      scf.if %cond3A_380 {
        %add3A_411 = arith.addi %sub3A, %sub3A_376 : i32
        %dma_wait3A_412 = arith.constant 0 : i32
        %dma_wait3A_413 = tpu.memref_slice %arg7[%add3A_411, %dma_wait3A_412] : memref<80x125xi32, #tpu.memory_space<vmem>> -> memref<1x125xi32, #tpu.memory_space<vmem>>
        %dma_wait3A_414 = tpu.memref_squeeze %dma_wait3A_413 : memref<1x125xi32, #tpu.memory_space<vmem>> -> memref<125xi32, #tpu.memory_space<vmem>>
        %dma_wait3A_415 = arith.constant 0 : i32
        %dma_wait3A_416 = arith.constant 0 : i32
        %dma_wait3A_417 = tpu.memref_slice %arg8[%dma_wait3A_415, %dma_wait3A_416] : memref<10112x16xf32, #tpu.memory_space<vmem_shared>> -> memref<10112x16xf32, #tpu.memory_space<vmem_shared>>
        tpu.wait_indirect_dma semaphore(%arg27 : memref<!tpu.dma_semaphore, #tpu.memory_space<semaphore_mem>>) src(%arg11 : memref<125x16xf32, #tpu.memory_space<vmem>>) dst(%dma_wait3A_417 : memref<10112x16xf32, #tpu.memory_space<vmem_shared>>)
      } else {
      }
      %add3A_381 = arith.constant 4 : i32
      %add3A_382 = arith.addi %add3A_366, %add3A_381 : i32
      %lt3A_383 = arith.cmpi slt, %add3A_382, %select_n3A : i32
      %convert_element_type3A_384 = arith.extui %lt3A_383 : i1 to i32
      %cond3A_385 = arith.constant 0 : i32
      %cond3A_386 = arith.cmpi ne, %convert_element_type3A_384, %cond3A_385 : i32
      scf.if %cond3A_386 {
        %add3A_411 = arith.addi %sub3A, %add3A_382 : i32
        %dma_start3A_412 = arith.constant 0 : i32
        %dma_start3A_413 = tpu.memref_slice %arg6[%add3A_411, %dma_start3A_412] : memref<80x125xi32, #tpu.memory_space<vmem>> -> memref<1x125xi32, #tpu.memory_space<vmem>>
        %dma_start3A_414 = tpu.memref_squeeze %dma_start3A_413 : memref<1x125xi32, #tpu.memory_space<vmem>> -> memref<125xi32, #tpu.memory_space<vmem>>
        %dma_start3A_415 = arith.constant 0 : i32
        %dma_start3A_416 = arith.constant 0 : i32
        %dma_start3A_417 = tpu.memref_slice %arg2[%dma_start3A_415, %dma_start3A_416] : memref<10000x16xf32, #tpu.memory_space<hbm>> -> memref<10000x16xf32, #tpu.memory_space<hbm>>
        tpu.enqueue_indirect_dma source(%dma_start3A_417 : memref<10000x16xf32, #tpu.memory_space<hbm>>) target(%arg11 : memref<125x16xf32, #tpu.memory_space<vmem>>) offsets(%dma_start3A_414 : memref<125xi32, #tpu.memory_space<vmem>>) semaphore(%arg19 : memref<!tpu.dma_semaphore, #tpu.memory_space<semaphore_mem>>)
      } else {
      }
      %mul3A_387 = arith.constant 8 : i32
      %mul3A_388 = arith.muli %scan3A_219, %mul3A_387 : i32
      %add3A_389 = arith.constant 7 : i32
      %add3A_390 = arith.addi %mul3A_388, %add3A_389 : i32
      %lt3A_391 = arith.cmpi slt, %add3A_390, %select_n3A : i32
      %convert_element_type3A_392 = arith.extui %lt3A_391 : i1 to i32
      %cond3A_393 = arith.constant 0 : i32
      %cond3A_394 = arith.cmpi ne, %convert_element_type3A_392, %cond3A_393 : i32
      scf.if %cond3A_394 {
        %add3A_411 = arith.addi %sub3A, %add3A_390 : i32
        %dma_wait3A_412 = arith.constant 0 : i32
        %dma_wait3A_413 = tpu.memref_slice %arg6[%add3A_411, %dma_wait3A_412] : memref<80x125xi32, #tpu.memory_space<vmem>> -> memref<1x125xi32, #tpu.memory_space<vmem>>
        %dma_wait3A_414 = tpu.memref_squeeze %dma_wait3A_413 : memref<1x125xi32, #tpu.memory_space<vmem>> -> memref<125xi32, #tpu.memory_space<vmem>>
        %dma_wait3A_415 = arith.constant 0 : i32
        %dma_wait3A_416 = arith.constant 0 : i32
        %dma_wait3A_417 = tpu.memref_slice %arg2[%dma_wait3A_415, %dma_wait3A_416] : memref<10000x16xf32, #tpu.memory_space<hbm>> -> memref<10000x16xf32, #tpu.memory_space<hbm>>
        tpu.wait_indirect_dma semaphore(%arg24 : memref<!tpu.dma_semaphore, #tpu.memory_space<semaphore_mem>>) src(%dma_wait3A_417 : memref<10000x16xf32, #tpu.memory_space<hbm>>) dst(%arg16 : memref<125x16xf32, #tpu.memory_space<vmem>>)
      } else {
      }
      %lt3A_395 = arith.cmpi slt, %add3A_390, %select_n3A : i32
      %convert_element_type3A_396 = arith.extui %lt3A_395 : i1 to i32
      %cond3A_397 = arith.constant 0 : i32
      %cond3A_398 = arith.cmpi ne, %convert_element_type3A_396, %cond3A_397 : i32
      scf.if %cond3A_398 {
        %add3A_411 = arith.addi %sub3A, %add3A_390 : i32
        %dma_start3A_412 = arith.constant 0 : i32
        %dma_start3A_413 = tpu.memref_slice %arg7[%add3A_411, %dma_start3A_412] : memref<80x125xi32, #tpu.memory_space<vmem>> -> memref<1x125xi32, #tpu.memory_space<vmem>>
        %dma_start3A_414 = tpu.memref_squeeze %dma_start3A_413 : memref<1x125xi32, #tpu.memory_space<vmem>> -> memref<125xi32, #tpu.memory_space<vmem>>
        %dma_start3A_415 = arith.constant 0 : i32
        %dma_start3A_416 = arith.constant 0 : i32
        %dma_start3A_417 = tpu.memref_slice %arg8[%dma_start3A_415, %dma_start3A_416] : memref<10112x16xf32, #tpu.memory_space<vmem_shared>> -> memref<10112x16xf32, #tpu.memory_space<vmem_shared>>
        tpu.enqueue_indirect_dma source(%arg16 : memref<125x16xf32, #tpu.memory_space<vmem>>) target(%dma_start3A_417 : memref<10112x16xf32, #tpu.memory_space<vmem_shared>>) offsets(%dma_start3A_414 : memref<125xi32, #tpu.memory_space<vmem>>) semaphore(%arg32 : memref<!tpu.dma_semaphore, #tpu.memory_space<semaphore_mem>>) {add = true}
      } else {
      }
      %sub3A_399 = arith.constant 4 : i32
      %sub3A_400 = arith.subi %add3A_390, %sub3A_399 : i32
      %lt3A_401 = arith.cmpi slt, %sub3A_400, %select_n3A : i32
      %convert_element_type3A_402 = arith.extui %lt3A_401 : i1 to i32
      %cond3A_403 = arith.constant 0 : i32
      %cond3A_404 = arith.cmpi ne, %convert_element_type3A_402, %cond3A_403 : i32
      scf.if %cond3A_404 {
        %add3A_411 = arith.addi %sub3A, %sub3A_400 : i32
        %dma_wait3A_412 = arith.constant 0 : i32
        %dma_wait3A_413 = tpu.memref_slice %arg7[%add3A_411, %dma_wait3A_412] : memref<80x125xi32, #tpu.memory_space<vmem>> -> memref<1x125xi32, #tpu.memory_space<vmem>>
        %dma_wait3A_414 = tpu.memref_squeeze %dma_wait3A_413 : memref<1x125xi32, #tpu.memory_space<vmem>> -> memref<125xi32, #tpu.memory_space<vmem>>
        %dma_wait3A_415 = arith.constant 0 : i32
        %dma_wait3A_416 = arith.constant 0 : i32
        %dma_wait3A_417 = tpu.memref_slice %arg8[%dma_wait3A_415, %dma_wait3A_416] : memref<10112x16xf32, #tpu.memory_space<vmem_shared>> -> memref<10112x16xf32, #tpu.memory_space<vmem_shared>>
        tpu.wait_indirect_dma semaphore(%arg28 : memref<!tpu.dma_semaphore, #tpu.memory_space<semaphore_mem>>) src(%arg12 : memref<125x16xf32, #tpu.memory_space<vmem>>) dst(%dma_wait3A_417 : memref<10112x16xf32, #tpu.memory_space<vmem_shared>>)
      } else {
      }
      %add3A_405 = arith.constant 4 : i32
      %add3A_406 = arith.addi %add3A_390, %add3A_405 : i32
      %lt3A_407 = arith.cmpi slt, %add3A_406, %select_n3A : i32
      %convert_element_type3A_408 = arith.extui %lt3A_407 : i1 to i32
      %cond3A_409 = arith.constant 0 : i32
      %cond3A_410 = arith.cmpi ne, %convert_element_type3A_408, %cond3A_409 : i32
      scf.if %cond3A_410 {
        %add3A_411 = arith.addi %sub3A, %add3A_406 : i32
        %dma_start3A_412 = arith.constant 0 : i32
        %dma_start3A_413 = tpu.memref_slice %arg6[%add3A_411, %dma_start3A_412] : memref<80x125xi32, #tpu.memory_space<vmem>> -> memref<1x125xi32, #tpu.memory_space<vmem>>
        %dma_start3A_414 = tpu.memref_squeeze %dma_start3A_413 : memref<1x125xi32, #tpu.memory_space<vmem>> -> memref<125xi32, #tpu.memory_space<vmem>>
        %dma_start3A_415 = arith.constant 0 : i32
        %dma_start3A_416 = arith.constant 0 : i32
        %dma_start3A_417 = tpu.memref_slice %arg2[%dma_start3A_415, %dma_start3A_416] : memref<10000x16xf32, #tpu.memory_space<hbm>> -> memref<10000x16xf32, #tpu.memory_space<hbm>>
        tpu.enqueue_indirect_dma source(%dma_start3A_417 : memref<10000x16xf32, #tpu.memory_space<hbm>>) target(%arg12 : memref<125x16xf32, #tpu.memory_space<vmem>>) offsets(%dma_start3A_414 : memref<125xi32, #tpu.memory_space<vmem>>) semaphore(%arg20 : memref<!tpu.dma_semaphore, #tpu.memory_space<semaphore_mem>>)
      } else {
      }
    }
    %scan3A_197 = arith.constant 9 : i32
    %gt3A_198 = arith.constant 76 : i32
    %gt3A_199 = arith.cmpi sgt, %select_n3A, %gt3A_198 : i32
    %convert_element_type3A_200 = arith.extui %gt3A_199 : i1 to i32
    %cond3A_201 = arith.constant 0 : i32
    %cond3A_202 = arith.cmpi ne, %convert_element_type3A_200, %cond3A_201 : i32
    scf.if %cond3A_202 {
      %add3A_219 = arith.constant 76 : i32
      %add3A_220 = arith.addi %sub3A, %add3A_219 : i32
      %dma_wait3A_221 = arith.constant 0 : i32
      %dma_wait3A_222 = tpu.memref_slice %arg7[%add3A_220, %dma_wait3A_221] : memref<80x125xi32, #tpu.memory_space<vmem>> -> memref<1x125xi32, #tpu.memory_space<vmem>>
      %dma_wait3A_223 = tpu.memref_squeeze %dma_wait3A_222 : memref<1x125xi32, #tpu.memory_space<vmem>> -> memref<125xi32, #tpu.memory_space<vmem>>
      %dma_wait3A_224 = arith.constant 0 : i32
      %dma_wait3A_225 = arith.constant 0 : i32
      %dma_wait3A_226 = tpu.memref_slice %arg8[%dma_wait3A_224, %dma_wait3A_225] : memref<10112x16xf32, #tpu.memory_space<vmem_shared>> -> memref<10112x16xf32, #tpu.memory_space<vmem_shared>>
      tpu.wait_indirect_dma semaphore(%arg29 : memref<!tpu.dma_semaphore, #tpu.memory_space<semaphore_mem>>) src(%arg13 : memref<125x16xf32, #tpu.memory_space<vmem>>) dst(%dma_wait3A_226 : memref<10112x16xf32, #tpu.memory_space<vmem_shared>>)
    } else {
    }
    %gt3A_203 = arith.constant 77 : i32
    %gt3A_204 = arith.cmpi sgt, %select_n3A, %gt3A_203 : i32
    %convert_element_type3A_205 = arith.extui %gt3A_204 : i1 to i32
    %cond3A_206 = arith.constant 0 : i32
    %cond3A_207 = arith.cmpi ne, %convert_element_type3A_205, %cond3A_206 : i32
    scf.if %cond3A_207 {
      %add3A_219 = arith.constant 77 : i32
      %add3A_220 = arith.addi %sub3A, %add3A_219 : i32
      %dma_wait3A_221 = arith.constant 0 : i32
      %dma_wait3A_222 = tpu.memref_slice %arg7[%add3A_220, %dma_wait3A_221] : memref<80x125xi32, #tpu.memory_space<vmem>> -> memref<1x125xi32, #tpu.memory_space<vmem>>
      %dma_wait3A_223 = tpu.memref_squeeze %dma_wait3A_222 : memref<1x125xi32, #tpu.memory_space<vmem>> -> memref<125xi32, #tpu.memory_space<vmem>>
      %dma_wait3A_224 = arith.constant 0 : i32
      %dma_wait3A_225 = arith.constant 0 : i32
      %dma_wait3A_226 = tpu.memref_slice %arg8[%dma_wait3A_224, %dma_wait3A_225] : memref<10112x16xf32, #tpu.memory_space<vmem_shared>> -> memref<10112x16xf32, #tpu.memory_space<vmem_shared>>
      tpu.wait_indirect_dma semaphore(%arg30 : memref<!tpu.dma_semaphore, #tpu.memory_space<semaphore_mem>>) src(%arg14 : memref<125x16xf32, #tpu.memory_space<vmem>>) dst(%dma_wait3A_226 : memref<10112x16xf32, #tpu.memory_space<vmem_shared>>)
    } else {
    }
    %gt3A_208 = arith.constant 78 : i32
    %gt3A_209 = arith.cmpi sgt, %select_n3A, %gt3A_208 : i32
    %convert_element_type3A_210 = arith.extui %gt3A_209 : i1 to i32
    %cond3A_211 = arith.constant 0 : i32
    %cond3A_212 = arith.cmpi ne, %convert_element_type3A_210, %cond3A_211 : i32
    scf.if %cond3A_212 {
      %add3A_219 = arith.constant 78 : i32
      %add3A_220 = arith.addi %sub3A, %add3A_219 : i32
      %dma_wait3A_221 = arith.constant 0 : i32
      %dma_wait3A_222 = tpu.memref_slice %arg7[%add3A_220, %dma_wait3A_221] : memref<80x125xi32, #tpu.memory_space<vmem>> -> memref<1x125xi32, #tpu.memory_space<vmem>>
      %dma_wait3A_223 = tpu.memref_squeeze %dma_wait3A_222 : memref<1x125xi32, #tpu.memory_space<vmem>> -> memref<125xi32, #tpu.memory_space<vmem>>
      %dma_wait3A_224 = arith.constant 0 : i32
      %dma_wait3A_225 = arith.constant 0 : i32
      %dma_wait3A_226 = tpu.memref_slice %arg8[%dma_wait3A_224, %dma_wait3A_225] : memref<10112x16xf32, #tpu.memory_space<vmem_shared>> -> memref<10112x16xf32, #tpu.memory_space<vmem_shared>>
      tpu.wait_indirect_dma semaphore(%arg31 : memref<!tpu.dma_semaphore, #tpu.memory_space<semaphore_mem>>) src(%arg15 : memref<125x16xf32, #tpu.memory_space<vmem>>) dst(%dma_wait3A_226 : memref<10112x16xf32, #tpu.memory_space<vmem_shared>>)
    } else {
    }
    %gt3A_213 = arith.constant 79 : i32
    %gt3A_214 = arith.cmpi sgt, %select_n3A, %gt3A_213 : i32
    %convert_element_type3A_215 = arith.extui %gt3A_214 : i1 to i32
    %cond3A_216 = arith.constant 0 : i32
    %cond3A_217 = arith.cmpi ne, %convert_element_type3A_215, %cond3A_216 : i32
    scf.if %cond3A_217 {
      %add3A_219 = arith.constant 79 : i32
      %add3A_220 = arith.addi %sub3A, %add3A_219 : i32
      %dma_wait3A_221 = arith.constant 0 : i32
      %dma_wait3A_222 = tpu.memref_slice %arg7[%add3A_220, %dma_wait3A_221] : memref<80x125xi32, #tpu.memory_space<vmem>> -> memref<1x125xi32, #tpu.memory_space<vmem>>
      %dma_wait3A_223 = tpu.memref_squeeze %dma_wait3A_222 : memref<1x125xi32, #tpu.memory_space<vmem>> -> memref<125xi32, #tpu.memory_space<vmem>>
      %dma_wait3A_224 = arith.constant 0 : i32
      %dma_wait3A_225 = arith.constant 0 : i32
      %dma_wait3A_226 = tpu.memref_slice %arg8[%dma_wait3A_224, %dma_wait3A_225] : memref<10112x16xf32, #tpu.memory_space<vmem_shared>> -> memref<10112x16xf32, #tpu.memory_space<vmem_shared>>
      tpu.wait_indirect_dma semaphore(%arg32 : memref<!tpu.dma_semaphore, #tpu.memory_space<semaphore_mem>>) src(%arg16 : memref<125x16xf32, #tpu.memory_space<vmem>>) dst(%dma_wait3A_226 : memref<10112x16xf32, #tpu.memory_space<vmem_shared>>)
    } else {
    }
    %barrier3A_218 = arith.constant 0 : index
    tpu.barrier barrier_id(%barrier3A_218)
    "tpu.region"() ({
      %run_scoped3A = tpu.sem_alloc : memref<!tpu.dma_semaphore, #tpu.memory_space<semaphore_mem>>
      %dma_start3A_219 = arith.constant 0 : i32
      %dma_start3A_220 = tpu.memref_slice %arg5[%arg0, %mul3A_0, %dma_start3A_219] : memref<2x10112x16xf32, #tpu.memory_space<hbm>> -> memref<1x632x16xf32, #tpu.memory_space<hbm>>
      %dma_start3A_221 = tpu.memref_squeeze %dma_start3A_220 : memref<1x632x16xf32, #tpu.memory_space<hbm>> -> memref<632x16xf32, #tpu.memory_space<hbm>>
      %dma_start3A_222 = arith.constant 0 : i32
      %dma_start3A_223 = tpu.memref_slice %arg8[%mul3A_0, %dma_start3A_222] : memref<10112x16xf32, #tpu.memory_space<vmem_shared>> -> memref<632x16xf32, #tpu.memory_space<vmem_shared>>
      tpu.enqueue_dma source(%dma_start3A_223 : memref<632x16xf32, #tpu.memory_space<vmem_shared>>) target(%dma_start3A_221 : memref<632x16xf32, #tpu.memory_space<hbm>>) target_semaphore(%run_scoped3A : memref<!tpu.dma_semaphore, #tpu.memory_space<semaphore_mem>>)
      %dma_wait3A_224 = arith.constant 0 : i32
      %dma_wait3A_225 = tpu.memref_slice %arg5[%arg0, %mul3A_0, %dma_wait3A_224] : memref<2x10112x16xf32, #tpu.memory_space<hbm>> -> memref<1x632x16xf32, #tpu.memory_space<hbm>>
      %dma_wait3A_226 = tpu.memref_squeeze %dma_wait3A_225 : memref<1x632x16xf32, #tpu.memory_space<hbm>> -> memref<632x16xf32, #tpu.memory_space<hbm>>
      %dma_wait3A_227 = arith.constant 0 : i32
      %dma_wait3A_228 = tpu.memref_slice %arg8[%mul3A_0, %dma_wait3A_227] : memref<10112x16xf32, #tpu.memory_space<vmem_shared>> -> memref<632x16xf32, #tpu.memory_space<vmem_shared>>
      tpu.wait_dma2 semaphore(%run_scoped3A : memref<!tpu.dma_semaphore, #tpu.memory_space<semaphore_mem>>) src(%dma_wait3A_228 : memref<632x16xf32, #tpu.memory_space<vmem_shared>>) dst(%dma_wait3A_226 : memref<632x16xf32, #tpu.memory_space<hbm>>)
      tpu.yield
    }) : () -> ()
    return
  }
}

module attributes {stable_mosaic.version = 14 : i64} {
  func.func @body(%arg0: i32, %arg1: memref<1000x128xf32, #tpu.memory_space<vmem>>, %arg2: memref<128x16xf32, #tpu.memory_space<vmem>>, %arg3: memref<128x16xf32, #tpu.memory_space<vmem>>, %arg4: memref<1000x16xf32, #tpu.memory_space<vmem>>, %arg5: memref<1000x16xf32, #tpu.memory_space<vmem>>) attributes {dimension_semantics = [#tpu.dimension_semantics<arbitrary>], iteration_bounds = array<i64: 10>, scalar_prefetch = 0 : i64, scratch_operands = 0 : i64, tpu.core_type = #tpu.core_type<tc>, window_params = [{transform_indices = @transform_0, window_bounds = array<i64: 1000, 128>}, {pipeline_mode = #tpu.pipeline_mode<synchronous>, transform_indices = @transform_1, window_bounds = array<i64: 128, 16>}, {pipeline_mode = #tpu.pipeline_mode<synchronous>, transform_indices = @transform_2, window_bounds = array<i64: 128, 16>}, {transform_indices = @transform_3, window_bounds = array<i64: 1000, 16>}, {transform_indices = @transform_4, window_bounds = array<i64: 1000, 16>}]} {
    %get3A = arith.constant 0 : index
    %get3A_0 = arith.constant 0 : index
    %get3A_1 = vector.load %arg1[%get3A, %get3A_0] : memref<1000x128xf32, #tpu.memory_space<vmem>>, vector<1000x128xf32>
    %get3A_2 = arith.constant 0 : index
    %get3A_3 = arith.constant 0 : index
    %get3A_4 = vector.load %arg2[%get3A_2, %get3A_3] : memref<128x16xf32, #tpu.memory_space<vmem>>, vector<128x16xf32>
    %dot_general3A = arith.constant dense<0.000000e+00> : vector<1000x16xf32>
    %dot_general3A_5 = tpu.matmul %get3A_1, %get3A_4, %dot_general3A {dimension_numbers = #tpu.dot_dimension_numbers<[1], [0], [0], [1], [0, 0, 1, 1], [], []>, transpose_lhs_hint = false} : vector<1000x128xf32>, vector<128x16xf32>, vector<1000x16xf32> -> vector<1000x16xf32>
    %swap3A = arith.constant 0 : index
    %swap3A_6 = arith.constant 0 : index
    %swap3A_7 = vector.load %arg4[%swap3A, %swap3A_6] : memref<1000x16xf32, #tpu.memory_space<vmem>>, vector<1000x16xf32>
    tpu.vector_store %arg4[%swap3A, %swap3A_6], %dot_general3A_5 {strides = array<i32>} : memref<1000x16xf32, #tpu.memory_space<vmem>>, vector<1000x16xf32>,
    %get3A_8 = arith.constant 0 : index
    %get3A_9 = arith.constant 0 : index
    %get3A_10 = vector.load %arg3[%get3A_8, %get3A_9] : memref<128x16xf32, #tpu.memory_space<vmem>>, vector<128x16xf32>
    %dot_general3A_11 = arith.constant dense<0.000000e+00> : vector<1000x16xf32>
    %dot_general3A_12 = tpu.matmul %get3A_1, %get3A_10, %dot_general3A_11 {dimension_numbers = #tpu.dot_dimension_numbers<[1], [0], [0], [1], [0, 0, 1, 1], [], []>, transpose_lhs_hint = false} : vector<1000x128xf32>, vector<128x16xf32>, vector<1000x16xf32> -> vector<1000x16xf32>
    %swap3A_13 = arith.constant 0 : index
    %swap3A_14 = arith.constant 0 : index
    %swap3A_15 = vector.load %arg5[%swap3A_13, %swap3A_14] : memref<1000x16xf32, #tpu.memory_space<vmem>>, vector<1000x16xf32>
    tpu.vector_store %arg5[%swap3A_13, %swap3A_14], %dot_general3A_12 {strides = array<i32>} : memref<1000x16xf32, #tpu.memory_space<vmem>>, vector<1000x16xf32>,
    return
  }
  func.func @transform_0(%arg0: i32) -> (i32, i32) {
    %c0_i32 = arith.constant 0 : i32
    %c0_i32_0 = arith.constant 0 : i32
    return %arg0, %c0_i32 : i32, i32
  }
  func.func @transform_1(%arg0: i32) -> (i32, i32) {
    %c0_i32 = arith.constant 0 : i32
    %c0_i32_0 = arith.constant 0 : i32
    %c0_i32_1 = arith.constant 0 : i32
    return %c0_i32, %c0_i32_0 : i32, i32
  }
  func.func @transform_2(%arg0: i32) -> (i32, i32) {
    %c0_i32 = arith.constant 0 : i32
    %c0_i32_0 = arith.constant 0 : i32
    %c0_i32_1 = arith.constant 0 : i32
    return %c0_i32, %c0_i32_0 : i32, i32
  }
  func.func @transform_3(%arg0: i32) -> (i32, i32) {
    %c0_i32 = arith.constant 0 : i32
    %c0_i32_0 = arith.constant 0 : i32
    return %arg0, %c0_i32 : i32, i32
  }
  func.func @transform_4(%arg0: i32) -> (i32, i32) {
    %c0_i32 = arith.constant 0 : i32
    %c0_i32_0 = arith.constant 0 : i32
    return %arg0, %c0_i32 : i32, i32
  }
}

module attributes {stable_mosaic.version = 14 : i64} {
  func.func @body(%arg0: i32, %arg1: memref<2x1000x16xf32, #tpu.memory_space<vmem>>, %arg2: memref<1000x16xf32, #tpu.memory_space<vmem>>, %arg3: memref<1x16xf32, #tpu.memory_space<vmem>>, %arg4: memref<16x16xf32, #tpu.memory_space<vmem>>, %arg5: memref<16x16xf32, #tpu.memory_space<vmem>>, %arg6: memref<1x16xf32, #tpu.memory_space<vmem>>, %arg7: memref<1000x16xf32, #tpu.memory_space<vmem>>, %arg8: memref<1000x16xf32, #tpu.memory_space<vmem>>) attributes {dimension_semantics = [#tpu.dimension_semantics<arbitrary>], iteration_bounds = array<i64: 10>, scalar_prefetch = 0 : i64, scratch_operands = 0 : i64, tpu.core_type = #tpu.core_type<tc>, window_params = [{transform_indices = @transform_0, window_bounds = array<i64: 2, 1000, 16>}, {transform_indices = @transform_1, window_bounds = array<i64: 1000, 16>}, {pipeline_mode = #tpu.pipeline_mode<synchronous>, transform_indices = @transform_2, window_bounds = array<i64: 1, 16>}, {pipeline_mode = #tpu.pipeline_mode<synchronous>, transform_indices = @transform_3, window_bounds = array<i64: 16, 16>}, {pipeline_mode = #tpu.pipeline_mode<synchronous>, transform_indices = @transform_4, window_bounds = array<i64: 16, 16>}, {pipeline_mode = #tpu.pipeline_mode<synchronous>, transform_indices = @transform_5, window_bounds = array<i64: 1, 16>}, {transform_indices = @transform_6, window_bounds = array<i64: 1000, 16>}, {transform_indices = @transform_7, window_bounds = array<i64: 1000, 16>}]} {
    %get3A = arith.constant 0 : index
    %get3A_0 = arith.constant 0 : index
    %get3A_1 = arith.constant 0 : index
    %get3A_2 = vector.load %arg1[%get3A, %get3A_0, %get3A_1] : memref<2x1000x16xf32, #tpu.memory_space<vmem>>, vector<1x1000x16xf32>
    %get3A_3 = vector.shape_cast %get3A_2 : vector<1x1000x16xf32> to vector<1000x16xf32>
    %get3A_4 = arith.constant 1 : index
    %get3A_5 = arith.constant 0 : index
    %get3A_6 = arith.constant 0 : index
    %get3A_7 = vector.load %arg1[%get3A_4, %get3A_5, %get3A_6] : memref<2x1000x16xf32, #tpu.memory_space<vmem>>, vector<1x1000x16xf32>
    %get3A_8 = vector.shape_cast %get3A_7 : vector<1x1000x16xf32> to vector<1000x16xf32>
    %add3A = arith.addf %get3A_3, %get3A_8 : vector<1000x16xf32>
    %get3A_9 = arith.constant 0 : index
    %get3A_10 = arith.constant 0 : index
    %get3A_11 = vector.load %arg3[%get3A_9, %get3A_10] : memref<1x16xf32, #tpu.memory_space<vmem>>, vector<1x16xf32>
    %add3A_12 = vector.broadcast %get3A_11 : vector<1x16xf32> to vector<1000x16xf32>
    %add3A_13 = arith.addf %add3A, %add3A_12 : vector<1000x16xf32>
    %get3A_14 = arith.constant 0 : index
    %get3A_15 = arith.constant 0 : index
    %get3A_16 = vector.load %arg2[%get3A_14, %get3A_15] : memref<1000x16xf32, #tpu.memory_space<vmem>>, vector<1000x16xf32>
    %add3A_17 = arith.addf %add3A_13, %get3A_16 : vector<1000x16xf32>
    %max3A = arith.constant 0.000000e+00 : f32
    %max3A_18 = vector.broadcast %max3A : f32 to vector<1000x16xf32>
    %max3A_19 = arith.maximumf %add3A_17, %max3A_18 : vector<1000x16xf32>
    %get3A_20 = arith.constant 0 : index
    %get3A_21 = arith.constant 0 : index
    %get3A_22 = vector.load %arg4[%get3A_20, %get3A_21] : memref<16x16xf32, #tpu.memory_space<vmem>>, vector<16x16xf32>
    %dot_general3A = arith.constant dense<0.000000e+00> : vector<1000x16xf32>
    %dot_general3A_23 = tpu.matmul %max3A_19, %get3A_22, %dot_general3A {dimension_numbers = #tpu.dot_dimension_numbers<[1], [0], [0], [1], [0, 0, 1, 1], [], []>, transpose_lhs_hint = false} : vector<1000x16xf32>, vector<16x16xf32>, vector<1000x16xf32> -> vector<1000x16xf32>
    %swap3A = arith.constant 0 : index
    %swap3A_24 = arith.constant 0 : index
    %swap3A_25 = vector.load %arg7[%swap3A, %swap3A_24] : memref<1000x16xf32, #tpu.memory_space<vmem>>, vector<1000x16xf32>
    tpu.vector_store %arg7[%swap3A, %swap3A_24], %dot_general3A_23 {strides = array<i32>} : memref<1000x16xf32, #tpu.memory_space<vmem>>, vector<1000x16xf32>,
    %get3A_26 = arith.constant 0 : index
    %get3A_27 = arith.constant 0 : index
    %get3A_28 = vector.load %arg5[%get3A_26, %get3A_27] : memref<16x16xf32, #tpu.memory_space<vmem>>, vector<16x16xf32>
    %dot_general3A_29 = arith.constant dense<0.000000e+00> : vector<1000x16xf32>
    %dot_general3A_30 = tpu.matmul %max3A_19, %get3A_28, %dot_general3A_29 {dimension_numbers = #tpu.dot_dimension_numbers<[1], [0], [0], [1], [0, 0, 1, 1], [], []>, transpose_lhs_hint = false} : vector<1000x16xf32>, vector<16x16xf32>, vector<1000x16xf32> -> vector<1000x16xf32>
    %get3A_31 = arith.constant 0 : index
    %get3A_32 = arith.constant 0 : index
    %get3A_33 = vector.load %arg6[%get3A_31, %get3A_32] : memref<1x16xf32, #tpu.memory_space<vmem>>, vector<1x16xf32>
    %add3A_34 = vector.broadcast %get3A_33 : vector<1x16xf32> to vector<1000x16xf32>
    %add3A_35 = arith.addf %dot_general3A_30, %add3A_34 : vector<1000x16xf32>
    %swap3A_36 = arith.constant 0 : index
    %swap3A_37 = arith.constant 0 : index
    %swap3A_38 = vector.load %arg8[%swap3A_36, %swap3A_37] : memref<1000x16xf32, #tpu.memory_space<vmem>>, vector<1000x16xf32>
    tpu.vector_store %arg8[%swap3A_36, %swap3A_37], %add3A_35 {strides = array<i32>} : memref<1000x16xf32, #tpu.memory_space<vmem>>, vector<1000x16xf32>,
    return
  }
  func.func @transform_0(%arg0: i32) -> (i32, i32, i32) {
    %c0_i32 = arith.constant 0 : i32
    %c0_i32_0 = arith.constant 0 : i32
    %c0_i32_1 = arith.constant 0 : i32
    return %c0_i32, %arg0, %c0_i32_0 : i32, i32, i32
  }
  func.func @transform_1(%arg0: i32) -> (i32, i32) {
    %c0_i32 = arith.constant 0 : i32
    %c0_i32_0 = arith.constant 0 : i32
    return %arg0, %c0_i32 : i32, i32
  }
  func.func @transform_2(%arg0: i32) -> (i32, i32) {
    %c0_i32 = arith.constant 0 : i32
    %c0_i32_0 = arith.constant 0 : i32
    %c0_i32_1 = arith.constant 0 : i32
    return %c0_i32, %c0_i32_0 : i32, i32
  }
  func.func @transform_3(%arg0: i32) -> (i32, i32) {
    %c0_i32 = arith.constant 0 : i32
    %c0_i32_0 = arith.constant 0 : i32
    %c0_i32_1 = arith.constant 0 : i32
    return %c0_i32, %c0_i32_0 : i32, i32
  }
  func.func @transform_4(%arg0: i32) -> (i32, i32) {
    %c0_i32 = arith.constant 0 : i32
    %c0_i32_0 = arith.constant 0 : i32
    %c0_i32_1 = arith.constant 0 : i32
    return %c0_i32, %c0_i32_0 : i32, i32
  }
  func.func @transform_5(%arg0: i32) -> (i32, i32) {
    %c0_i32 = arith.constant 0 : i32
    %c0_i32_0 = arith.constant 0 : i32
    %c0_i32_1 = arith.constant 0 : i32
    return %c0_i32, %c0_i32_0 : i32, i32
  }
  func.func @transform_6(%arg0: i32) -> (i32, i32) {
    %c0_i32 = arith.constant 0 : i32
    %c0_i32_0 = arith.constant 0 : i32
    return %arg0, %c0_i32 : i32, i32
  }
  func.func @transform_7(%arg0: i32) -> (i32, i32) {
    %c0_i32 = arith.constant 0 : i32
    %c0_i32_0 = arith.constant 0 : i32
    return %arg0, %c0_i32 : i32, i32
  }
}

module attributes {stable_mosaic.version = 14 : i64} {
  func.func @body(%arg0: i32, %arg1: memref<2x1000x16xf32, #tpu.memory_space<vmem>>, %arg2: memref<1000x16xf32, #tpu.memory_space<vmem>>, %arg3: memref<1000x7xf32, #tpu.memory_space<vmem>>) attributes {dimension_semantics = [#tpu.dimension_semantics<arbitrary>], iteration_bounds = array<i64: 10>, scalar_prefetch = 0 : i64, scratch_operands = 0 : i64, tpu.core_type = #tpu.core_type<tc>, window_params = [{transform_indices = @transform_0, window_bounds = array<i64: 2, 1000, 16>}, {transform_indices = @transform_1, window_bounds = array<i64: 1000, 16>}, {transform_indices = @transform_2, window_bounds = array<i64: 1000, 7>}]} {
    %get3A = arith.constant 0 : index
    %get3A_0 = arith.constant 0 : index
    %get3A_1 = arith.constant 0 : index
    %get3A_2 = vector.load %arg1[%get3A, %get3A_0, %get3A_1] : memref<2x1000x16xf32, #tpu.memory_space<vmem>>, vector<1x1000x16xf32>
    %get3A_3 = vector.shape_cast %get3A_2 : vector<1x1000x16xf32> to vector<1000x16xf32>
    %get3A_4 = arith.constant 1 : index
    %get3A_5 = arith.constant 0 : index
    %get3A_6 = arith.constant 0 : index
    %get3A_7 = vector.load %arg1[%get3A_4, %get3A_5, %get3A_6] : memref<2x1000x16xf32, #tpu.memory_space<vmem>>, vector<1x1000x16xf32>
    %get3A_8 = vector.shape_cast %get3A_7 : vector<1x1000x16xf32> to vector<1000x16xf32>
    %add3A = arith.addf %get3A_3, %get3A_8 : vector<1000x16xf32>
    %get3A_9 = arith.constant 0 : index
    %get3A_10 = arith.constant 0 : index
    %get3A_11 = vector.load %arg2[%get3A_9, %get3A_10] : memref<1000x16xf32, #tpu.memory_space<vmem>>, vector<1000x16xf32>
    %add3A_12 = arith.addf %add3A, %get3A_11 : vector<1000x16xf32>
    %iota3A = tpu.iota {dimensions = array<i32: 1>} : vector<1000x16xi32>
    %lt3A = arith.constant 7 : i32
    %lt3A_13 = vector.broadcast %lt3A : i32 to vector<1000x16xi32>
    %lt3A_14 = arith.cmpi slt, %iota3A, %lt3A_13 : vector<1000x16xi32>
    %jit3A = arith.constant 0xFF800000 : f32
    %broadcast_in_dim3A = vector.broadcast %jit3A : f32 to vector<1000x16xf32>
    %select_n3A = arith.select %lt3A_14, %add3A_12, %broadcast_in_dim3A : vector<1000x16xi1>, vector<1000x16xf32>
    %reduce_max3A = arith.constant dense<0xFF800000> : vector<1000xf32>
    %reduce_max3A_15 = vector.multi_reduction <maximumf>, %select_n3A, %reduce_max3A [1] : vector<1000x16xf32> to vector<1000xf32>
    %broadcast_in_dim3A_16 = vector.shape_cast %reduce_max3A_15 : vector<1000xf32> to vector<1000x1xf32>
    %sub3A = vector.broadcast %broadcast_in_dim3A_16 : vector<1000x1xf32> to vector<1000x16xf32>
    %sub3A_17 = arith.subf %add3A_12, %sub3A : vector<1000x16xf32>
    %exp3A = math.exp %sub3A_17 : vector<1000x16xf32>
    %jit3A_18 = arith.constant 0.000000e+00 : f32
    %broadcast_in_dim3A_19 = vector.broadcast %jit3A_18 : f32 to vector<1000x16xf32>
    %select_n3A_20 = arith.select %lt3A_14, %exp3A, %broadcast_in_dim3A_19 : vector<1000x16xi1>, vector<1000x16xf32>
    %reduce_sum3A = arith.constant dense<0.000000e+00> : vector<1000xf32>
    %reduce_sum3A_21 = vector.multi_reduction <add>, %select_n3A_20, %reduce_sum3A [1] : vector<1000x16xf32> to vector<1000xf32>
    %broadcast_in_dim3A_22 = vector.shape_cast %reduce_sum3A_21 : vector<1000xf32> to vector<1000x1xf32>
    %sub3A_23 = vector.broadcast %broadcast_in_dim3A_16 : vector<1000x1xf32> to vector<1000x16xf32>
    %sub3A_24 = arith.subf %add3A_12, %sub3A_23 : vector<1000x16xf32>
    %log3A = math.log %broadcast_in_dim3A_22 : vector<1000x1xf32>
    %sub3A_25 = vector.broadcast %log3A : vector<1000x1xf32> to vector<1000x16xf32>
    %sub3A_26 = arith.subf %sub3A_24, %sub3A_25 : vector<1000x16xf32>
    %slice3A = vector.extract_strided_slice %sub3A_26 {offsets = [0, 0], sizes = [1000, 7], strides = [1, 1]} : vector<1000x16xf32> to vector<1000x7xf32>
    %swap3A = arith.constant 0 : index
    %swap3A_27 = arith.constant 0 : index
    %swap3A_28 = vector.load %arg3[%swap3A, %swap3A_27] : memref<1000x7xf32, #tpu.memory_space<vmem>>, vector<1000x7xf32>
    tpu.vector_store %arg3[%swap3A, %swap3A_27], %slice3A {strides = array<i32>} : memref<1000x7xf32, #tpu.memory_space<vmem>>, vector<1000x7xf32>,
    return
  }
  func.func @transform_0(%arg0: i32) -> (i32, i32, i32) {
    %c0_i32 = arith.constant 0 : i32
    %c0_i32_0 = arith.constant 0 : i32
    %c0_i32_1 = arith.constant 0 : i32
    return %c0_i32, %arg0, %c0_i32_0 : i32, i32, i32
  }
  func.func @transform_1(%arg0: i32) -> (i32, i32) {
    %c0_i32 = arith.constant 0 : i32
    %c0_i32_0 = arith.constant 0 : i32
    return %arg0, %c0_i32 : i32, i32
  }
  func.func @transform_2(%arg0: i32) -> (i32, i32) {
    %c0_i32 = arith.constant 0 : i32
    %c0_i32_0 = arith.constant 0 : i32
    return %arg0, %c0_i32 : i32, i32
  }
}

</mosaic_0001>

<sc_bundles>
// kernel: kernel.10.cloned.1.call-start
scs
__scs_entry_jumppad:
0x0: {  	(pc) =	sbr.rel $0x88, $3  }
0x1: {  	(tag) =	ssettag $0x0;
	lr =	simm.s32 $0x1  }
0x2: {  	[smem:$0x3F99] =	sst lr;
	_ =	strace $0xD0000000  }
0x3: {  	_ = 	snop  }
0x4: {  	_ = 	snop  }
0x5: {  	_ = 	snop  }
0x6: {  	_ = 	snop  }
0x7: {  	_ = 	snop  }
__scs_overlays_trampoline_lowered:
0x8: {  	[smem:$0x3FA8] =	sst s0  }
0x9: {  	[smem:$0x3FA9] =	sst s1  }
0xa: {  	[smem:$0x3FAA] =	sst s2  }
0xb: {  	[smem:$0x3FAB] =	sst s3  }
0xc: {  	[smem:$0x3FAC] =	sst s4  }
0xd: {  	[smem:$0x3FAD] =	sst s5  }
0xe: {  	[smem:$0x3FAE] =	sst s6  }
0xf: {  	[smem:$0x3FAF] =	sst s7  }
0x10: {  	[smem:$0x3FB0] =	sst s8  }
0x11: {  	[smem:$0x3FB1] =	sst s9;
	s0 =	simm.s32 @!p0 $0x0  }
0x12: {  	s1 =	sld [smem:$0x3F97];
	s0 =	simm.s32 @p0 $0x1  }
0x13: {  	[smem:$0x3FB2] =	sst s0;
	s0 =	simm.s32 @!p1 $0x0  }
0x14: {  	s2 =	sld [smem:$0x3F96];
	s0 =	simm.s32 @p1 $0x1  }
0x15: {  	[smem:$0x3FB3] =	sst s0;
	s0 =	simm.s32 @!p2 $0x0  }
0x16: {  	s3 =	sld [smem:$0x3FDB];
	s0 =	simm.s32 @p2 $0x1  }
0x17: {  	s4 =	simm.s32 $0x1BF5;
	[smem:$0x3FB5] =	sst s0  }
0x18: {  	s0 =	sld [smem:$0x3F98];
	_ =	swait.ge [sflag:s4], $0x0  }
0x19: {  	s7 =	sld [smem:$0x3F99]  }
0x1a: {  	s8 =	sadd.s32 $0xFFFFE003, lr  }
0x1b: {  	s9 =	sadd.s32 $0xFFFFFEF7, lr;
	s5 =	simm.s32 $0xFFFFFFFF;
	p2 =	slt.u32 s8, $0xFFFFF086  }
0x1c: {  	p1 =	slt.u32 s9, $0xF7A;
	s5 =	simm.s32 @!p2 $0x0  }
0x1d: {  	s5 =	simm.s32 @p1 $0x1;
	p0 =	seq.s32 s7, s2  }
0x1e: {  	s7 =	smul.u32 @!p0 $0xF7A, s2;
	p2 =	seq.s32 @!p0 s5, $0x0  }
0x1f: {  	s9 =	smul.u32 $0xF7A, s1;
	s8 =	simm.s32 @!p0 $0x1BF5;
	p2 =	por !p2, p0  }
0x20: {  	[sflag:s8] =	ssyncset.s32 @!p0 $0xFFFFF086;
	s6 =	sadd.s32 @!p0 s3, s7;
	s7 =	simm.s32 @!p0 $0x108  }
0x21: {  	s3 =	sadd.s32 s3, s9;
	s6 =	sadd.s32 @!p0 $0x88, s6;
	s7 =	simm.s32 @p2 $0x1082  }
0x22: {  	[simem:s7], [sflag:s8] =	dma.local @!p0 [hbm:s6], $0xF7A  }
0x23: {  	s9 =	sor.u32 $0xD0000000, s2;
	s6 =	simm.s32 $0x108;
	_ =	swait.ge @!p0 [sflag:s8], $0x0  }
0x24: {  	s3 =	sadd.s32 $0x88, s3;
	s6 =	simm.s32 @!p1 $0x1082;
	[sflag:s4] =	ssyncset.s32 $0xFFFFF086  }
0x25: {  	[simem:s6], [sflag:s4] =	dma.local [hbm:s3], $0xF7A  }
0x26: {  	[smem:$0x3F99] =	sst s1;
	(tag) =	ssettag s2;
	_ =	strace s9  }
0x27: {  	s1 =	sld [smem:$0x3FA9]  }
0x28: {  	s2 =	sld [smem:$0x3FAA]  }
0x29: {  	s4 =	sld [smem:$0x3FAC]  }
0x2a: {  	p0 =	seq.s32 s5, $0x0;
	s5 =	sld [smem:$0x3FAD]  }
0x2b: {  	s6 =	sld [smem:$0x3FAE]  }
0x2c: {  	s7 =	sld [smem:$0x3FAF]  }
0x2d: {  	s3 =	simm.s32 $0x108;
	s8 =	sld [smem:$0x3FB0]  }
0x2e: {  	s3 =	simm.s32 @!p0 $0x1082;
	s9 =	sld [smem:$0x3FB1]  }
0x2f: {  	lr =	sadd.s32 s0, s3;
	s0 =	sld [smem:$0x3FA8]  }
0x30: {  	s3 =	sld [smem:$0x3FAB]  }
0x31: {  	[smem:$0x3FB4] =	sst s10  }
0x32: {  	s10 =	sld [smem:$0x3FB2];
	_ =	sdelay $0x3  }
0x33: {  	p0 =	seq.s32 s10, $0x1;
	s10 =	sld [smem:$0x3FB4];
	_ =	sdelay $0x3  }
0x34: {  	[smem:$0x3FB4] =	sst s10  }
0x35: {  	s10 =	sld [smem:$0x3FB3];
	_ =	sdelay $0x3  }
0x36: {  	p1 =	seq.s32 s10, $0x1;
	s10 =	sld [smem:$0x3FB4];
	_ =	sdelay $0x3  }
0x37: {  	[smem:$0x3FB4] =	sst s10  }
0x38: {  	s10 =	sld [smem:$0x3FB5]  }
0x39: {  	_ = 	snop;
	(pc) =	sbr.ind lr, $3  }
0x3a: {  	_ = 	snop  }
0x3b: {  	_ = 	snop  }
0x3c: {  	p2 =	seq.s32 s10, $0x1;
	s10 =	sld [smem:$0x3FB4]  }
0x3d: {  	_ =	shalt  }
0x3e: {  	_ =	shalt  }
0x3f: {  	_ =	shalt  }
0x40: {  	_ =	shalt  }
0x41: {  	_ =	shalt  }
0x42: {  	_ =	shalt  }
0x43: {  	_ =	shalt  }
0x44: {  	_ =	shalt  }
0x45: {  	_ =	shalt  }
0x46: {  	_ =	shalt  }
0x47: {  	_ =	shalt  }
0x48: {  	_ =	shalt  }
0x49: {  	_ =	shalt  }
0x4a: {  	_ =	shalt  }
0x4b: {  	_ =	shalt  }
0x4c: {  	_ =	shalt  }
0x4d: {  	_ =	shalt  }
0x4e: {  	_ =	shalt  }
0x4f: {  	_ =	shalt  }
0x50: {  	_ =	shalt  }
0x51: {  	_ =	shalt  }
0x52: {  	_ =	shalt  }
0x53: {  	_ =	shalt  }
0x54: {  	_ =	shalt  }
0x55: {  	_ =	shalt  }
0x56: {  	_ =	shalt  }
0x57: {  	_ =	shalt  }
0x58: {  	_ =	shalt  }
0x59: {  	_ =	shalt  }
0x5a: {  	_ =	shalt  }
0x5b: {  	_ =	shalt  }
0x5c: {  	_ =	shalt  }
0x5d: {  	_ =	shalt  }
0x5e: {  	_ =	shalt  }
0x5f: {  	_ =	shalt  }
0x60: {  	_ =	shalt  }
0x61: {  	_ =	shalt  }
0x62: {  	_ =	shalt  }
0x63: {  	_ =	shalt  }
0x64: {  	_ =	shalt  }
0x65: {  	_ =	shalt  }
0x66: {  	_ =	shalt  }
0x67: {  	_ =	shalt  }
0x68: {  	_ =	shalt  }
0x69: {  	_ =	shalt  }
0x6a: {  	_ =	shalt  }
0x6b: {  	_ =	shalt  }
0x6c: {  	_ =	shalt  }
0x6d: {  	_ =	shalt  }
0x6e: {  	_ =	shalt  }
0x6f: {  	_ =	shalt  }
0x70: {  	_ =	shalt  }
0x71: {  	_ =	shalt  }
0x72: {  	_ =	shalt  }
0x73: {  	_ =	shalt  }
0x74: {  	_ =	shalt  }
0x75: {  	_ =	shalt  }
0x76: {  	_ =	shalt  }
0x77: {  	_ =	shalt  }
0x78: {  	_ =	shalt  }
0x79: {  	_ =	shalt  }
0x7a: {  	_ =	shalt  }
0x7b: {  	_ =	shalt  }
0x7c: {  	_ =	shalt  }
0x7d: {  	_ =	shalt  }
0x7e: {  	_ =	shalt  }
0x7f: {  	_ =	shalt  }
0x80: {  	_ =	shalt  }
0x81: {  	_ =	shalt  }
0x82: {  	_ =	shalt  }
0x83: {  	_ =	shalt  }
0x84: {  	_ =	shalt  }
0x85: {  	_ =	shalt  }
0x86: {  	_ =	shalt  }
0x87: {  	_ =	shalt  }
.Lfunc_end0:
.L_simem_size_0:
called_computation.1_lowered:
.L_overlay_start_0:
0x88: {  	s2 =	sld [smem:$0x3FD9]  }
0x89: {  	s3 =	sld [smem:$0x3FFE];
	_ =	sdelay $0x1  }
0x8a: {  	s1 =	srdreg.scid  }
0x8b: {  	s0 =	sand.u32 $0x1, s1  }
0x8c: {  	s16 =	sshll.u32 s0, $0xA;
	s2 =	sadd.s32 s3, s2  }
0x8d: {  	s2 =	sadd.s32 s2, s16  }
0x8e: {  	[smem:$0x3FC0] =	sst s2  }
0x8f: {  	_ = 	snop  }
0x90: {  	(tm) =	ssettm $0x1  }
0x91: {  	s17 =	sld [smem:$0x3FFB];
	_ =	sdelay $0x3  }
0x92: {  	_ =	strace s17  }
0x93: {  	s2 =	sld [smem:$0x3FFC];
	_ =	sdelay $0x3  }
0x94: {  	_ =	strace s2  }
0x95: {  	s2 =	sld [smem:$0x3FFD];
	_ =	sdelay $0x3  }
0x96: {  	_ =	strace s2  }
0x97: {  	_ =	strace $0x8FFFFFFF  }
0x98: {  	s18 =	sld [smem:$0x3FDB];
	_ =	sdelay $0x1  }
0x99: {  	s19 =	simm.s32 $_scs_section_size  }
0x9a: {  	s4 =	simm.s32 $_size__tile_overlayer_lowered;
	s5 =	simm.s32 $_tile_overlayer_lowered  }
0x9b: {  	s22 =	simm.s32 $0x1BFF;
	s21 =	sshll.u32 s5, $0x1;
	s2 =	sadd.s32 s19, s18  }
0x9c: {  	s6 =	simm.s32 $0x0;
	s20 =	sshll.u32 s4, $0x1;
	s4 =	sadd.s32 s21, s2  }
0x9d: {  	[timem:s6], [sflag:s22] =	dma.local [hbm:s4], s20  }
0x9e: {  	_ =	swait.ge [sflag:s22], s20  }
0x9f: {  	s3 =	ssub.s32 $0x0, s20;
	[sflag:s22] =	ssyncset.done $0x0  }
0xa0: {  	[sflag:s22] =	ssyncadd.s32 s3;
	_ =	sdelay $0x1  }
0xa1: {  	s23 =	simm.s32 $0x1B8B  }
0xa2: {  	_ =	swait.ge [sflag:s23], $0x1  }
0xa3: {  	[sflag:s23] =	ssyncset.done $0x0  }
0xa4: {  	s25 =	simm.s32 $0x1B8E;
	s24 =	sld [smem:$0x3FFE];
	[sflag:s23] =	ssyncadd.s32 $0xFFFFFFFF  }
0xa5: {  	s26 =	simm.s32 $execute0_lowered;
	[smem:$0x3FD2] =	sst s25  }
0xa6: {  	s4 =	sshll.u32 s26, $0x1;
	_ =	strace $0x80000049;
	[dreg:$0x1] =	wrdreg $0xFFFFFFFF  }
0xa7: {  	s28 =	simm.s32 $_size_execute0_lowered;
	s2 =	sadd.s32 s2, s4;
	[dreg:$0x0] =	wrdreg $0x0  }
0xa8: {  	s4 =	sshll.u32 s28, $0x1;
	[dreg:$0x2] =	wrdreg s2  }
0xa9: {  	[dreg:$0x3] =	wrdreg s4  }
0xaa: {  	[dreg:$0x4] =	wrdreg $0xC0  }
0xab: {  	_ =	task [dreg:s6], $0x5FFFF  }
0xac: {  	[dreg:$0x1] =	wrdreg $0xFFFFFFFF  }
0xad: {  	[dreg:$0x0] =	wrdreg $0x60  }
0xae: {  	[dreg:$0x2] =	wrdreg s24  }
0xaf: {  	[dreg:$0x3] =	wrdreg $0x50000  }
0xb0: {  	[dreg:$0x4] =	wrdreg $0x9  }
0xb1: {  	_ =	task.clear_ibuf [dreg:s6], $0x5FFFF;
	_ =	strace $0x90000049  }
0xb2: {  	s29 =	simm.s32 $0x9;
	_ =	strace $0x8000004B  }
0xb3: {  	_ =	swait.ge [sflag:s29], $0x1  }
0xb4: {  	[sflag:s29] =	ssyncadd.s32 $0xFFFFFFFF  }
0xb5: {  	_ =	strace $0x9000004B  }
0xb6: {  	_ =	sfence  }
0xb7: {  	s30 =	sld [smem:$0x0];
	_ =	sdelay $0x2  }
0xb8: {  	s31 =	sshll.u32 s1, $0xD;
	s1 =	sshrl.u32 s1, $0x2  }
0xb9: {  	s3 =	sand.u32 $0x4000, s31;
	s1 =	sadd.s32 s1, s30  }
0xba: {  	s0 =	sor.u32 s3, s0;
	s1 =	sshll.u32 s1, $0x11  }
0xbb: {  	s0 =	sor.u32 s1, s0  }
0xbc: {  	s0 =	sadd.s32 $0x8F2B, s0  }
0xbd: {  	[sflag:s0] =	ssyncadd.remote.s32 $0x1  }
0xbe: {  	_ =	sfence.sel $0xFFFF  }
0xbf: {  	[dreg:$0x0] =	wrdreg $0xFFFFFFFF;
	(pc) =	sbr.abs _section_cstart, $3  }
0xc0: {  	[dreg:$0x1] =	wrdreg $0xFFFFFFFF  }
0xc1: {  	_ =	task.clear_ibuf [dreg:s6], $0x2FFFF;
	_ =	strace $0x9FFFFFFF  }
0xc2: {  	(tm) =	ssettm $0x7FFFFFFF  }
0xc3: {  	_ =	shalt  }
tec
execute0_lowered:
.L_overlay_start_1:
0x0: {  	(tag) =	ssettag $0x1  }
0x1: {  	s0 =	rddreg [dreg:$0x0]  }
0x2: {  	s2 =	rddreg [dreg:$0x1];
	s9 =	stileid.u32  }
0x3: {  	s4 =	simm.s32 $0x0;
	s1 =	srdreg.scid;
	s14 =	simm.s32 $0x1  }
0x4: {  	s15 =	simm.s32 $0x2;
	s16 =	simm.s32 $0x3;
	s17 =	simm.s32 $0x7D  }
0x5: {  	s18 =	simm.s32 $0x7780;
	s20 =	simm.s32 $0x7F50;
	s30 =	simm.s32 $0x9E90  }
0x6: {  	s19 =	simm.s32 $0x4;
	s28 =	simm.s32 $0x5;
	s31 =	simm.s32 $0x9  }
0x7: {  	s13 =	simm.s32 $0xE;
	s10 =	simm.s32 $0x10;
	s12 =	simm.s32 $0x0  }
0x8: {  	s3 =	smul.u32 $0x500, s9;
	[smem:$0x7FF] =	sst s4;
	s1 =	sand.u32 $0x1, s1  }
0x9: {  	s6 =	smul.u32 $0x2780, s9;
	s4 =	sadd.s32 $0x1400, s0;
	s22 =	sshll.u32 s9, $0x6  }
0xa: {  	s9 =	simm.s32 $0xF;
	p0 =	seq.s32 s1, $0x0;
	s21 =	smul.u32 $0x27800, s1  }
0xb: {  	_ =	strace $0x8000004A;
	s1 =	ssub.s32 $0x2, s1;
	[dreg:$0x3] =	wrdreg s22  }
0xc: {  	s25 =	sor.u32 $0x1C01, s22;
	s22 =	simm.s32 $0x8720;
	s5 =	sadd.s32 $0x5000, s3  }
0xd: {  	s7 =	sshrl.u32 s6, $0x3;
	s8 =	sshrl.u32 s1, $0x1;
	s23 =	sadd.s32 s6, s2  }
0xe: {  	[dreg:$0x5] =	wrdreg s25;
	s25 =	simm.s32 $0xAE30;
	s5 =	smov.u32 @p0 s3  }
0xf: {  	s3 =	sadd.s32 s6, s21;
	s7 =	sadd.s32 s7, s0;
	s1 =	ssub.s32 s1, s8  }
0x10: {  	s11 =	sshrl.u32 s23, $0x3;
	s23 =	simm.s32 $0x7;
	s6 =	simm.s32 $0x8  }
0x11: {  	s8 =	simm.s32 $0xD;
	s5 =	sadd.s32 s5, s0;
	s3 =	sshrl.u32 s3, $0x3  }
0x12: {  	s24 =	sadd.s32 $0x1A400, s7;
	s29 =	smax.u32 s1, $0x1;
	[dreg:$0xa] =	wrdreg s11  }
.Ltmp0:
0x13: {  	s1 =	simm.s32 $0xA660;
	[dreg:$0x4] =	wrdreg s24;
	(pc) =	sbr.rel .LBB2_1-.Ltmp0, $4  }
0x14: {  	s7 =	simm.s32 $0xC;
	s26 =	sadd.s32 $0x6400, s5;
	[dreg:$0x9] =	wrdreg s29  }
0x15: {  	s0 =	sadd.s32 s3, s0;
	s5 =	sadd.s32 $0x10400, s5;
	[dreg:$0x6] =	wrdreg s26  }
0x16: {  	s24 =	simm.s32 $0x8EF0;
	[dreg:$0x7] =	wrdreg s5;
	s0 =	sadd.s32 $0x1F400, s0  }
0x17: {  	s26 =	simm.s32 $0x96C0;
	[dreg:$0x8] =	wrdreg s0;
	s0 =	simm.s32 $0xB  }
.LBB2_4:
0x18: {  	_ =	swait.ge [sflag:s6], $0x7D0  }
0x19: {  	[sflag:s6] =	ssyncset.done $0x0  }
0x1a: {  	[sflag:s6] =	ssyncadd.s32 $0xFFFFF830  }
0x1b: {  	[spmem:s2] =	stream.indirect.scatter.add.f32 [tilespmem:s25], [sflag:$0x10], $0x10, s29, s17, $0xb8;
	[tilespmem:$0xB600] =	vst v63  }
0x1c: {  	_ =	swait.ge [sflag:s7], $0x7D0  }
0x1d: {  	[sflag:s7] =	ssyncset.done $0x0  }
0x1e: {  	[sflag:s7] =	ssyncadd.s32 $0xFFFFF830  }
0x1f: {  	_ =	swait.ge [sflag:s8], $0x7D0  }
0x20: {  	[sflag:s8] =	ssyncset.done $0x0  }
0x21: {  	[sflag:s8] =	ssyncadd.s32 $0xFFFFF830  }
0x22: {  	_ =	swait.ge [sflag:s13], $0x7D0  }
0x23: {  	[sflag:s13] =	ssyncset.done $0x0  }
0x24: {  	[sflag:s13] =	ssyncadd.s32 $0xFFFFF830  }
0x25: {  	_ =	swait.ge [sflag:s9], $0x7D0  }
0x26: {  	[sflag:s9] =	ssyncset.done $0x0  }
0x27: {  	[sflag:s9] =	ssyncadd.s32 $0xFFFFF830  }
0x28: {  	_ =	swait.ge [sflag:s10], $0x7D0  }
0x29: {  	[sflag:s10] =	ssyncset.done $0x0  }
0x2a: {  	[sflag:s10] =	ssyncadd.s32 $0xFFFFF830  }
0x2b: {  	[bflag:$0x0] =	sbarrier.arrive $0xFFFF  }
0x2c: {  	s3 =	rddreg [dreg:$0x3]  }
0x2d: {  	s5 =	rddreg [dreg:$0x8]  }
0x2e: {  	s21 =	simm.s32 $0x11;
	s11 =	rddreg [dreg:$0xa];
	s3 =	sor.u32 $0x1C11, s3  }
0x2f: {  	[hbm:s5], [sflag:s3] =	dma.local [spmem:s11], $0x4F0  }
0x30: {  	_ =	swait.ge [sflag:s21], $0x4F0  }
0x31: {  	s12 =	rddreg [dreg:$0xb]  }
0x32: {  	s29 =	rddreg [dreg:$0x9];
	s12 =	sadd.s32 $0x1, s12  }
0x33: {  	p0 =	sne.s32 s12, s29  }
.Ltmp1:
0x34: {  	_ = 	snop;
	(pc) =	sbr.rel @!p0 .LBB2_5-.Ltmp1, $3  }
0x35: {  	_ =	sdelay $0x1  }
0x36: {  	[sflag:s21] =	ssyncset.done $0x0  }
0x37: {  	[sflag:s21] =	ssyncadd.s32 $0xFFFFFB10  }
.LBB2_1:
0x38: {  	[dreg:$0xb] =	wrdreg s12  }
0x39: {  	s3 =	rddreg [dreg:$0x4]  }
0x3a: {  	s5 =	rddreg [dreg:$0x5]  }
0x3b: {  	[spmem:s11], [sflag:s5] =	dma.local [hbm:s3], $0x4F0  }
0x3c: {  	s11 =	simm.s32 $0x0;
	s5 =	rddreg [dreg:$0x6]  }
0x3d: {  	[tilespmem:s11], [sflag:$0x2] =	stream.linear.gather [hbm4b:s5+s11], $0x2800, $0x38;
	[tilespmem:$0xB600] =	vst v63  }
0x3e: {  	s21 =	simm.s32 $0x2800;
	s12 =	rddreg [dreg:$0x7]  }
0x3f: {  	[tilespmem:s21], [sflag:$0x3] =	stream.linear.gather [hbm4b:s12+s11], $0x2800, $0x38;
	[tilespmem:$0xB600] =	vst v63  }
0x40: {  	_ =	swait.ge [sflag:s14], $0x4F0  }
0x41: {  	[sflag:s14] =	ssyncset.done $0x0  }
0x42: {  	[sflag:s14] =	ssyncadd.s32 $0xFFFFFB10  }
0x43: {  	_ =	swait.ge [sflag:s15], $0x2800  }
0x44: {  	[sflag:s15] =	ssyncset.done $0x0  }
0x45: {  	[sflag:s15] =	ssyncadd.s32 $0xFFFFD800  }
0x46: {  	_ =	swait.ge [sflag:s16], $0x2800  }
0x47: {  	[sflag:s16] =	ssyncset.done $0x0  }
0x48: {  	[sflag:s16] =	ssyncadd.s32 $0xFFFFD800  }
0x49: {  	[bflag:$0x0] =	sbarrier.arrive $0xFFFF  }
0x4a: {  	[tilespmem:s18], [sflag:$0x1] =	stream.indirect.gather [hbm4b:s4+s17], $0x10, s11, s17, $0xb8;
	[tilespmem:$0xB600] =	vst v63  }
0x4b: {  	s29 =	simm.s32 $0x80  }
0x4c: {  	[tilespmem:s20], [sflag:$0x2] =	stream.indirect.gather [hbm4b:s4+s17], $0x10, s29, s17, $0xb8;
	[tilespmem:$0xB600] =	vst v63  }
0x4d: {  	s5 =	simm.s32 $0x100  }
0x4e: {  	[tilespmem:s22], [sflag:$0x3] =	stream.indirect.gather [hbm4b:s4+s17], $0x10, s5, s17, $0xb8;
	[tilespmem:$0xB600] =	vst v63  }
0x4f: {  	s12 =	simm.s32 $0x180  }
0x50: {  	[tilespmem:s24], [sflag:$0x4] =	stream.indirect.gather [hbm4b:s4+s17], $0x10, s12, s17, $0xb8;
	[tilespmem:$0xB600] =	vst v63  }
0x51: {  	_ =	swait.ge [sflag:s14], $0x7D0  }
0x52: {  	[sflag:s14] =	ssyncset.done $0x0  }
0x53: {  	[sflag:s14] =	ssyncadd.s32 $0xFFFFF830  }
0x54: {  	[spmem:s2] =	stream.indirect.scatter.add.f32 [tilespmem:s18], [sflag:$0x9], $0x10, s21, s17, $0xb8;
	[tilespmem:$0xB600] =	vst v63  }
0x55: {  	s21 =	simm.s32 $0x200  }
0x56: {  	[tilespmem:s26], [sflag:$0x5] =	stream.indirect.gather [hbm4b:s4+s17], $0x10, s21, s17, $0xb8;
	[tilespmem:$0xB600] =	vst v63  }
0x57: {  	_ =	swait.ge [sflag:s15], $0x7D0  }
0x58: {  	[sflag:s15] =	ssyncset.done $0x0  }
0x59: {  	s29 =	simm.s32 $0x2880;
	[sflag:s15] =	ssyncadd.s32 $0xFFFFF830  }
0x5a: {  	[spmem:s2] =	stream.indirect.scatter.add.f32 [tilespmem:s20], [sflag:$0xA], $0x10, s29, s17, $0xb8;
	[tilespmem:$0xB600] =	vst v63  }
0x5b: {  	s5 =	simm.s32 $0x280  }
0x5c: {  	[tilespmem:s30], [sflag:$0x6] =	stream.indirect.gather [hbm4b:s4+s17], $0x10, s5, s17, $0xb8;
	[tilespmem:$0xB600] =	vst v63  }
0x5d: {  	_ =	swait.ge [sflag:s16], $0x7D0  }
0x5e: {  	[sflag:s16] =	ssyncset.done $0x0  }
0x5f: {  	s11 =	simm.s32 $0x2900;
	[sflag:s16] =	ssyncadd.s32 $0xFFFFF830  }
0x60: {  	[spmem:s2] =	stream.indirect.scatter.add.f32 [tilespmem:s22], [sflag:$0xB], $0x10, s11, s17, $0xb8;
	[tilespmem:$0xB600] =	vst v63  }
0x61: {  	s12 =	simm.s32 $0x300  }
0x62: {  	[tilespmem:s1], [sflag:$0x7] =	stream.indirect.gather [hbm4b:s4+s17], $0x10, s12, s17, $0xb8;
	[tilespmem:$0xB600] =	vst v63  }
0x63: {  	_ =	swait.ge [sflag:s19], $0x7D0  }
0x64: {  	[sflag:s19] =	ssyncset.done $0x0  }
0x65: {  	s21 =	simm.s32 $0x2980;
	[sflag:s19] =	ssyncadd.s32 $0xFFFFF830  }
0x66: {  	[spmem:s2] =	stream.indirect.scatter.add.f32 [tilespmem:s24], [sflag:$0xC], $0x10, s21, s17, $0xb8;
	[tilespmem:$0xB600] =	vst v63  }
0x67: {  	s29 =	simm.s32 $0x380  }
0x68: {  	[tilespmem:s25], [sflag:$0x8] =	stream.indirect.gather [hbm4b:s4+s17], $0x10, s29, s17, $0xb8;
	[tilespmem:$0xB600] =	vst v63  }
0x69: {  	_ =	swait.ge [sflag:s28], $0x7D0  }
0x6a: {  	[sflag:s28] =	ssyncset.done $0x0  }
0x6b: {  	s5 =	simm.s32 $0x2A00;
	[sflag:s28] =	ssyncadd.s32 $0xFFFFF830  }
0x6c: {  	[spmem:s2] =	stream.indirect.scatter.add.f32 [tilespmem:s26], [sflag:$0xD], $0x10, s5, s17, $0xb8;
	[tilespmem:$0xB600] =	vst v63  }
0x6d: {  	_ =	swait.ge [sflag:s31], $0x7D0  }
0x6e: {  	[sflag:s31] =	ssyncset.done $0x0  }
0x6f: {  	s11 =	simm.s32 $0x400;
	s12 =	simm.s32 $0x6;
	[sflag:s31] =	ssyncadd.s32 $0xFFFFF830  }
0x70: {  	[tilespmem:s18], [sflag:$0x1] =	stream.indirect.gather [hbm4b:s4+s17], $0x10, s11, s17, $0xb8;
	[tilespmem:$0xB600] =	vst v63  }
0x71: {  	_ =	swait.ge [sflag:s12], $0x7D0  }
0x72: {  	[sflag:s12] =	ssyncset.done $0x0  }
0x73: {  	s21 =	simm.s32 $0x2A80;
	s29 =	simm.s32 $0xA;
	[sflag:s12] =	ssyncadd.s32 $0xFFFFF830  }
0x74: {  	[spmem:s2] =	stream.indirect.scatter.add.f32 [tilespmem:s30], [sflag:$0xE], $0x10, s21, s17, $0xb8;
	[tilespmem:$0xB600] =	vst v63  }
0x75: {  	_ =	swait.ge [sflag:s29], $0x7D0  }
0x76: {  	[sflag:s29] =	ssyncset.done $0x0  }
0x77: {  	s5 =	simm.s32 $0x480;
	[sflag:s29] =	ssyncadd.s32 $0xFFFFF830  }
0x78: {  	[tilespmem:s20], [sflag:$0x2] =	stream.indirect.gather [hbm4b:s4+s17], $0x10, s5, s17, $0xb8;
	[tilespmem:$0xB600] =	vst v63  }
0x79: {  	_ =	swait.ge [sflag:s23], $0x7D0  }
0x7a: {  	[sflag:s23] =	ssyncset.done $0x0  }
0x7b: {  	s11 =	simm.s32 $0x2B00;
	[sflag:s23] =	ssyncadd.s32 $0xFFFFF830  }
0x7c: {  	[spmem:s2] =	stream.indirect.scatter.add.f32 [tilespmem:s1], [sflag:$0xF], $0x10, s11, s17, $0xb8;
	[tilespmem:$0xB600] =	vst v63  }
0x7d: {  	_ =	swait.ge [sflag:s0], $0x7D0  }
0x7e: {  	[sflag:s0] =	ssyncset.done $0x0  }
0x7f: {  	s12 =	simm.s32 $0x500;
	[sflag:s0] =	ssyncadd.s32 $0xFFFFF830  }
0x80: {  	[tilespmem:s22], [sflag:$0x3] =	stream.indirect.gather [hbm4b:s4+s17], $0x10, s12, s17, $0xb8;
	[tilespmem:$0xB600] =	vst v63  }
0x81: {  	_ =	swait.ge [sflag:s6], $0x7D0  }
0x82: {  	[sflag:s6] =	ssyncset.done $0x0  }
0x83: {  	s21 =	simm.s32 $0x2B80;
	[sflag:s6] =	ssyncadd.s32 $0xFFFFF830  }
0x84: {  	[spmem:s2] =	stream.indirect.scatter.add.f32 [tilespmem:s25], [sflag:$0x10], $0x10, s21, s17, $0xb8;
	[tilespmem:$0xB600] =	vst v63  }
0x85: {  	_ =	swait.ge [sflag:s7], $0x7D0  }
0x86: {  	[sflag:s7] =	ssyncset.done $0x0  }
0x87: {  	s3 =	simm.s32 $0x0;
	s29 =	simm.s32 $0x580;
	[sflag:s7] =	ssyncadd.s32 $0xFFFFF830  }
0x88: {  	[tilespmem:s24], [sflag:$0x4] =	stream.indirect.gather [hbm4b:s4+s17], $0x10, s29, s17, $0xb8;
	[tilespmem:$0xB600] =	vst v63  }
.LBB2_2:
0x89: {  	_ =	swait.ge [sflag:s14], $0x7D0  }
0x8a: {  	s21 =	sshra.s32 s3, $0x2;
	[sflag:s14] =	ssyncset.done $0x0  }
0x8b: {  	s29 =	sadd.s32 $0x2C00, s21;
	[sflag:s14] =	ssyncadd.s32 $0xFFFFF830  }
0x8c: {  	[spmem:s2] =	stream.indirect.scatter.add.f32 [tilespmem:s18], [sflag:$0x9], $0x10, s29, s17, $0xb8;
	[tilespmem:$0xB600] =	vst v63  }
0x8d: {  	_ =	swait.ge [sflag:s8], $0x7D0  }
0x8e: {  	[sflag:s8] =	ssyncset.done $0x0  }
0x8f: {  	s29 =	sadd.s32 $0x600, s21;
	[sflag:s8] =	ssyncadd.s32 $0xFFFFF830  }
0x90: {  	[tilespmem:s26], [sflag:$0x5] =	stream.indirect.gather [hbm4b:s4+s17], $0x10, s29, s17, $0xb8;
	[tilespmem:$0xB600] =	vst v63  }
0x91: {  	_ =	swait.ge [sflag:s15], $0x7D0  }
0x92: {  	[sflag:s15] =	ssyncset.done $0x0  }
0x93: {  	s29 =	sadd.s32 $0x2C80, s21;
	[sflag:s15] =	ssyncadd.s32 $0xFFFFF830  }
0x94: {  	[spmem:s2] =	stream.indirect.scatter.add.f32 [tilespmem:s20], [sflag:$0xA], $0x10, s29, s17, $0xb8;
	[tilespmem:$0xB600] =	vst v63  }
0x95: {  	_ =	swait.ge [sflag:s13], $0x7D0  }
0x96: {  	[sflag:s13] =	ssyncset.done $0x0  }
0x97: {  	s29 =	sadd.s32 $0x680, s21;
	[sflag:s13] =	ssyncadd.s32 $0xFFFFF830  }
0x98: {  	[tilespmem:s30], [sflag:$0x6] =	stream.indirect.gather [hbm4b:s4+s17], $0x10, s29, s17, $0xb8;
	[tilespmem:$0xB600] =	vst v63  }
0x99: {  	_ =	swait.ge [sflag:s16], $0x7D0  }
0x9a: {  	[sflag:s16] =	ssyncset.done $0x0  }
0x9b: {  	s29 =	sadd.s32 $0x2D00, s21;
	[sflag:s16] =	ssyncadd.s32 $0xFFFFF830  }
0x9c: {  	[spmem:s2] =	stream.indirect.scatter.add.f32 [tilespmem:s22], [sflag:$0xB], $0x10, s29, s17, $0xb8;
	[tilespmem:$0xB600] =	vst v63  }
0x9d: {  	_ =	swait.ge [sflag:s9], $0x7D0  }
0x9e: {  	[sflag:s9] =	ssyncset.done $0x0  }
0x9f: {  	s29 =	sadd.s32 $0x700, s21;
	[sflag:s9] =	ssyncadd.s32 $0xFFFFF830  }
0xa0: {  	[tilespmem:s1], [sflag:$0x7] =	stream.indirect.gather [hbm4b:s4+s17], $0x10, s29, s17, $0xb8;
	[tilespmem:$0xB600] =	vst v63  }
0xa1: {  	_ =	swait.ge [sflag:s19], $0x7D0  }
0xa2: {  	[sflag:s19] =	ssyncset.done $0x0  }
0xa3: {  	s29 =	sadd.s32 $0x2D80, s21;
	[sflag:s19] =	ssyncadd.s32 $0xFFFFF830  }
0xa4: {  	[spmem:s2] =	stream.indirect.scatter.add.f32 [tilespmem:s24], [sflag:$0xC], $0x10, s29, s17, $0xb8;
	[tilespmem:$0xB600] =	vst v63  }
0xa5: {  	_ =	swait.ge [sflag:s10], $0x7D0  }
0xa6: {  	[sflag:s10] =	ssyncset.done $0x0  }
0xa7: {  	s29 =	sadd.s32 $0x780, s21;
	[sflag:s10] =	ssyncadd.s32 $0xFFFFF830  }
0xa8: {  	[tilespmem:s25], [sflag:$0x8] =	stream.indirect.gather [hbm4b:s4+s17], $0x10, s29, s17, $0xb8;
	[tilespmem:$0xB600] =	vst v63  }
0xa9: {  	_ =	swait.ge [sflag:s28], $0x7D0  }
0xaa: {  	[sflag:s28] =	ssyncset.done $0x0  }
0xab: {  	s29 =	sadd.s32 $0x2E00, s21;
	[sflag:s28] =	ssyncadd.s32 $0xFFFFF830  }
0xac: {  	[spmem:s2] =	stream.indirect.scatter.add.f32 [tilespmem:s26], [sflag:$0xD], $0x10, s29, s17, $0xb8;
	[tilespmem:$0xB600] =	vst v63  }
0xad: {  	_ =	swait.ge [sflag:s31], $0x7D0  }
0xae: {  	p0 =	seq.s32 s3, $0x8000;
	[sflag:s31] =	ssyncset.done $0x0  }
0xaf: {  	s29 =	simm.s32 @p0 $0x6;
	[sflag:s31] =	ssyncadd.s32 $0xFFFFF830  }
0xb0: {  	_ =	swait.ge @p0 [sflag:s29], $0x7D0  }
0xb1: {  	[sflag:s29] =	ssyncset.done @p0 $0x0  }
0xb2: {  	[sflag:s29] =	ssyncadd.s32 @p0 $0xFFFFF830;
	s29 =	sshra.s32 @p0 s3, $0x2  }
0xb3: {  	s11 =	simm.s32 @p0 $0x7D;
	s12 =	simm.s32 @p0 $0x9E90;
	s29 =	sadd.s32 @p0 $0x2E80, s29  }
0xb4: {  	[spmem:s2] =	stream.indirect.scatter.add.f32 @p0 [tilespmem:s12], [sflag:$0xE], $0x10, s29, s11, $0xb8;
	[tilespmem:$0xB600] =	vst v63  }
0xb5: {  	s11 =	simm.s32 @p0 $0xA  }
0xb6: {  	_ =	swait.ge @p0 [sflag:s11], $0x7D0  }
0xb7: {  	[sflag:s11] =	ssyncset.done @p0 $0x0  }
0xb8: {  	[sflag:s11] =	ssyncadd.s32 @p0 $0xFFFFF830;
	s11 =	sshra.s32 @!p0 s3, $0x2  }
0xb9: {  	s5 =	simm.s32 @!p0 $0x7780;
	s29 =	simm.s32 @!p0 $0x7D;
	s12 =	sadd.s32 @!p0 $0x800, s11  }
0xba: {  	[tilespmem:s5], [sflag:$0x1] =	stream.indirect.gather @!p0 [hbm4b:s4+s29], $0x10, s12, s29, $0xb8;
	[tilespmem:$0xB600] =	vst v63  }
0xbb: {  	s5 =	simm.s32 @!p0 $0x6  }
0xbc: {  	_ =	swait.ge @!p0 [sflag:s5], $0x7D0  }
0xbd: {  	[sflag:s5] =	ssyncset.done @!p0 $0x0  }
0xbe: {  	s12 =	simm.s32 @!p0 $0x9E90;
	[sflag:s5] =	ssyncadd.s32 @!p0 $0xFFFFF830;
	s5 =	sadd.s32 @!p0 $0x2E80, s11  }
0xbf: {  	[spmem:s2] =	stream.indirect.scatter.add.f32 @!p0 [tilespmem:s12], [sflag:$0xE], $0x10, s5, s29, $0xb8;
	[tilespmem:$0xB600] =	vst v63  }
0xc0: {  	s5 =	simm.s32 @!p0 $0xA  }
0xc1: {  	_ =	swait.ge @!p0 [sflag:s5], $0x7D0  }
0xc2: {  	[sflag:s5] =	ssyncset.done @!p0 $0x0  }
0xc3: {  	[sflag:s5] =	ssyncadd.s32 @!p0 $0xFFFFF830;
	s5 =	sadd.s32 @!p0 $0x880, s11;
	s11 =	simm.s32 @!p0 $0x7F50  }
0xc4: {  	[tilespmem:s11], [sflag:$0x2] =	stream.indirect.gather @!p0 [hbm4b:s4+s29], $0x10, s5, s29, $0xb8;
	[tilespmem:$0xB600] =	vst v63  }
0xc5: {  	_ =	swait.ge [sflag:s23], $0x7D0  }
0xc6: {  	[sflag:s23] =	ssyncset.done $0x0  }
.Ltmp2:
0xc7: {  	s12 =	sadd.s32 $0x2F00, s21;
	[sflag:s23] =	ssyncadd.s32 $0xFFFFF830;
	(pc) =	sbr.rel @p0 .LBB2_4-.Ltmp2, $4  }
0xc8: {  	[spmem:s2] =	stream.indirect.scatter.add.f32 [tilespmem:s1], [sflag:$0xF], $0x10, s12, s17, $0xb8;
	[tilespmem:$0xB600] =	vst v63  }
0xc9: {  	_ =	swait.ge [sflag:s0], $0x7D0  }
0xca: {  	[sflag:s0] =	ssyncset.done $0x0  }
0xcb: {  	s29 =	sadd.s32 $0x2F80, s21;
	[sflag:s0] =	ssyncadd.s32 $0xFFFFF830  }
0xcc: {  	s5 =	sadd.s32 $0x900, s21  }
0xcd: {  	[tilespmem:s22], [sflag:$0x3] =	stream.indirect.gather [hbm4b:s4+s17], $0x10, s5, s17, $0xb8;
	[tilespmem:$0xB600] =	vst v63  }
0xce: {  	_ =	swait.ge [sflag:s6], $0x7D0  }
0xcf: {  	[sflag:s6] =	ssyncset.done $0x0  }
0xd0: {  	[sflag:s6] =	ssyncadd.s32 $0xFFFFF830  }
0xd1: {  	[spmem:s2] =	stream.indirect.scatter.add.f32 [tilespmem:s25], [sflag:$0x10], $0x10, s29, s17, $0xb8;
	[tilespmem:$0xB600] =	vst v63  }
.Ltmp3:
0xd2: {  	_ = 	snop;
	(pc) =	sbr.rel .LBB2_2-.Ltmp3, $4  }
0xd3: {  	_ =	swait.ge [sflag:s7], $0x7D0  }
0xd4: {  	[sflag:s7] =	ssyncset.done $0x0  }
0xd5: {  	s3 =	sadd.s32 $0x1000, s3;
	s29 =	sadd.s32 $0x980, s21;
	[sflag:s7] =	ssyncadd.s32 $0xFFFFF830  }
0xd6: {  	[tilespmem:s24], [sflag:$0x4] =	stream.indirect.gather [hbm4b:s4+s17], $0x10, s29, s17, $0xb8;
	[tilespmem:$0xB600] =	vst v63  }
.LBB2_5:
0xd7: {  	_ =	sfence.sel $0x180000  }
0xd8: {  	[bflag:$0x0] =	sbarrier.arrive $0xFFFF  }
0xd9: {  	_ =	strace $0x9000004A  }
0xda: {  	s0 =	stileid.u32;
	[bflag:$0x2] =	sbarrier.arrive $0xFFFF  }
0xdb: {  	p0 =	sne.s32 s0, $0x0;
	s0 =	rddreg [dreg:$0x2]  }
0xdc: {  	s0 =	sadd.s32 @!p0 $0x100000, s0  }
0xdd: {  	[sflag:s0] =	ssyncadd.tile.s32 @!p0 $0x1;
	_ =	shalt  }
.Lfunc_end2:
_tile_overlayer_lowered:
.L_overlay_start_2:
0xde: {  	(tag) =	ssettag $0x2  }
0xdf: {  	s0 =	rddreg [dreg:$0x0];
	s2 =	stileid.u32  }
0xe0: {  	s1 =	rddreg [dreg:$0x1];
	p0 =	sne.s32 s2, $0x0  }
0xe1: {  	s3 =	rddreg [dreg:$0x2];
	[bflag:$0x3] =	sbarrier.arrive $0xFFFF;
	s2 =	simm.s32 @!p0 $0x1C11  }
0xe2: {  	[timem:s3], [sflag:s2] =	dma.local @!p0 [hbm:s0], s1  }
0xe3: {  	s0 =	simm.s32 @!p0 $0x11  }
0xe4: {  	_ =	swait.ge @!p0 [sflag:s0], s1  }
0xe5: {  	s1 =	ssub.s32 @!p0 $0x0, s1;
	[sflag:s0] =	ssyncset.done @!p0 $0x0  }
0xe6: {  	[sflag:s0] =	ssyncadd.s32 @!p0 s1  }
0xe7: {  	[bflag:$0x3] =	sbarrier.arrive $0xFFFF  }
0xe8: {  	_ =	shalt  }

// kernel: kernel.7.cloned.1.call-start
scs
__scs_entry_jumppad:
0x0: {  	(pc) =	sbr.rel $0x88, $3  }
0x1: {  	(tag) =	ssettag $0x0;
	lr =	simm.s32 $0x1  }
0x2: {  	[smem:$0x3F99] =	sst lr;
	_ =	strace $0xD0000000  }
0x3: {  	_ = 	snop  }
0x4: {  	_ = 	snop  }
0x5: {  	_ = 	snop  }
0x6: {  	_ = 	snop  }
0x7: {  	_ = 	snop  }
__scs_overlays_trampoline_lowered:
0x8: {  	[smem:$0x3FA8] =	sst s0  }
0x9: {  	[smem:$0x3FA9] =	sst s1  }
0xa: {  	[smem:$0x3FAA] =	sst s2  }
0xb: {  	[smem:$0x3FAB] =	sst s3  }
0xc: {  	[smem:$0x3FAC] =	sst s4  }
0xd: {  	[smem:$0x3FAD] =	sst s5  }
0xe: {  	[smem:$0x3FAE] =	sst s6  }
0xf: {  	[smem:$0x3FAF] =	sst s7  }
0x10: {  	[smem:$0x3FB0] =	sst s8  }
0x11: {  	[smem:$0x3FB1] =	sst s9;
	s0 =	simm.s32 @!p0 $0x0  }
0x12: {  	s1 =	sld [smem:$0x3F97];
	s0 =	simm.s32 @p0 $0x1  }
0x13: {  	[smem:$0x3FB2] =	sst s0;
	s0 =	simm.s32 @!p1 $0x0  }
0x14: {  	s2 =	sld [smem:$0x3F96];
	s0 =	simm.s32 @p1 $0x1  }
0x15: {  	[smem:$0x3FB3] =	sst s0;
	s0 =	simm.s32 @!p2 $0x0  }
0x16: {  	s3 =	sld [smem:$0x3FDB];
	s0 =	simm.s32 @p2 $0x1  }
0x17: {  	s4 =	simm.s32 $0x1BF5;
	[smem:$0x3FB5] =	sst s0  }
0x18: {  	s0 =	sld [smem:$0x3F98];
	_ =	swait.ge [sflag:s4], $0x0  }
0x19: {  	s7 =	sld [smem:$0x3F99]  }
0x1a: {  	s8 =	sadd.s32 $0xFFFFE003, lr  }
0x1b: {  	s9 =	sadd.s32 $0xFFFFFEF7, lr;
	s5 =	simm.s32 $0xFFFFFFFF;
	p2 =	slt.u32 s8, $0xFFFFF086  }
0x1c: {  	p1 =	slt.u32 s9, $0xF7A;
	s5 =	simm.s32 @!p2 $0x0  }
0x1d: {  	s5 =	simm.s32 @p1 $0x1;
	p0 =	seq.s32 s7, s2  }
0x1e: {  	s7 =	smul.u32 @!p0 $0xF7A, s2;
	p2 =	seq.s32 @!p0 s5, $0x0  }
0x1f: {  	s9 =	smul.u32 $0xF7A, s1;
	s8 =	simm.s32 @!p0 $0x1BF5;
	p2 =	por !p2, p0  }
0x20: {  	[sflag:s8] =	ssyncset.s32 @!p0 $0xFFFFF086;
	s6 =	sadd.s32 @!p0 s3, s7;
	s7 =	simm.s32 @!p0 $0x108  }
0x21: {  	s3 =	sadd.s32 s3, s9;
	s6 =	sadd.s32 @!p0 $0x88, s6;
	s7 =	simm.s32 @p2 $0x1082  }
0x22: {  	[simem:s7], [sflag:s8] =	dma.local @!p0 [hbm:s6], $0xF7A  }
0x23: {  	s9 =	sor.u32 $0xD0000000, s2;
	s6 =	simm.s32 $0x108;
	_ =	swait.ge @!p0 [sflag:s8], $0x0  }
0x24: {  	s3 =	sadd.s32 $0x88, s3;
	s6 =	simm.s32 @!p1 $0x1082;
	[sflag:s4] =	ssyncset.s32 $0xFFFFF086  }
0x25: {  	[simem:s6], [sflag:s4] =	dma.local [hbm:s3], $0xF7A  }
0x26: {  	[smem:$0x3F99] =	sst s1;
	(tag) =	ssettag s2;
	_ =	strace s9  }
0x27: {  	s1 =	sld [smem:$0x3FA9]  }
0x28: {  	s2 =	sld [smem:$0x3FAA]  }
0x29: {  	s4 =	sld [smem:$0x3FAC]  }
0x2a: {  	p0 =	seq.s32 s5, $0x0;
	s5 =	sld [smem:$0x3FAD]  }
0x2b: {  	s6 =	sld [smem:$0x3FAE]  }
0x2c: {  	s7 =	sld [smem:$0x3FAF]  }
0x2d: {  	s3 =	simm.s32 $0x108;
	s8 =	sld [smem:$0x3FB0]  }
0x2e: {  	s3 =	simm.s32 @!p0 $0x1082;
	s9 =	sld [smem:$0x3FB1]  }
0x2f: {  	lr =	sadd.s32 s0, s3;
	s0 =	sld [smem:$0x3FA8]  }
0x30: {  	s3 =	sld [smem:$0x3FAB]  }
0x31: {  	[smem:$0x3FB4] =	sst s10  }
0x32: {  	s10 =	sld [smem:$0x3FB2];
	_ =	sdelay $0x3  }
0x33: {  	p0 =	seq.s32 s10, $0x1;
	s10 =	sld [smem:$0x3FB4];
	_ =	sdelay $0x3  }
0x34: {  	[smem:$0x3FB4] =	sst s10  }
0x35: {  	s10 =	sld [smem:$0x3FB3];
	_ =	sdelay $0x3  }
0x36: {  	p1 =	seq.s32 s10, $0x1;
	s10 =	sld [smem:$0x3FB4];
	_ =	sdelay $0x3  }
0x37: {  	[smem:$0x3FB4] =	sst s10  }
0x38: {  	s10 =	sld [smem:$0x3FB5]  }
0x39: {  	_ = 	snop;
	(pc) =	sbr.ind lr, $3  }
0x3a: {  	_ = 	snop  }
0x3b: {  	_ = 	snop  }
0x3c: {  	p2 =	seq.s32 s10, $0x1;
	s10 =	sld [smem:$0x3FB4]  }
0x3d: {  	_ =	shalt  }
0x3e: {  	_ =	shalt  }
0x3f: {  	_ =	shalt  }
0x40: {  	_ =	shalt  }
0x41: {  	_ =	shalt  }
0x42: {  	_ =	shalt  }
0x43: {  	_ =	shalt  }
0x44: {  	_ =	shalt  }
0x45: {  	_ =	shalt  }
0x46: {  	_ =	shalt  }
0x47: {  	_ =	shalt  }
0x48: {  	_ =	shalt  }
0x49: {  	_ =	shalt  }
0x4a: {  	_ =	shalt  }
0x4b: {  	_ =	shalt  }
0x4c: {  	_ =	shalt  }
0x4d: {  	_ =	shalt  }
0x4e: {  	_ =	shalt  }
0x4f: {  	_ =	shalt  }
0x50: {  	_ =	shalt  }
0x51: {  	_ =	shalt  }
0x52: {  	_ =	shalt  }
0x53: {  	_ =	shalt  }
0x54: {  	_ =	shalt  }
0x55: {  	_ =	shalt  }
0x56: {  	_ =	shalt  }
0x57: {  	_ =	shalt  }
0x58: {  	_ =	shalt  }
0x59: {  	_ =	shalt  }
0x5a: {  	_ =	shalt  }
0x5b: {  	_ =	shalt  }
0x5c: {  	_ =	shalt  }
0x5d: {  	_ =	shalt  }
0x5e: {  	_ =	shalt  }
0x5f: {  	_ =	shalt  }
0x60: {  	_ =	shalt  }
0x61: {  	_ =	shalt  }
0x62: {  	_ =	shalt  }
0x63: {  	_ =	shalt  }
0x64: {  	_ =	shalt  }
0x65: {  	_ =	shalt  }
0x66: {  	_ =	shalt  }
0x67: {  	_ =	shalt  }
0x68: {  	_ =	shalt  }
0x69: {  	_ =	shalt  }
0x6a: {  	_ =	shalt  }
0x6b: {  	_ =	shalt  }
0x6c: {  	_ =	shalt  }
0x6d: {  	_ =	shalt  }
0x6e: {  	_ =	shalt  }
0x6f: {  	_ =	shalt  }
0x70: {  	_ =	shalt  }
0x71: {  	_ =	shalt  }
0x72: {  	_ =	shalt  }
0x73: {  	_ =	shalt  }
0x74: {  	_ =	shalt  }
0x75: {  	_ =	shalt  }
0x76: {  	_ =	shalt  }
0x77: {  	_ =	shalt  }
0x78: {  	_ =	shalt  }
0x79: {  	_ =	shalt  }
0x7a: {  	_ =	shalt  }
0x7b: {  	_ =	shalt  }
0x7c: {  	_ =	shalt  }
0x7d: {  	_ =	shalt  }
0x7e: {  	_ =	shalt  }
0x7f: {  	_ =	shalt  }
0x80: {  	_ =	shalt  }
0x81: {  	_ =	shalt  }
0x82: {  	_ =	shalt  }
0x83: {  	_ =	shalt  }
0x84: {  	_ =	shalt  }
0x85: {  	_ =	shalt  }
0x86: {  	_ =	shalt  }
0x87: {  	_ =	shalt  }
.Lfunc_end0:
.L_simem_size_0:
called_computation_lowered:
.L_overlay_start_0:
0x88: {  	s2 =	sld [smem:$0x3FD9]  }
0x89: {  	s3 =	sld [smem:$0x3FFE];
	_ =	sdelay $0x1  }
0x8a: {  	s1 =	srdreg.scid  }
0x8b: {  	s0 =	sand.u32 $0x1, s1  }
0x8c: {  	s16 =	sshll.u32 s0, $0xA;
	s2 =	sadd.s32 s3, s2  }
0x8d: {  	s2 =	sadd.s32 s2, s16  }
0x8e: {  	[smem:$0x3FC0] =	sst s2  }
0x8f: {  	_ = 	snop  }
0x90: {  	(tm) =	ssettm $0x1  }
0x91: {  	s17 =	sld [smem:$0x3FFB];
	_ =	sdelay $0x3  }
0x92: {  	_ =	strace s17  }
0x93: {  	s2 =	sld [smem:$0x3FFC];
	_ =	sdelay $0x3  }
0x94: {  	_ =	strace s2  }
0x95: {  	s2 =	sld [smem:$0x3FFD];
	_ =	sdelay $0x3  }
0x96: {  	_ =	strace s2  }
0x97: {  	_ =	strace $0x8FFFFFFF  }
0x98: {  	s18 =	sld [smem:$0x3FDB];
	_ =	sdelay $0x1  }
0x99: {  	s19 =	simm.s32 $_scs_section_size  }
0x9a: {  	s4 =	simm.s32 $_size__tile_overlayer_lowered;
	s5 =	simm.s32 $_tile_overlayer_lowered  }
0x9b: {  	s22 =	simm.s32 $0x1BFF;
	s21 =	sshll.u32 s5, $0x1;
	s2 =	sadd.s32 s19, s18  }
0x9c: {  	s6 =	simm.s32 $0x0;
	s20 =	sshll.u32 s4, $0x1;
	s4 =	sadd.s32 s21, s2  }
0x9d: {  	[timem:s6], [sflag:s22] =	dma.local [hbm:s4], s20  }
0x9e: {  	_ =	swait.ge [sflag:s22], s20  }
0x9f: {  	s3 =	ssub.s32 $0x0, s20;
	[sflag:s22] =	ssyncset.done $0x0  }
0xa0: {  	[sflag:s22] =	ssyncadd.s32 s3;
	_ =	sdelay $0x1  }
0xa1: {  	s23 =	simm.s32 $0x1B8B  }
0xa2: {  	_ =	swait.ge [sflag:s23], $0x1  }
0xa3: {  	[sflag:s23] =	ssyncset.done $0x0  }
0xa4: {  	s25 =	simm.s32 $0x1B8E;
	s24 =	sld [smem:$0x3FFE];
	[sflag:s23] =	ssyncadd.s32 $0xFFFFFFFF  }
0xa5: {  	s26 =	simm.s32 $execute0_lowered;
	[smem:$0x3FD2] =	sst s25  }
0xa6: {  	s4 =	sshll.u32 s26, $0x1;
	_ =	strace $0x80000046;
	[dreg:$0x1] =	wrdreg $0xFFFFFFFF  }
0xa7: {  	s28 =	simm.s32 $_size_execute0_lowered;
	s2 =	sadd.s32 s2, s4;
	[dreg:$0x0] =	wrdreg $0x0  }
0xa8: {  	s4 =	sshll.u32 s28, $0x1;
	[dreg:$0x2] =	wrdreg s2  }
0xa9: {  	[dreg:$0x3] =	wrdreg s4  }
0xaa: {  	[dreg:$0x4] =	wrdreg $0xC0  }
0xab: {  	_ =	task [dreg:s6], $0x5FFFF  }
0xac: {  	[dreg:$0x1] =	wrdreg $0xFFFFFFFF  }
0xad: {  	[dreg:$0x0] =	wrdreg $0x60  }
0xae: {  	[dreg:$0x2] =	wrdreg s24  }
0xaf: {  	[dreg:$0x3] =	wrdreg $0x50000  }
0xb0: {  	[dreg:$0x4] =	wrdreg $0x9  }
0xb1: {  	_ =	task.clear_ibuf [dreg:s6], $0x5FFFF;
	_ =	strace $0x90000046  }
0xb2: {  	s29 =	simm.s32 $0x9;
	_ =	strace $0x80000048  }
0xb3: {  	_ =	swait.ge [sflag:s29], $0x1  }
0xb4: {  	[sflag:s29] =	ssyncadd.s32 $0xFFFFFFFF  }
0xb5: {  	_ =	strace $0x90000048  }
0xb6: {  	_ =	sfence  }
0xb7: {  	s30 =	sld [smem:$0x0];
	_ =	sdelay $0x2  }
0xb8: {  	s31 =	sshll.u32 s1, $0xD;
	s1 =	sshrl.u32 s1, $0x2  }
0xb9: {  	s3 =	sand.u32 $0x4000, s31;
	s1 =	sadd.s32 s1, s30  }
0xba: {  	s0 =	sor.u32 s3, s0;
	s1 =	sshll.u32 s1, $0x11  }
0xbb: {  	s0 =	sor.u32 s1, s0  }
0xbc: {  	s0 =	sadd.s32 $0x8F2B, s0  }
0xbd: {  	[sflag:s0] =	ssyncadd.remote.s32 $0x1  }
0xbe: {  	_ =	sfence.sel $0xFFFF  }
0xbf: {  	[dreg:$0x0] =	wrdreg $0xFFFFFFFF;
	(pc) =	sbr.abs _section_cstart, $3  }
0xc0: {  	[dreg:$0x1] =	wrdreg $0xFFFFFFFF  }
0xc1: {  	_ =	task.clear_ibuf [dreg:s6], $0x2FFFF;
	_ =	strace $0x9FFFFFFF  }
0xc2: {  	(tm) =	ssettm $0x7FFFFFFF  }
0xc3: {  	_ =	shalt  }
tec
execute0_lowered:
.L_overlay_start_1:
0x0: {  	(tag) =	ssettag $0x1  }
0x1: {  	s0 =	rddreg [dreg:$0x0]  }
0x2: {  	s2 =	rddreg [dreg:$0x1];
	s9 =	stileid.u32  }
0x3: {  	s4 =	simm.s32 $0x0;
	s1 =	srdreg.scid;
	s14 =	simm.s32 $0x1  }
0x4: {  	s15 =	simm.s32 $0x2;
	s16 =	simm.s32 $0x3;
	s17 =	simm.s32 $0x7D  }
0x5: {  	s18 =	simm.s32 $0x7780;
	s20 =	simm.s32 $0x7F50;
	s30 =	simm.s32 $0x9E90  }
0x6: {  	s19 =	simm.s32 $0x4;
	s28 =	simm.s32 $0x5;
	s31 =	simm.s32 $0x9  }
0x7: {  	s13 =	simm.s32 $0xE;
	s10 =	simm.s32 $0x10;
	s12 =	simm.s32 $0x0  }
0x8: {  	s3 =	smul.u32 $0x500, s9;
	[smem:$0x7FF] =	sst s4;
	s1 =	sand.u32 $0x1, s1  }
0x9: {  	s6 =	smul.u32 $0x2780, s9;
	s4 =	sadd.s32 $0x1400, s0;
	s22 =	sshll.u32 s9, $0x6  }
0xa: {  	s9 =	simm.s32 $0xF;
	p0 =	seq.s32 s1, $0x0;
	s21 =	smul.u32 $0x27800, s1  }
0xb: {  	_ =	strace $0x80000047;
	s1 =	ssub.s32 $0x2, s1;
	[dreg:$0x3] =	wrdreg s22  }
0xc: {  	s25 =	sor.u32 $0x1C01, s22;
	s22 =	simm.s32 $0x8720;
	s5 =	sadd.s32 $0x5000, s3  }
0xd: {  	s7 =	sshrl.u32 s6, $0x3;
	s8 =	sshrl.u32 s1, $0x1;
	s23 =	sadd.s32 s6, s2  }
0xe: {  	[dreg:$0x5] =	wrdreg s25;
	s25 =	simm.s32 $0xAE30;
	s5 =	smov.u32 @p0 s3  }
0xf: {  	s3 =	sadd.s32 s6, s21;
	s7 =	sadd.s32 s7, s0;
	s1 =	ssub.s32 s1, s8  }
0x10: {  	s11 =	sshrl.u32 s23, $0x3;
	s23 =	simm.s32 $0x7;
	s6 =	simm.s32 $0x8  }
0x11: {  	s8 =	simm.s32 $0xD;
	s5 =	sadd.s32 s5, s0;
	s3 =	sshrl.u32 s3, $0x3  }
0x12: {  	s24 =	sadd.s32 $0x1A400, s7;
	s29 =	smax.u32 s1, $0x1;
	[dreg:$0xa] =	wrdreg s11  }
.Ltmp0:
0x13: {  	s1 =	simm.s32 $0xA660;
	[dreg:$0x4] =	wrdreg s24;
	(pc) =	sbr.rel .LBB2_1-.Ltmp0, $4  }
0x14: {  	s7 =	simm.s32 $0xC;
	s26 =	sadd.s32 $0x6400, s5;
	[dreg:$0x9] =	wrdreg s29  }
0x15: {  	s0 =	sadd.s32 s3, s0;
	s5 =	sadd.s32 $0x10400, s5;
	[dreg:$0x6] =	wrdreg s26  }
0x16: {  	s24 =	simm.s32 $0x8EF0;
	[dreg:$0x7] =	wrdreg s5;
	s0 =	sadd.s32 $0x1F400, s0  }
0x17: {  	s26 =	simm.s32 $0x96C0;
	[dreg:$0x8] =	wrdreg s0;
	s0 =	simm.s32 $0xB  }
.LBB2_4:
0x18: {  	_ =	swait.ge [sflag:s6], $0x7D0  }
0x19: {  	[sflag:s6] =	ssyncset.done $0x0  }
0x1a: {  	[sflag:s6] =	ssyncadd.s32 $0xFFFFF830  }
0x1b: {  	[spmem:s2] =	stream.indirect.scatter.add.f32 [tilespmem:s25], [sflag:$0x10], $0x10, s29, s17, $0xb8;
	[tilespmem:$0xB600] =	vst v63  }
0x1c: {  	_ =	swait.ge [sflag:s7], $0x7D0  }
0x1d: {  	[sflag:s7] =	ssyncset.done $0x0  }
0x1e: {  	[sflag:s7] =	ssyncadd.s32 $0xFFFFF830  }
0x1f: {  	_ =	swait.ge [sflag:s8], $0x7D0  }
0x20: {  	[sflag:s8] =	ssyncset.done $0x0  }
0x21: {  	[sflag:s8] =	ssyncadd.s32 $0xFFFFF830  }
0x22: {  	_ =	swait.ge [sflag:s13], $0x7D0  }
0x23: {  	[sflag:s13] =	ssyncset.done $0x0  }
0x24: {  	[sflag:s13] =	ssyncadd.s32 $0xFFFFF830  }
0x25: {  	_ =	swait.ge [sflag:s9], $0x7D0  }
0x26: {  	[sflag:s9] =	ssyncset.done $0x0  }
0x27: {  	[sflag:s9] =	ssyncadd.s32 $0xFFFFF830  }
0x28: {  	_ =	swait.ge [sflag:s10], $0x7D0  }
0x29: {  	[sflag:s10] =	ssyncset.done $0x0  }
0x2a: {  	[sflag:s10] =	ssyncadd.s32 $0xFFFFF830  }
0x2b: {  	[bflag:$0x0] =	sbarrier.arrive $0xFFFF  }
0x2c: {  	s3 =	rddreg [dreg:$0x3]  }
0x2d: {  	s5 =	rddreg [dreg:$0x8]  }
0x2e: {  	s21 =	simm.s32 $0x11;
	s11 =	rddreg [dreg:$0xa];
	s3 =	sor.u32 $0x1C11, s3  }
0x2f: {  	[hbm:s5], [sflag:s3] =	dma.local [spmem:s11], $0x4F0  }
0x30: {  	_ =	swait.ge [sflag:s21], $0x4F0  }
0x31: {  	s12 =	rddreg [dreg:$0xb]  }
0x32: {  	s29 =	rddreg [dreg:$0x9];
	s12 =	sadd.s32 $0x1, s12  }
0x33: {  	p0 =	sne.s32 s12, s29  }
.Ltmp1:
0x34: {  	_ = 	snop;
	(pc) =	sbr.rel @!p0 .LBB2_5-.Ltmp1, $3  }
0x35: {  	_ =	sdelay $0x1  }
0x36: {  	[sflag:s21] =	ssyncset.done $0x0  }
0x37: {  	[sflag:s21] =	ssyncadd.s32 $0xFFFFFB10  }
.LBB2_1:
0x38: {  	[dreg:$0xb] =	wrdreg s12  }
0x39: {  	s3 =	rddreg [dreg:$0x4]  }
0x3a: {  	s5 =	rddreg [dreg:$0x5]  }
0x3b: {  	[spmem:s11], [sflag:s5] =	dma.local [hbm:s3], $0x4F0  }
0x3c: {  	s11 =	simm.s32 $0x0;
	s5 =	rddreg [dreg:$0x6]  }
0x3d: {  	[tilespmem:s11], [sflag:$0x2] =	stream.linear.gather [hbm4b:s5+s11], $0x2800, $0x38;
	[tilespmem:$0xB600] =	vst v63  }
0x3e: {  	s21 =	simm.s32 $0x2800;
	s12 =	rddreg [dreg:$0x7]  }
0x3f: {  	[tilespmem:s21], [sflag:$0x3] =	stream.linear.gather [hbm4b:s12+s11], $0x2800, $0x38;
	[tilespmem:$0xB600] =	vst v63  }
0x40: {  	_ =	swait.ge [sflag:s14], $0x4F0  }
0x41: {  	[sflag:s14] =	ssyncset.done $0x0  }
0x42: {  	[sflag:s14] =	ssyncadd.s32 $0xFFFFFB10  }
0x43: {  	_ =	swait.ge [sflag:s15], $0x2800  }
0x44: {  	[sflag:s15] =	ssyncset.done $0x0  }
0x45: {  	[sflag:s15] =	ssyncadd.s32 $0xFFFFD800  }
0x46: {  	_ =	swait.ge [sflag:s16], $0x2800  }
0x47: {  	[sflag:s16] =	ssyncset.done $0x0  }
0x48: {  	[sflag:s16] =	ssyncadd.s32 $0xFFFFD800  }
0x49: {  	[bflag:$0x0] =	sbarrier.arrive $0xFFFF  }
0x4a: {  	[tilespmem:s18], [sflag:$0x1] =	stream.indirect.gather [hbm4b:s4+s17], $0x10, s11, s17, $0xb8;
	[tilespmem:$0xB600] =	vst v63  }
0x4b: {  	s29 =	simm.s32 $0x80  }
0x4c: {  	[tilespmem:s20], [sflag:$0x2] =	stream.indirect.gather [hbm4b:s4+s17], $0x10, s29, s17, $0xb8;
	[tilespmem:$0xB600] =	vst v63  }
0x4d: {  	s5 =	simm.s32 $0x100  }
0x4e: {  	[tilespmem:s22], [sflag:$0x3] =	stream.indirect.gather [hbm4b:s4+s17], $0x10, s5, s17, $0xb8;
	[tilespmem:$0xB600] =	vst v63  }
0x4f: {  	s12 =	simm.s32 $0x180  }
0x50: {  	[tilespmem:s24], [sflag:$0x4] =	stream.indirect.gather [hbm4b:s4+s17], $0x10, s12, s17, $0xb8;
	[tilespmem:$0xB600] =	vst v63  }
0x51: {  	_ =	swait.ge [sflag:s14], $0x7D0  }
0x52: {  	[sflag:s14] =	ssyncset.done $0x0  }
0x53: {  	[sflag:s14] =	ssyncadd.s32 $0xFFFFF830  }
0x54: {  	[spmem:s2] =	stream.indirect.scatter.add.f32 [tilespmem:s18], [sflag:$0x9], $0x10, s21, s17, $0xb8;
	[tilespmem:$0xB600] =	vst v63  }
0x55: {  	s21 =	simm.s32 $0x200  }
0x56: {  	[tilespmem:s26], [sflag:$0x5] =	stream.indirect.gather [hbm4b:s4+s17], $0x10, s21, s17, $0xb8;
	[tilespmem:$0xB600] =	vst v63  }
0x57: {  	_ =	swait.ge [sflag:s15], $0x7D0  }
0x58: {  	[sflag:s15] =	ssyncset.done $0x0  }
0x59: {  	s29 =	simm.s32 $0x2880;
	[sflag:s15] =	ssyncadd.s32 $0xFFFFF830  }
0x5a: {  	[spmem:s2] =	stream.indirect.scatter.add.f32 [tilespmem:s20], [sflag:$0xA], $0x10, s29, s17, $0xb8;
	[tilespmem:$0xB600] =	vst v63  }
0x5b: {  	s5 =	simm.s32 $0x280  }
0x5c: {  	[tilespmem:s30], [sflag:$0x6] =	stream.indirect.gather [hbm4b:s4+s17], $0x10, s5, s17, $0xb8;
	[tilespmem:$0xB600] =	vst v63  }
0x5d: {  	_ =	swait.ge [sflag:s16], $0x7D0  }
0x5e: {  	[sflag:s16] =	ssyncset.done $0x0  }
0x5f: {  	s11 =	simm.s32 $0x2900;
	[sflag:s16] =	ssyncadd.s32 $0xFFFFF830  }
0x60: {  	[spmem:s2] =	stream.indirect.scatter.add.f32 [tilespmem:s22], [sflag:$0xB], $0x10, s11, s17, $0xb8;
	[tilespmem:$0xB600] =	vst v63  }
0x61: {  	s12 =	simm.s32 $0x300  }
0x62: {  	[tilespmem:s1], [sflag:$0x7] =	stream.indirect.gather [hbm4b:s4+s17], $0x10, s12, s17, $0xb8;
	[tilespmem:$0xB600] =	vst v63  }
0x63: {  	_ =	swait.ge [sflag:s19], $0x7D0  }
0x64: {  	[sflag:s19] =	ssyncset.done $0x0  }
0x65: {  	s21 =	simm.s32 $0x2980;
	[sflag:s19] =	ssyncadd.s32 $0xFFFFF830  }
0x66: {  	[spmem:s2] =	stream.indirect.scatter.add.f32 [tilespmem:s24], [sflag:$0xC], $0x10, s21, s17, $0xb8;
	[tilespmem:$0xB600] =	vst v63  }
0x67: {  	s29 =	simm.s32 $0x380  }
0x68: {  	[tilespmem:s25], [sflag:$0x8] =	stream.indirect.gather [hbm4b:s4+s17], $0x10, s29, s17, $0xb8;
	[tilespmem:$0xB600] =	vst v63  }
0x69: {  	_ =	swait.ge [sflag:s28], $0x7D0  }
0x6a: {  	[sflag:s28] =	ssyncset.done $0x0  }
0x6b: {  	s5 =	simm.s32 $0x2A00;
	[sflag:s28] =	ssyncadd.s32 $0xFFFFF830  }
0x6c: {  	[spmem:s2] =	stream.indirect.scatter.add.f32 [tilespmem:s26], [sflag:$0xD], $0x10, s5, s17, $0xb8;
	[tilespmem:$0xB600] =	vst v63  }
0x6d: {  	_ =	swait.ge [sflag:s31], $0x7D0  }
0x6e: {  	[sflag:s31] =	ssyncset.done $0x0  }
0x6f: {  	s11 =	simm.s32 $0x400;
	s12 =	simm.s32 $0x6;
	[sflag:s31] =	ssyncadd.s32 $0xFFFFF830  }
0x70: {  	[tilespmem:s18], [sflag:$0x1] =	stream.indirect.gather [hbm4b:s4+s17], $0x10, s11, s17, $0xb8;
	[tilespmem:$0xB600] =	vst v63  }
0x71: {  	_ =	swait.ge [sflag:s12], $0x7D0  }
0x72: {  	[sflag:s12] =	ssyncset.done $0x0  }
0x73: {  	s21 =	simm.s32 $0x2A80;
	s29 =	simm.s32 $0xA;
	[sflag:s12] =	ssyncadd.s32 $0xFFFFF830  }
0x74: {  	[spmem:s2] =	stream.indirect.scatter.add.f32 [tilespmem:s30], [sflag:$0xE], $0x10, s21, s17, $0xb8;
	[tilespmem:$0xB600] =	vst v63  }
0x75: {  	_ =	swait.ge [sflag:s29], $0x7D0  }
0x76: {  	[sflag:s29] =	ssyncset.done $0x0  }
0x77: {  	s5 =	simm.s32 $0x480;
	[sflag:s29] =	ssyncadd.s32 $0xFFFFF830  }
0x78: {  	[tilespmem:s20], [sflag:$0x2] =	stream.indirect.gather [hbm4b:s4+s17], $0x10, s5, s17, $0xb8;
	[tilespmem:$0xB600] =	vst v63  }
0x79: {  	_ =	swait.ge [sflag:s23], $0x7D0  }
0x7a: {  	[sflag:s23] =	ssyncset.done $0x0  }
0x7b: {  	s11 =	simm.s32 $0x2B00;
	[sflag:s23] =	ssyncadd.s32 $0xFFFFF830  }
0x7c: {  	[spmem:s2] =	stream.indirect.scatter.add.f32 [tilespmem:s1], [sflag:$0xF], $0x10, s11, s17, $0xb8;
	[tilespmem:$0xB600] =	vst v63  }
0x7d: {  	_ =	swait.ge [sflag:s0], $0x7D0  }
0x7e: {  	[sflag:s0] =	ssyncset.done $0x0  }
0x7f: {  	s12 =	simm.s32 $0x500;
	[sflag:s0] =	ssyncadd.s32 $0xFFFFF830  }
0x80: {  	[tilespmem:s22], [sflag:$0x3] =	stream.indirect.gather [hbm4b:s4+s17], $0x10, s12, s17, $0xb8;
	[tilespmem:$0xB600] =	vst v63  }
0x81: {  	_ =	swait.ge [sflag:s6], $0x7D0  }
0x82: {  	[sflag:s6] =	ssyncset.done $0x0  }
0x83: {  	s21 =	simm.s32 $0x2B80;
	[sflag:s6] =	ssyncadd.s32 $0xFFFFF830  }
0x84: {  	[spmem:s2] =	stream.indirect.scatter.add.f32 [tilespmem:s25], [sflag:$0x10], $0x10, s21, s17, $0xb8;
	[tilespmem:$0xB600] =	vst v63  }
0x85: {  	_ =	swait.ge [sflag:s7], $0x7D0  }
0x86: {  	[sflag:s7] =	ssyncset.done $0x0  }
0x87: {  	s3 =	simm.s32 $0x0;
	s29 =	simm.s32 $0x580;
	[sflag:s7] =	ssyncadd.s32 $0xFFFFF830  }
0x88: {  	[tilespmem:s24], [sflag:$0x4] =	stream.indirect.gather [hbm4b:s4+s17], $0x10, s29, s17, $0xb8;
	[tilespmem:$0xB600] =	vst v63  }
.LBB2_2:
0x89: {  	_ =	swait.ge [sflag:s14], $0x7D0  }
0x8a: {  	s21 =	sshra.s32 s3, $0x2;
	[sflag:s14] =	ssyncset.done $0x0  }
0x8b: {  	s29 =	sadd.s32 $0x2C00, s21;
	[sflag:s14] =	ssyncadd.s32 $0xFFFFF830  }
0x8c: {  	[spmem:s2] =	stream.indirect.scatter.add.f32 [tilespmem:s18], [sflag:$0x9], $0x10, s29, s17, $0xb8;
	[tilespmem:$0xB600] =	vst v63  }
0x8d: {  	_ =	swait.ge [sflag:s8], $0x7D0  }
0x8e: {  	[sflag:s8] =	ssyncset.done $0x0  }
0x8f: {  	s29 =	sadd.s32 $0x600, s21;
	[sflag:s8] =	ssyncadd.s32 $0xFFFFF830  }
0x90: {  	[tilespmem:s26], [sflag:$0x5] =	stream.indirect.gather [hbm4b:s4+s17], $0x10, s29, s17, $0xb8;
	[tilespmem:$0xB600] =	vst v63  }
0x91: {  	_ =	swait.ge [sflag:s15], $0x7D0  }
0x92: {  	[sflag:s15] =	ssyncset.done $0x0  }
0x93: {  	s29 =	sadd.s32 $0x2C80, s21;
	[sflag:s15] =	ssyncadd.s32 $0xFFFFF830  }
0x94: {  	[spmem:s2] =	stream.indirect.scatter.add.f32 [tilespmem:s20], [sflag:$0xA], $0x10, s29, s17, $0xb8;
	[tilespmem:$0xB600] =	vst v63  }
0x95: {  	_ =	swait.ge [sflag:s13], $0x7D0  }
0x96: {  	[sflag:s13] =	ssyncset.done $0x0  }
0x97: {  	s29 =	sadd.s32 $0x680, s21;
	[sflag:s13] =	ssyncadd.s32 $0xFFFFF830  }
0x98: {  	[tilespmem:s30], [sflag:$0x6] =	stream.indirect.gather [hbm4b:s4+s17], $0x10, s29, s17, $0xb8;
	[tilespmem:$0xB600] =	vst v63  }
0x99: {  	_ =	swait.ge [sflag:s16], $0x7D0  }
0x9a: {  	[sflag:s16] =	ssyncset.done $0x0  }
0x9b: {  	s29 =	sadd.s32 $0x2D00, s21;
	[sflag:s16] =	ssyncadd.s32 $0xFFFFF830  }
0x9c: {  	[spmem:s2] =	stream.indirect.scatter.add.f32 [tilespmem:s22], [sflag:$0xB], $0x10, s29, s17, $0xb8;
	[tilespmem:$0xB600] =	vst v63  }
0x9d: {  	_ =	swait.ge [sflag:s9], $0x7D0  }
0x9e: {  	[sflag:s9] =	ssyncset.done $0x0  }
0x9f: {  	s29 =	sadd.s32 $0x700, s21;
	[sflag:s9] =	ssyncadd.s32 $0xFFFFF830  }
0xa0: {  	[tilespmem:s1], [sflag:$0x7] =	stream.indirect.gather [hbm4b:s4+s17], $0x10, s29, s17, $0xb8;
	[tilespmem:$0xB600] =	vst v63  }
0xa1: {  	_ =	swait.ge [sflag:s19], $0x7D0  }
0xa2: {  	[sflag:s19] =	ssyncset.done $0x0  }
0xa3: {  	s29 =	sadd.s32 $0x2D80, s21;
	[sflag:s19] =	ssyncadd.s32 $0xFFFFF830  }
0xa4: {  	[spmem:s2] =	stream.indirect.scatter.add.f32 [tilespmem:s24], [sflag:$0xC], $0x10, s29, s17, $0xb8;
	[tilespmem:$0xB600] =	vst v63  }
0xa5: {  	_ =	swait.ge [sflag:s10], $0x7D0  }
0xa6: {  	[sflag:s10] =	ssyncset.done $0x0  }
0xa7: {  	s29 =	sadd.s32 $0x780, s21;
	[sflag:s10] =	ssyncadd.s32 $0xFFFFF830  }
0xa8: {  	[tilespmem:s25], [sflag:$0x8] =	stream.indirect.gather [hbm4b:s4+s17], $0x10, s29, s17, $0xb8;
	[tilespmem:$0xB600] =	vst v63  }
0xa9: {  	_ =	swait.ge [sflag:s28], $0x7D0  }
0xaa: {  	[sflag:s28] =	ssyncset.done $0x0  }
0xab: {  	s29 =	sadd.s32 $0x2E00, s21;
	[sflag:s28] =	ssyncadd.s32 $0xFFFFF830  }
0xac: {  	[spmem:s2] =	stream.indirect.scatter.add.f32 [tilespmem:s26], [sflag:$0xD], $0x10, s29, s17, $0xb8;
	[tilespmem:$0xB600] =	vst v63  }
0xad: {  	_ =	swait.ge [sflag:s31], $0x7D0  }
0xae: {  	p0 =	seq.s32 s3, $0x8000;
	[sflag:s31] =	ssyncset.done $0x0  }
0xaf: {  	s29 =	simm.s32 @p0 $0x6;
	[sflag:s31] =	ssyncadd.s32 $0xFFFFF830  }
0xb0: {  	_ =	swait.ge @p0 [sflag:s29], $0x7D0  }
0xb1: {  	[sflag:s29] =	ssyncset.done @p0 $0x0  }
0xb2: {  	[sflag:s29] =	ssyncadd.s32 @p0 $0xFFFFF830;
	s29 =	sshra.s32 @p0 s3, $0x2  }
0xb3: {  	s11 =	simm.s32 @p0 $0x7D;
	s12 =	simm.s32 @p0 $0x9E90;
	s29 =	sadd.s32 @p0 $0x2E80, s29  }
0xb4: {  	[spmem:s2] =	stream.indirect.scatter.add.f32 @p0 [tilespmem:s12], [sflag:$0xE], $0x10, s29, s11, $0xb8;
	[tilespmem:$0xB600] =	vst v63  }
0xb5: {  	s11 =	simm.s32 @p0 $0xA  }
0xb6: {  	_ =	swait.ge @p0 [sflag:s11], $0x7D0  }
0xb7: {  	[sflag:s11] =	ssyncset.done @p0 $0x0  }
0xb8: {  	[sflag:s11] =	ssyncadd.s32 @p0 $0xFFFFF830;
	s11 =	sshra.s32 @!p0 s3, $0x2  }
0xb9: {  	s5 =	simm.s32 @!p0 $0x7780;
	s29 =	simm.s32 @!p0 $0x7D;
	s12 =	sadd.s32 @!p0 $0x800, s11  }
0xba: {  	[tilespmem:s5], [sflag:$0x1] =	stream.indirect.gather @!p0 [hbm4b:s4+s29], $0x10, s12, s29, $0xb8;
	[tilespmem:$0xB600] =	vst v63  }
0xbb: {  	s5 =	simm.s32 @!p0 $0x6  }
0xbc: {  	_ =	swait.ge @!p0 [sflag:s5], $0x7D0  }
0xbd: {  	[sflag:s5] =	ssyncset.done @!p0 $0x0  }
0xbe: {  	s12 =	simm.s32 @!p0 $0x9E90;
	[sflag:s5] =	ssyncadd.s32 @!p0 $0xFFFFF830;
	s5 =	sadd.s32 @!p0 $0x2E80, s11  }
0xbf: {  	[spmem:s2] =	stream.indirect.scatter.add.f32 @!p0 [tilespmem:s12], [sflag:$0xE], $0x10, s5, s29, $0xb8;
	[tilespmem:$0xB600] =	vst v63  }
0xc0: {  	s5 =	simm.s32 @!p0 $0xA  }
0xc1: {  	_ =	swait.ge @!p0 [sflag:s5], $0x7D0  }
0xc2: {  	[sflag:s5] =	ssyncset.done @!p0 $0x0  }
0xc3: {  	[sflag:s5] =	ssyncadd.s32 @!p0 $0xFFFFF830;
	s5 =	sadd.s32 @!p0 $0x880, s11;
	s11 =	simm.s32 @!p0 $0x7F50  }
0xc4: {  	[tilespmem:s11], [sflag:$0x2] =	stream.indirect.gather @!p0 [hbm4b:s4+s29], $0x10, s5, s29, $0xb8;
	[tilespmem:$0xB600] =	vst v63  }
0xc5: {  	_ =	swait.ge [sflag:s23], $0x7D0  }
0xc6: {  	[sflag:s23] =	ssyncset.done $0x0  }
.Ltmp2:
0xc7: {  	s12 =	sadd.s32 $0x2F00, s21;
	[sflag:s23] =	ssyncadd.s32 $0xFFFFF830;
	(pc) =	sbr.rel @p0 .LBB2_4-.Ltmp2, $4  }
0xc8: {  	[spmem:s2] =	stream.indirect.scatter.add.f32 [tilespmem:s1], [sflag:$0xF], $0x10, s12, s17, $0xb8;
	[tilespmem:$0xB600] =	vst v63  }
0xc9: {  	_ =	swait.ge [sflag:s0], $0x7D0  }
0xca: {  	[sflag:s0] =	ssyncset.done $0x0  }
0xcb: {  	s29 =	sadd.s32 $0x2F80, s21;
	[sflag:s0] =	ssyncadd.s32 $0xFFFFF830  }
0xcc: {  	s5 =	sadd.s32 $0x900, s21  }
0xcd: {  	[tilespmem:s22], [sflag:$0x3] =	stream.indirect.gather [hbm4b:s4+s17], $0x10, s5, s17, $0xb8;
	[tilespmem:$0xB600] =	vst v63  }
0xce: {  	_ =	swait.ge [sflag:s6], $0x7D0  }
0xcf: {  	[sflag:s6] =	ssyncset.done $0x0  }
0xd0: {  	[sflag:s6] =	ssyncadd.s32 $0xFFFFF830  }
0xd1: {  	[spmem:s2] =	stream.indirect.scatter.add.f32 [tilespmem:s25], [sflag:$0x10], $0x10, s29, s17, $0xb8;
	[tilespmem:$0xB600] =	vst v63  }
.Ltmp3:
0xd2: {  	_ = 	snop;
	(pc) =	sbr.rel .LBB2_2-.Ltmp3, $4  }
0xd3: {  	_ =	swait.ge [sflag:s7], $0x7D0  }
0xd4: {  	[sflag:s7] =	ssyncset.done $0x0  }
0xd5: {  	s3 =	sadd.s32 $0x1000, s3;
	s29 =	sadd.s32 $0x980, s21;
	[sflag:s7] =	ssyncadd.s32 $0xFFFFF830  }
0xd6: {  	[tilespmem:s24], [sflag:$0x4] =	stream.indirect.gather [hbm4b:s4+s17], $0x10, s29, s17, $0xb8;
	[tilespmem:$0xB600] =	vst v63  }
.LBB2_5:
0xd7: {  	_ =	sfence.sel $0x180000  }
0xd8: {  	[bflag:$0x0] =	sbarrier.arrive $0xFFFF  }
0xd9: {  	_ =	strace $0x90000047  }
0xda: {  	s0 =	stileid.u32;
	[bflag:$0x2] =	sbarrier.arrive $0xFFFF  }
0xdb: {  	p0 =	sne.s32 s0, $0x0;
	s0 =	rddreg [dreg:$0x2]  }
0xdc: {  	s0 =	sadd.s32 @!p0 $0x100000, s0  }
0xdd: {  	[sflag:s0] =	ssyncadd.tile.s32 @!p0 $0x1;
	_ =	shalt  }
.Lfunc_end2:
_tile_overlayer_lowered:
.L_overlay_start_2:
0xde: {  	(tag) =	ssettag $0x2  }
0xdf: {  	s0 =	rddreg [dreg:$0x0];
	s2 =	stileid.u32  }
0xe0: {  	s1 =	rddreg [dreg:$0x1];
	p0 =	sne.s32 s2, $0x0  }
0xe1: {  	s3 =	rddreg [dreg:$0x2];
	[bflag:$0x3] =	sbarrier.arrive $0xFFFF;
	s2 =	simm.s32 @!p0 $0x1C11  }
0xe2: {  	[timem:s3], [sflag:s2] =	dma.local @!p0 [hbm:s0], s1  }
0xe3: {  	s0 =	simm.s32 @!p0 $0x11  }
0xe4: {  	_ =	swait.ge @!p0 [sflag:s0], s1  }
0xe5: {  	s1 =	ssub.s32 @!p0 $0x0, s1;
	[sflag:s0] =	ssyncset.done @!p0 $0x0  }
0xe6: {  	[sflag:s0] =	ssyncadd.s32 @!p0 s1  }
0xe7: {  	[bflag:$0x3] =	sbarrier.arrive $0xFFFF  }
0xe8: {  	_ =	shalt  }

</sc_bundles>
